<compile_context>
chip_gen: v7x
topology: tpu7x:2x2x1
jax: 0.10.2.dev20260603
libtpu: 0.0.44.dev20260713+nightly
codegen_flags: <defaults>
</compile_context>

<pallas_src>
import functools

import jax
import jax.numpy as jnp
from jax import lax
from jax.experimental import pallas as pl
from jax.experimental.pallas import tpu as pltpu
from jax.experimental.pallas import tpu_sc as plsc

_N = 2048
_E = 65536
_SDIM = 256
_VDIM = 64
_EDIM = 16
_NG = 64
_NBT = 5
_TEXT = 272
_NKEY = _N * _N
_NBUCKET = 64
_NW = 32
_EPW = _E // _NW
_GW = 64
_KW = 2048


def _silu(x):
    return x * (1.0 / (1.0 + jnp.exp(-x)))


def _node_body(s_ref, v2_ref, p_ref, b_ref, j2_ref, i2_ref, wsh_ref, bsh_ref,
               wc_ref, wb_ref, bb_ref, w0_ref, b0_ref,
               text_ref, k2_ref, keff2_ref, rk2_ref, m_ref, c0_ref, wd_ref):
    s2 = _silu(lax.dot_general(s_ref[...], wsh_ref[...],
                               (((1,), (1,)), ((), ()))) + bsh_ref[...])
    w0c = w0_ref[...][:, :_SDIM]
    t = lax.dot_general(s2, w0c, (((1,), (1,)), ((), ())))

    v2 = v2_ref[...]
    wc = wc_ref[...]
    cl = [jnp.sum(v2[:, c * _VDIM:(c + 1) * _VDIM] * wc, axis=1, keepdims=True)
          for c in range(3)]
    cp = p_ref[...] + jnp.concatenate(cl, axis=1)

    oh = (lax.broadcasted_iota(jnp.int32, (_NG, _N), 0)
          == b_ref[...]).astype(jnp.float32)
    sums = lax.dot_general(oh, cp, (((1,), (0,)), ((), ())))
    cnt = jnp.sum(oh, axis=1, keepdims=True)
    mean = sums / jnp.maximum(cnt, 1.0)
    mg = lax.dot_general(oh, mean, (((0,), (0,)), ((), ())))
    c = cp - mg
    q = jnp.sum(c * c, axis=1, keepdims=True)
    text_ref[...] = jnp.concatenate(
        [t, q, c, jnp.zeros((_N, _TEXT - _SDIM - 4), jnp.float32)], axis=1)

    j2 = j2_ref[...]
    i2 = i2_ref[...]
    k2 = j2 * _N + i2
    rk2 = i2 * _N + j2
    lose = jnp.zeros(k2.shape, jnp.int32)
    for sft in range(1, 16):
        eq = (k2[:, sft:] == k2[:, :16 - sft]).astype(jnp.int32)
        lose = jnp.maximum(
            lose, jnp.concatenate(
                [eq, jnp.zeros((k2.shape[0], sft), jnp.int32)], axis=1))
    k2_ref[...] = k2
    rk2_ref[...] = rk2
    keff2_ref[...] = jnp.where(lose > 0, jnp.int32(0x7FFFFFFF), k2)

    m_ref[...] = lax.dot_general(wb_ref[...], w0c, (((0,), (1,)), ((), ())))
    c0_ref[...] = (b0_ref[...]
                   + lax.dot_general(bb_ref[...], w0c, (((1,), (1,)), ((), ()))))
    wd_ref[...] = jnp.reshape(w0_ref[...][:, _SDIM:], (1, _SDIM))


def _node_call(s, v2, p, b1x, j2, i2, wsh, bsh, wc, wb, bb, w0, b0):
    return pl.pallas_call(
        _node_body,
        out_shape=[
            jax.ShapeDtypeStruct((_N, _TEXT), jnp.float32),
            jax.ShapeDtypeStruct((_E // 16, 16), jnp.int32),
            jax.ShapeDtypeStruct((_E // 16, 16), jnp.int32),
            jax.ShapeDtypeStruct((_E // 16, 16), jnp.int32),
            jax.ShapeDtypeStruct((_EDIM, _SDIM), jnp.float32),
            jax.ShapeDtypeStruct((1, _SDIM), jnp.float32),
            jax.ShapeDtypeStruct((1, _SDIM), jnp.float32),
        ],
    )(s, v2, p, b1x, j2, i2, wsh, bsh, wc, wb, bb, w0, b0)


def _make_scatter():
    mesh = plsc.VectorSubcoreMesh(core_axis_name="c", subcore_axis_name="s")

    @functools.partial(
        pl.kernel, mesh=mesh,
        compiler_params=pltpu.CompilerParams(needs_layout_passes=False),
        out_type=jax.ShapeDtypeStruct((_NKEY,), jnp.int32),
        scratch_types=[
            pltpu.VMEM((_NKEY // _NBUCKET,), jnp.int32),
            pltpu.VMEM((_KW,), jnp.int32),
            pltpu.VMEM((_KW,), jnp.int32),
            pltpu.SemaphoreType.DMA,
            pltpu.SemaphoreType.DMA,
        ],
    )
    def scatter_k(keff_hbm, table_hbm, tab_v, kb0, kb1, s0, s1):
        wid = lax.axis_index("s") * 2 + lax.axis_index("c")
        bsz = _NKEY // _NBUCKET
        nwin = _E // _KW
        kbs = [kb0, kb1]
        sms = [s0, s1]
        for rnd in range(2):
            bucket = rnd * _NW + wid

            def zero_body(t, carry):
                for u in range(4):
                    tab_v[pl.ds((t * 4 + u) * 16, 16)] = jnp.zeros(
                        (16,), jnp.int32)
                return carry
            lax.fori_loop(0, bsz // 64, zero_body, 0)

            pltpu.async_copy(keff_hbm.at[pl.ds(0, _KW)], kbs[0], sms[0])

            def pair_body(it, carry):
                for phase in range(2):
                    w = it * 2 + phase
                    kb, sem = kbs[phase], sms[phase]
                    nkb, nsem = kbs[1 - phase], sms[1 - phase]
                    pltpu.make_async_copy(
                        keff_hbm.at[pl.ds(0, _KW)], kb, sem).wait()

                    @pl.when(w + 1 < nwin)
                    def _():
                        pltpu.async_copy(
                            keff_hbm.at[pl.ds((w + 1) * _KW, _KW)], nkb, nsem)

                    def vec_body(t, c2):
                        for u in range(4):
                            tt = t * 4 + u
                            kv = kb[pl.ds(tt * 16, 16)]
                            msk = lax.shift_right_logical(kv, 16) == bucket
                            lidx = lax.bitwise_and(kv, 0xFFFF)
                            ids = ((w * _KW + tt * 16 + 1)
                                   + lax.iota(jnp.int32, 16))
                            plsc.store_scatter(tab_v, [lidx], ids, mask=msk)
                        return c2
                    lax.fori_loop(0, _KW // 64, vec_body, 0)
                return carry
            lax.fori_loop(0, nwin // 2, pair_body, 0)
            pltpu.sync_copy(tab_v, table_hbm.at[pl.ds(bucket * bsz, bsz)])

    return scatter_k


def _make_gather():
    mesh = plsc.VectorSubcoreMesh(core_axis_name="c", subcore_axis_name="s")

    nwin = _EPW // _GW
    set_scratch = [
        pltpu.VMEM((_GW,), jnp.int32),
        pltpu.VMEM((_GW,), jnp.int32),
        pltpu.VMEM((_GW,), jnp.int32),
        pltpu.VMEM((_GW,), jnp.int32),
        pltpu.VMEM((_GW,), jnp.int32),
        pltpu.VMEM((_GW,), jnp.int32),
        pltpu.VMEM((_GW,), jnp.int32),
        pltpu.VMEM((_GW,), jnp.int32),
        pltpu.VMEM((_GW, _EDIM), jnp.float32),
        pltpu.VMEM((_GW, _EDIM), jnp.float32),
        pltpu.VMEM((_GW, _TEXT), jnp.float32),
        pltpu.VMEM((_GW, _TEXT), jnp.float32),
    ] + [pltpu.SemaphoreType.DMA] * 12

    @functools.partial(
        pl.kernel, mesh=mesh,
        compiler_params=pltpu.CompilerParams(use_tc_tiling_on_sc=False),
        out_type=[
            jax.ShapeDtypeStruct((_E, _EDIM), jnp.float32),
            jax.ShapeDtypeStruct((_E, _TEXT), jnp.float32),
        ],
        scratch_types=set_scratch + set_scratch,
    )
    def gather_k(table_hbm, keys_hbm, rkeys_hbm, i_hbm, j_hbm, epad_hbm,
                 text_hbm, esym_hbm, g_hbm, *scr):
        sets = [scr[:24], scr[24:]]
        wid = lax.axis_index("s") * 2 + lax.axis_index("c")
        wbase = wid * _EPW

        def issue_idx(w, p):
            b, sm = sets[p][:12], sets[p][12:]
            base = wbase + w * _GW
            pltpu.async_copy(keys_hbm.at[pl.ds(base, _GW)], b[0], sm[0])
            pltpu.async_copy(rkeys_hbm.at[pl.ds(base, _GW)], b[1], sm[1])
            pltpu.async_copy(i_hbm.at[pl.ds(base, _GW)], b[2], sm[2])
            pltpu.async_copy(j_hbm.at[pl.ds(base, _GW)], b[3], sm[3])

        def wait_idx(p):
            b, sm = sets[p][:12], sets[p][12:]
            for n in range(4):
                pltpu.make_async_copy(
                    keys_hbm.at[pl.ds(0, _GW)], b[n], sm[n]).wait()

        def issue_g1(p):
            b, sm = sets[p][:12], sets[p][12:]
            pltpu.async_copy(table_hbm.at[b[0]], b[4], sm[4])
            pltpu.async_copy(table_hbm.at[b[1]], b[5], sm[5])
            pltpu.async_copy(text_hbm.at[b[2]], b[10], sm[10])
            pltpu.async_copy(text_hbm.at[b[3]], b[11], sm[11])

        def wait_out(p):
            b, sm = sets[p][:12], sets[p][12:]
            pltpu.make_async_copy(
                b[9], esym_hbm.at[pl.ds(0, _GW)], sm[8]).wait()
            pltpu.make_async_copy(
                b[10], g_hbm.at[pl.ds(0, _GW)], sm[9]).wait()

        def c1(w, p):
            b, sm = sets[p][:12], sets[p][12:]
            pltpu.make_async_copy(
                table_hbm.at[pl.ds(0, _GW)], b[4], sm[4]).wait()
            pltpu.make_async_copy(
                table_hbm.at[pl.ds(0, _GW)], b[5], sm[5]).wait()
            base = wbase + w * _GW

            def idx_body(t, c2):
                f16 = b[4][pl.ds(t * 16, 16)] - 1
                b[6][pl.ds(t * 16, 16)] = f16
                r16 = b[5][pl.ds(t * 16, 16)]
                zr = _E + lax.bitwise_and(
                    base + t * 16 + lax.iota(jnp.int32, 16), 127)
                b[7][pl.ds(t * 16, 16)] = jnp.where(r16 > 0, r16 - 1, zr)
                return c2
            lax.fori_loop(0, _GW // 16, idx_body, 0)
            pltpu.async_copy(epad_hbm.at[b[6]], b[8], sm[6])
            pltpu.async_copy(epad_hbm.at[b[7]], b[9], sm[7])

        def c2(w, p):
            b, sm = sets[p][:12], sets[p][12:]
            pltpu.make_async_copy(
                epad_hbm.at[pl.ds(0, _GW)], b[8], sm[6]).wait()
            pltpu.make_async_copy(
                epad_hbm.at[pl.ds(0, _GW)], b[9], sm[7]).wait()
            pltpu.make_async_copy(
                text_hbm.at[pl.ds(0, _GW)], b[10], sm[10]).wait()
            pltpu.make_async_copy(
                text_hbm.at[pl.ds(0, _GW)], b[11], sm[11]).wait()

            def row_body(t, c3):
                b[9][t] = 0.5 * (b[8][t] + b[9][t])
                for c in range(_TEXT // 16):
                    b[10][t, pl.ds(c * 16, 16)] = (
                        b[10][t, pl.ds(c * 16, 16)]
                        + b[11][t, pl.ds(c * 16, 16)])
                return c3
            lax.fori_loop(0, _GW, row_body, 0)
            base = wbase + w * _GW
            pltpu.async_copy(b[9], esym_hbm.at[pl.ds(base, _GW)], sm[8])
            pltpu.async_copy(b[10], g_hbm.at[pl.ds(base, _GW)], sm[9])

        issue_idx(0, 0)
        wait_idx(0)
        issue_g1(0)

        def pair_body(it, carry):
            for phase in range(2):
                w = it * 2 + phase
                p = phase
                q = 1 - p

                @pl.when(w + 1 < nwin)
                def _():
                    issue_idx(w + 1, q)
                c1(w, p)

                @pl.when(w + 1 < nwin)
                def _():
                    @pl.when(w >= 1)
                    def _():
                        wait_out(q)
                    wait_idx(q)
                    issue_g1(q)
                c2(w, p)
            return carry
        lax.fori_loop(0, nwin // 2, pair_body, 0)
        wait_out(0)
        wait_out(1)

    return gather_k


def _edge_body(g_ref, es_ref, m_ref, c0_ref, wd_ref, w1_ref, b1_ref, o_ref):
    g = g_ref[...]
    ts = g[:, :_SDIM]
    sq = g[:, _SDIM:_SDIM + 1]
    sc = g[:, _SDIM + 1:_SDIM + 4]
    d = 2.0 * sq - jnp.sum(sc * sc, axis=1, keepdims=True)
    pre = (ts
           + lax.dot_general(es_ref[...], m_ref[...], (((1,), (0,)), ((), ())))
           + d * wd_ref[...] + c0_ref[...])
    h = _silu(pre)
    o_ref[...] = lax.dot_general(h, w1_ref[...],
                                 (((1,), (1,)), ((), ()))) + b1_ref[...]


def _edge_call(g, esym, m, c0, wd, w1, b1):
    blk = 1024
    return pl.pallas_call(
        _edge_body,
        grid=(_E // blk,),
        in_specs=[
            pl.BlockSpec((blk, _TEXT), lambda i: (i, 0)),
            pl.BlockSpec((blk, _EDIM), lambda i: (i, 0)),
            pl.BlockSpec((_EDIM, _SDIM), lambda i: (0, 0)),
            pl.BlockSpec((1, _SDIM), lambda i: (0, 0)),
            pl.BlockSpec((1, _SDIM), lambda i: (0, 0)),
            pl.BlockSpec((_NBT, _SDIM), lambda i: (0, 0)),
            pl.BlockSpec((1, _NBT), lambda i: (0, 0)),
        ],
        out_specs=pl.BlockSpec((blk, _NBT), lambda i: (i, 0)),
        out_shape=jax.ShapeDtypeStruct((_E, _NBT), jnp.float32),
    )(g, esym, m, c0, wd, w1, b1)


_scatter_call = _make_scatter()
_gather_call = _make_gather()


def kernel(s, v, p, e, batch, edge_index_global, W_shared, b_shared, W_bond,
           b_bond, W0, b0, W1, b1, Wc):
    ei = edge_index_global.astype(jnp.int32)
    j2 = ei[0].reshape(_E // 16, 16)
    i2 = ei[1].reshape(_E // 16, 16)
    v2 = v.reshape(_N, 3 * _VDIM)
    b1x = batch.astype(jnp.int32).reshape(1, _N)
    e_pad = jnp.concatenate([e, jnp.zeros((128, _EDIM), e.dtype)], axis=0)

    text, k2, keff2, rk2, m, c0, wd = _node_call(
        s, v2, p, b1x, j2, i2, W_shared, b_shared.reshape(1, _SDIM),
        Wc, W_bond, b_bond.reshape(1, _SDIM), W0, b0.reshape(1, _SDIM))

    keys = k2.reshape(_E)
    keff = keff2.reshape(_E)
    rkeys = rk2.reshape(_E)
    iidx = i2.reshape(_E)
    jidx = j2.reshape(_E)

    table = _scatter_call(keff)
    esym, g = _gather_call(table, keys, rkeys, iidx, jidx, e_pad, text)
    return _edge_call(g, esym, m, c0, wd, W1, b1.reshape(1, _NBT))

# --- scband reference (transcript-rebuilt; emitter-appended) ---
"""Pipeline reference for scband-edge-prediction-head-58815282151678 (READ-ONLY COPY).

The authoritative reference and input builder live on the scoring server;
editing this copy changes nothing except your own understanding.
"""

import jax, jax.numpy as jnp
import numpy as np

N = 2048
E = 65536
SDIM = 256
VDIM = 64
EDIM = 16
NG = 64
NBT = 5

def setup_inputs(seed: int = 0) -> dict:
    key = jax.random.key(seed)
    ks = [jax.random.fold_in(key, i) for i in range(16)]
    s = jax.random.normal(ks[0], (N, SDIM), dtype=jnp.float32)
    v = jax.random.normal(ks[1], (N, 3, VDIM), dtype=jnp.float32)
    p = jax.random.normal(ks[2], (N, 3), dtype=jnp.float32)
    e = jax.random.normal(ks[3], (E, EDIM), dtype=jnp.float32)
    batch = jnp.sort(jax.random.randint(ks[4], (N,), 0, NG)).astype(jnp.int64)
    edge_index_global = jax.random.randint(ks[5], (2, E), 0, N).astype(jnp.int64)
    W_shared = jax.random.normal(ks[6], (SDIM, SDIM), dtype=jnp.float32) / np.sqrt(SDIM)
    b_shared = jnp.zeros((SDIM,), dtype=jnp.float32)
    W_bond = jax.random.normal(ks[7], (SDIM, EDIM), dtype=jnp.float32) / np.sqrt(EDIM)
    b_bond = jnp.zeros((SDIM,), dtype=jnp.float32)
    W0 = jax.random.normal(ks[8], (SDIM, SDIM + 1), dtype=jnp.float32) / np.sqrt(SDIM + 1)
    b0 = jnp.zeros((SDIM,), dtype=jnp.float32)
    W1 = jax.random.normal(ks[9], (NBT, SDIM), dtype=jnp.float32) / np.sqrt(SDIM)
    b1 = jnp.zeros((NBT,), dtype=jnp.float32)
    Wc = jax.random.normal(ks[10], (1, VDIM), dtype=jnp.float32) / np.sqrt(VDIM)
    return {"s": s, "v": v, "p": p, "e": e, "batch": batch, "edge_index_global": edge_index_global,
            "W_shared": W_shared, "b_shared": b_shared, "W_bond": W_bond, "b_bond": b_bond,
            "W0": W0, "b0": b0, "W1": W1, "b1": b1, "Wc": Wc}

def reference(s, v, p, e, batch, edge_index_global, W_shared, b_shared, W_bond, b_bond, W0, b0, W1, b1, Wc):
    n = s.shape[0]
    # shared_mapping with SiLU activation
    s2 = jax.nn.silu(s @ W_shared.T + b_shared)
    j = edge_index_global[0]
    i = edge_index_global[1]
    # coords_lin: [n,3,vdim] -> [n,3,1] -> squeeze -> [n,3]
    coords_pred = jnp.squeeze(v @ Wc.T, axis=-1)
    coords_pred = p + coords_pred
    # scatter_mean over batch
    sums = jax.ops.segment_sum(coords_pred, batch, num_segments=NG)
    counts = jax.ops.segment_sum(jnp.ones((n, 1), dtype=coords_pred.dtype), batch, num_segments=NG)
    mean = sums / jnp.clip(counts, 1.0)
    coords_pred = coords_pred - mean[batch]
    # dense edge symmetrization: scatter-overwrite into n x n x edim then gather back
    e_dense = jnp.zeros((n, n, e.shape[-1]), dtype=e.dtype)
    e_dense = e_dense.at[j, i, :].set(e)
    e_dense = 0.5 * (e_dense + jnp.transpose(e_dense, (1, 0, 2)))
    e_sym = e_dense[j, i, :]
    d = jnp.sum((coords_pred[i] - coords_pred[j]) ** 2, axis=-1, keepdims=True)
    f = s2[i] + s2[j] + (e_sym @ W_bond.T + b_bond)
    edge = jnp.concatenate([f, d], axis=-1)
    h = jax.nn.silu(edge @ W0.T + b0)
    bonds_pred = h @ W1.T + b1
    return bonds_pred

if __name__ == "__main__":
    import jax
    _d = setup_inputs()
    print(jax.jit(kernel)(*tuple(_d.values())))

</pallas_src>

<mosaic_0001>
#map = affine_map<(d0, d1) -> (0)>
module attributes {stable_mosaic.version = 14 : i64} {
  func.func @scatter_k(%arg0: i32, %arg1: i32, %arg2: memref<65536xi32, #tpu.memory_space<hbm>>, %arg3: memref<4194304xi32, #tpu.memory_space<hbm>>, %arg4: memref<65536xi32, #tpu.memory_space<vmem>>, %arg5: memref<2048xi32, #tpu.memory_space<vmem>>, %arg6: memref<2048xi32, #tpu.memory_space<vmem>>, %arg7: memref<!tpu.dma_semaphore, #tpu.memory_space<semaphore_mem>>, %arg8: memref<!tpu.dma_semaphore, #tpu.memory_space<semaphore_mem>>) attributes {dimension_semantics = [#tpu.dimension_semantics<core_parallel>, #tpu.dimension_semantics<subcore_parallel>], iteration_bounds = array<i64: 2, 16>, scalar_prefetch = 0 : i64, scratch_operands = 5 : i64, tpu.core_type = #tpu.core_type<sc_vector_subcore>, window_params = [{transform_indices = #map}, {transform_indices = #map}]} {
    %mul3A = arith.constant 2 : i32
    %mul3A_0 = arith.muli %arg1, %mul3A : i32
    %add3A = arith.addi %mul3A_0, %arg0 : i32
    %add3A_1 = arith.constant 0 : i32
    %add3A_2 = arith.addi %add3A_1, %add3A : i32
    %scan3A = arith.constant 0 : i32
    %scan3A_3 = arith.constant 0 : i32
    %scan3A_4 = arith.constant 1024 : i32
    %scan3A_5 = arith.addi %scan3A_3, %scan3A_4 : i32
    %scan3A_6 = arith.constant 1 : i32
    scf.for %scan3A_39 = %scan3A_3 to %scan3A_5 step %scan3A_6  : i32 {
      %broadcast_in_dim3A = arith.constant 0 : i32
      %broadcast_in_dim3A_40 = vector.broadcast %broadcast_in_dim3A : i32 to vector<16xi32>
      %mul3A_41 = arith.constant 4 : i32
      %mul3A_42 = arith.muli %scan3A_39, %mul3A_41 : i32
      %add3A_43 = arith.constant 0 : i32
      %add3A_44 = arith.addi %mul3A_42, %add3A_43 : i32
      %mul3A_45 = arith.constant 16 : i32
      %mul3A_46 = arith.muli %add3A_44, %mul3A_45 : i32
      %swap3A = arith.index_cast %mul3A_46 : i32 to index
      %swap3A_47 = tpu.vector_load %arg4[%swap3A] {strides = array<i32>} : memref<65536xi32, #tpu.memory_space<vmem>>, vector<16xi32>,
      tpu.vector_store %arg4[%swap3A], %broadcast_in_dim3A_40 {strides = array<i32>} : memref<65536xi32, #tpu.memory_space<vmem>>, vector<16xi32>,
      %broadcast_in_dim3A_48 = arith.constant 0 : i32
      %broadcast_in_dim3A_49 = vector.broadcast %broadcast_in_dim3A_48 : i32 to vector<16xi32>
      %mul3A_50 = arith.constant 4 : i32
      %mul3A_51 = arith.muli %scan3A_39, %mul3A_50 : i32
      %add3A_52 = arith.constant 1 : i32
      %add3A_53 = arith.addi %mul3A_51, %add3A_52 : i32
      %mul3A_54 = arith.constant 16 : i32
      %mul3A_55 = arith.muli %add3A_53, %mul3A_54 : i32
      %swap3A_56 = arith.index_cast %mul3A_55 : i32 to index
      %swap3A_57 = tpu.vector_load %arg4[%swap3A_56] {strides = array<i32>} : memref<65536xi32, #tpu.memory_space<vmem>>, vector<16xi32>,
      tpu.vector_store %arg4[%swap3A_56], %broadcast_in_dim3A_49 {strides = array<i32>} : memref<65536xi32, #tpu.memory_space<vmem>>, vector<16xi32>,
      %broadcast_in_dim3A_58 = arith.constant 0 : i32
      %broadcast_in_dim3A_59 = vector.broadcast %broadcast_in_dim3A_58 : i32 to vector<16xi32>
      %mul3A_60 = arith.constant 4 : i32
      %mul3A_61 = arith.muli %scan3A_39, %mul3A_60 : i32
      %add3A_62 = arith.constant 2 : i32
      %add3A_63 = arith.addi %mul3A_61, %add3A_62 : i32
      %mul3A_64 = arith.constant 16 : i32
      %mul3A_65 = arith.muli %add3A_63, %mul3A_64 : i32
      %swap3A_66 = arith.index_cast %mul3A_65 : i32 to index
      %swap3A_67 = tpu.vector_load %arg4[%swap3A_66] {strides = array<i32>} : memref<65536xi32, #tpu.memory_space<vmem>>, vector<16xi32>,
      tpu.vector_store %arg4[%swap3A_66], %broadcast_in_dim3A_59 {strides = array<i32>} : memref<65536xi32, #tpu.memory_space<vmem>>, vector<16xi32>,
      %broadcast_in_dim3A_68 = arith.constant 0 : i32
      %broadcast_in_dim3A_69 = vector.broadcast %broadcast_in_dim3A_68 : i32 to vector<16xi32>
      %mul3A_70 = arith.constant 4 : i32
      %mul3A_71 = arith.muli %scan3A_39, %mul3A_70 : i32
      %add3A_72 = arith.constant 3 : i32
      %add3A_73 = arith.addi %mul3A_71, %add3A_72 : i32
      %mul3A_74 = arith.constant 16 : i32
      %mul3A_75 = arith.muli %add3A_73, %mul3A_74 : i32
      %swap3A_76 = arith.index_cast %mul3A_75 : i32 to index
      %swap3A_77 = tpu.vector_load %arg4[%swap3A_76] {strides = array<i32>} : memref<65536xi32, #tpu.memory_space<vmem>>, vector<16xi32>,
      tpu.vector_store %arg4[%swap3A_76], %broadcast_in_dim3A_69 {strides = array<i32>} : memref<65536xi32, #tpu.memory_space<vmem>>, vector<16xi32>,
    }
    %scan3A_7 = arith.constant 1024 : i32
    %dma_start3A = arith.constant 0 : i32
    %dma_start3A_8 = tpu.memref_slice %arg2[%dma_start3A] : memref<65536xi32, #tpu.memory_space<hbm>> -> memref<2048xi32, #tpu.memory_space<hbm>>
    %dma_start3A_9 = arith.constant 0 : i32
    %dma_start3A_10 = tpu.memref_slice %arg2[%dma_start3A_9] : memref<65536xi32, #tpu.memory_space<hbm>> -> memref<2048xi32, #tpu.memory_space<hbm>>
    tpu.enqueue_dma source(%dma_start3A_10 : memref<2048xi32, #tpu.memory_space<hbm>>) target(%arg5 : memref<2048xi32, #tpu.memory_space<vmem>>) target_semaphore(%arg7 : memref<!tpu.dma_semaphore, #tpu.memory_space<semaphore_mem>>)
    %scan3A_11 = arith.constant 0 : i32
    %scan3A_12 = arith.constant 0 : i32
    %scan3A_13 = arith.constant 16 : i32
    %scan3A_14 = arith.addi %scan3A_12, %scan3A_13 : i32
    %scan3A_15 = arith.constant 1 : i32
    scf.for %scan3A_39 = %scan3A_12 to %scan3A_14 step %scan3A_15  : i32 {
      %mul3A_40 = arith.constant 2 : i32
      %mul3A_41 = arith.muli %scan3A_39, %mul3A_40 : i32
      %add3A_42 = arith.constant 0 : i32
      %add3A_43 = arith.addi %mul3A_41, %add3A_42 : i32
      %dma_wait3A = arith.constant 0 : i32
      %dma_wait3A_44 = tpu.memref_slice %arg2[%dma_wait3A] : memref<65536xi32, #tpu.memory_space<hbm>> -> memref<2048xi32, #tpu.memory_space<hbm>>
      %dma_wait3A_45 = arith.constant 0 : i32
      %dma_wait3A_46 = tpu.memref_slice %arg2[%dma_wait3A_45] : memref<65536xi32, #tpu.memory_space<hbm>> -> memref<2048xi32, #tpu.memory_space<hbm>>
      tpu.wait_dma2 semaphore(%arg7 : memref<!tpu.dma_semaphore, #tpu.memory_space<semaphore_mem>>) src(%dma_wait3A_46 : memref<2048xi32, #tpu.memory_space<hbm>>) dst(%arg5 : memref<2048xi32, #tpu.memory_space<vmem>>)
      %add3A_47 = arith.constant 1 : i32
      %add3A_48 = arith.addi %add3A_43, %add3A_47 : i32
      %lt3A = arith.constant 32 : i32
      %lt3A_49 = arith.cmpi slt, %add3A_48, %lt3A : i32
      %convert_element_type3A = arith.extui %lt3A_49 : i1 to i32
      %cond3A = arith.constant 0 : i32
      %cond3A_50 = arith.cmpi ne, %convert_element_type3A, %cond3A : i32
      scf.if %cond3A_50 {
        %add3A_78 = arith.constant 1 : i32
        %add3A_79 = arith.addi %add3A_43, %add3A_78 : i32
        %mul3A_80 = arith.constant 2048 : i32
        %mul3A_81 = arith.muli %add3A_79, %mul3A_80 : i32
        %dma_start3A_82 = tpu.memref_slice %arg2[%mul3A_81] : memref<65536xi32, #tpu.memory_space<hbm>> -> memref<2048xi32, #tpu.memory_space<hbm>>
        %dma_start3A_83 = tpu.memref_slice %arg2[%mul3A_81] : memref<65536xi32, #tpu.memory_space<hbm>> -> memref<2048xi32, #tpu.memory_space<hbm>>
        tpu.enqueue_dma source(%dma_start3A_83 : memref<2048xi32, #tpu.memory_space<hbm>>) target(%arg6 : memref<2048xi32, #tpu.memory_space<vmem>>) target_semaphore(%arg8 : memref<!tpu.dma_semaphore, #tpu.memory_space<semaphore_mem>>)
      } else {
      }
      %scan3A_51 = arith.constant 0 : i32
      %scan3A_52 = arith.constant 0 : i32
      %scan3A_53 = arith.constant 32 : i32
      %scan3A_54 = arith.addi %scan3A_52, %scan3A_53 : i32
      %scan3A_55 = arith.constant 1 : i32
      scf.for %scan3A_78 = %scan3A_52 to %scan3A_54 step %scan3A_55  : i32 {
        %mul3A_79 = arith.constant 4 : i32
        %mul3A_80 = arith.muli %scan3A_78, %mul3A_79 : i32
        %add3A_81 = arith.constant 0 : i32
        %add3A_82 = arith.addi %mul3A_80, %add3A_81 : i32
        %mul3A_83 = arith.constant 16 : i32
        %mul3A_84 = arith.muli %add3A_82, %mul3A_83 : i32
        %get3A = arith.index_cast %mul3A_84 : i32 to index
        %get3A_85 = tpu.vector_load %arg5[%get3A] {strides = array<i32>} : memref<2048xi32, #tpu.memory_space<vmem>>, vector<16xi32>,
        %shift_right_logical3A = arith.constant 16 : i32
        %shift_right_logical3A_86 = vector.broadcast %shift_right_logical3A : i32 to vector<16xi32>
        %shift_right_logical3A_87 = arith.shrui %get3A_85, %shift_right_logical3A_86 : vector<16xi32>
        %eq3A = vector.broadcast %add3A_2 : i32 to vector<16xi32>
        %eq3A_88 = arith.cmpi eq, %shift_right_logical3A_87, %eq3A : vector<16xi32>
        %and3A = arith.constant 65535 : i32
        %and3A_89 = vector.broadcast %and3A : i32 to vector<16xi32>
        %and3A_90 = arith.andi %get3A_85, %and3A_89 : vector<16xi32>
        %mul3A_91 = arith.constant 2048 : i32
        %mul3A_92 = arith.muli %add3A_43, %mul3A_91 : i32
        %mul3A_93 = arith.constant 16 : i32
        %mul3A_94 = arith.muli %add3A_82, %mul3A_93 : i32
        %add3A_95 = arith.addi %mul3A_92, %mul3A_94 : i32
        %add3A_96 = arith.constant 1 : i32
        %add3A_97 = arith.addi %add3A_95, %add3A_96 : i32
        %iota3A = tpu.iota {dimensions = array<i32: 0>} : vector<16xi32>
        %add3A_98 = vector.broadcast %add3A_97 : i32 to vector<16xi32>
        %add3A_99 = arith.addi %add3A_98, %iota3A : vector<16xi32>
        tpu.vector_store_idx %arg4[%and3A_90], %add3A_99 masked %eq3A_88 : memref<65536xi32, #tpu.memory_space<vmem>>[vector<16xi32>], vector<16xi32>, vector<16xi1>
        %mul3A_100 = arith.constant 4 : i32
        %mul3A_101 = arith.muli %scan3A_78, %mul3A_100 : i32
        %add3A_102 = arith.constant 1 : i32
        %add3A_103 = arith.addi %mul3A_101, %add3A_102 : i32
        %mul3A_104 = arith.constant 16 : i32
        %mul3A_105 = arith.muli %add3A_103, %mul3A_104 : i32
        %get3A_106 = arith.index_cast %mul3A_105 : i32 to index
        %get3A_107 = tpu.vector_load %arg5[%get3A_106] {strides = array<i32>} : memref<2048xi32, #tpu.memory_space<vmem>>, vector<16xi32>,
        %shift_right_logical3A_108 = arith.constant 16 : i32
        %shift_right_logical3A_109 = vector.broadcast %shift_right_logical3A_108 : i32 to vector<16xi32>
        %shift_right_logical3A_110 = arith.shrui %get3A_107, %shift_right_logical3A_109 : vector<16xi32>
        %eq3A_111 = vector.broadcast %add3A_2 : i32 to vector<16xi32>
        %eq3A_112 = arith.cmpi eq, %shift_right_logical3A_110, %eq3A_111 : vector<16xi32>
        %and3A_113 = arith.constant 65535 : i32
        %and3A_114 = vector.broadcast %and3A_113 : i32 to vector<16xi32>
        %and3A_115 = arith.andi %get3A_107, %and3A_114 : vector<16xi32>
        %mul3A_116 = arith.constant 2048 : i32
        %mul3A_117 = arith.muli %add3A_43, %mul3A_116 : i32
        %mul3A_118 = arith.constant 16 : i32
        %mul3A_119 = arith.muli %add3A_103, %mul3A_118 : i32
        %add3A_120 = arith.addi %mul3A_117, %mul3A_119 : i32
        %add3A_121 = arith.constant 1 : i32
        %add3A_122 = arith.addi %add3A_120, %add3A_121 : i32
        %iota3A_123 = tpu.iota {dimensions = array<i32: 0>} : vector<16xi32>
        %add3A_124 = vector.broadcast %add3A_122 : i32 to vector<16xi32>
        %add3A_125 = arith.addi %add3A_124, %iota3A_123 : vector<16xi32>
        tpu.vector_store_idx %arg4[%and3A_115], %add3A_125 masked %eq3A_112 : memref<65536xi32, #tpu.memory_space<vmem>>[vector<16xi32>], vector<16xi32>, vector<16xi1>
        %mul3A_126 = arith.constant 4 : i32
        %mul3A_127 = arith.muli %scan3A_78, %mul3A_126 : i32
        %add3A_128 = arith.constant 2 : i32
        %add3A_129 = arith.addi %mul3A_127, %add3A_128 : i32
        %mul3A_130 = arith.constant 16 : i32
        %mul3A_131 = arith.muli %add3A_129, %mul3A_130 : i32
        %get3A_132 = arith.index_cast %mul3A_131 : i32 to index
        %get3A_133 = tpu.vector_load %arg5[%get3A_132] {strides = array<i32>} : memref<2048xi32, #tpu.memory_space<vmem>>, vector<16xi32>,
        %shift_right_logical3A_134 = arith.constant 16 : i32
        %shift_right_logical3A_135 = vector.broadcast %shift_right_logical3A_134 : i32 to vector<16xi32>
        %shift_right_logical3A_136 = arith.shrui %get3A_133, %shift_right_logical3A_135 : vector<16xi32>
        %eq3A_137 = vector.broadcast %add3A_2 : i32 to vector<16xi32>
        %eq3A_138 = arith.cmpi eq, %shift_right_logical3A_136, %eq3A_137 : vector<16xi32>
        %and3A_139 = arith.constant 65535 : i32
        %and3A_140 = vector.broadcast %and3A_139 : i32 to vector<16xi32>
        %and3A_141 = arith.andi %get3A_133, %and3A_140 : vector<16xi32>
        %mul3A_142 = arith.constant 2048 : i32
        %mul3A_143 = arith.muli %add3A_43, %mul3A_142 : i32
        %mul3A_144 = arith.constant 16 : i32
        %mul3A_145 = arith.muli %add3A_129, %mul3A_144 : i32
        %add3A_146 = arith.addi %mul3A_143, %mul3A_145 : i32
        %add3A_147 = arith.constant 1 : i32
        %add3A_148 = arith.addi %add3A_146, %add3A_147 : i32
        %iota3A_149 = tpu.iota {dimensions = array<i32: 0>} : vector<16xi32>
        %add3A_150 = vector.broadcast %add3A_148 : i32 to vector<16xi32>
        %add3A_151 = arith.addi %add3A_150, %iota3A_149 : vector<16xi32>
        tpu.vector_store_idx %arg4[%and3A_141], %add3A_151 masked %eq3A_138 : memref<65536xi32, #tpu.memory_space<vmem>>[vector<16xi32>], vector<16xi32>, vector<16xi1>
        %mul3A_152 = arith.constant 4 : i32
        %mul3A_153 = arith.muli %scan3A_78, %mul3A_152 : i32
        %add3A_154 = arith.constant 3 : i32
        %add3A_155 = arith.addi %mul3A_153, %add3A_154 : i32
        %mul3A_156 = arith.constant 16 : i32
        %mul3A_157 = arith.muli %add3A_155, %mul3A_156 : i32
        %get3A_158 = arith.index_cast %mul3A_157 : i32 to index
        %get3A_159 = tpu.vector_load %arg5[%get3A_158] {strides = array<i32>} : memref<2048xi32, #tpu.memory_space<vmem>>, vector<16xi32>,
        %shift_right_logical3A_160 = arith.constant 16 : i32
        %shift_right_logical3A_161 = vector.broadcast %shift_right_logical3A_160 : i32 to vector<16xi32>
        %shift_right_logical3A_162 = arith.shrui %get3A_159, %shift_right_logical3A_161 : vector<16xi32>
        %eq3A_163 = vector.broadcast %add3A_2 : i32 to vector<16xi32>
        %eq3A_164 = arith.cmpi eq, %shift_right_logical3A_162, %eq3A_163 : vector<16xi32>
        %and3A_165 = arith.constant 65535 : i32
        %and3A_166 = vector.broadcast %and3A_165 : i32 to vector<16xi32>
        %and3A_167 = arith.andi %get3A_159, %and3A_166 : vector<16xi32>
        %mul3A_168 = arith.constant 2048 : i32
        %mul3A_169 = arith.muli %add3A_43, %mul3A_168 : i32
        %mul3A_170 = arith.constant 16 : i32
        %mul3A_171 = arith.muli %add3A_155, %mul3A_170 : i32
        %add3A_172 = arith.addi %mul3A_169, %mul3A_171 : i32
        %add3A_173 = arith.constant 1 : i32
        %add3A_174 = arith.addi %add3A_172, %add3A_173 : i32
        %iota3A_175 = tpu.iota {dimensions = array<i32: 0>} : vector<16xi32>
        %add3A_176 = vector.broadcast %add3A_174 : i32 to vector<16xi32>
        %add3A_177 = arith.addi %add3A_176, %iota3A_175 : vector<16xi32>
        tpu.vector_store_idx %arg4[%and3A_167], %add3A_177 masked %eq3A_164 : memref<65536xi32, #tpu.memory_space<vmem>>[vector<16xi32>], vector<16xi32>, vector<16xi1>
      }
      %scan3A_56 = arith.constant 32 : i32
      %mul3A_57 = arith.constant 2 : i32
      %mul3A_58 = arith.muli %scan3A_39, %mul3A_57 : i32
      %add3A_59 = arith.constant 1 : i32
      %add3A_60 = arith.addi %mul3A_58, %add3A_59 : i32
      %dma_wait3A_61 = arith.constant 0 : i32
      %dma_wait3A_62 = tpu.memref_slice %arg2[%dma_wait3A_61] : memref<65536xi32, #tpu.memory_space<hbm>> -> memref<2048xi32, #tpu.memory_space<hbm>>
      %dma_wait3A_63 = arith.constant 0 : i32
      %dma_wait3A_64 = tpu.memref_slice %arg2[%dma_wait3A_63] : memref<65536xi32, #tpu.memory_space<hbm>> -> memref<2048xi32, #tpu.memory_space<hbm>>
      tpu.wait_dma2 semaphore(%arg8 : memref<!tpu.dma_semaphore, #tpu.memory_space<semaphore_mem>>) src(%dma_wait3A_64 : memref<2048xi32, #tpu.memory_space<hbm>>) dst(%arg6 : memref<2048xi32, #tpu.memory_space<vmem>>)
      %add3A_65 = arith.constant 1 : i32
      %add3A_66 = arith.addi %add3A_60, %add3A_65 : i32
      %lt3A_67 = arith.constant 32 : i32
      %lt3A_68 = arith.cmpi slt, %add3A_66, %lt3A_67 : i32
      %convert_element_type3A_69 = arith.extui %lt3A_68 : i1 to i32
      %cond3A_70 = arith.constant 0 : i32
      %cond3A_71 = arith.cmpi ne, %convert_element_type3A_69, %cond3A_70 : i32
      scf.if %cond3A_71 {
        %add3A_78 = arith.constant 1 : i32
        %add3A_79 = arith.addi %add3A_60, %add3A_78 : i32
        %mul3A_80 = arith.constant 2048 : i32
        %mul3A_81 = arith.muli %add3A_79, %mul3A_80 : i32
        %dma_start3A_82 = tpu.memref_slice %arg2[%mul3A_81] : memref<65536xi32, #tpu.memory_space<hbm>> -> memref<2048xi32, #tpu.memory_space<hbm>>
        %dma_start3A_83 = tpu.memref_slice %arg2[%mul3A_81] : memref<65536xi32, #tpu.memory_space<hbm>> -> memref<2048xi32, #tpu.memory_space<hbm>>
        tpu.enqueue_dma source(%dma_start3A_83 : memref<2048xi32, #tpu.memory_space<hbm>>) target(%arg5 : memref<2048xi32, #tpu.memory_space<vmem>>) target_semaphore(%arg7 : memref<!tpu.dma_semaphore, #tpu.memory_space<semaphore_mem>>)
      } else {
      }
      %scan3A_72 = arith.constant 0 : i32
      %scan3A_73 = arith.constant 0 : i32
      %scan3A_74 = arith.constant 32 : i32
      %scan3A_75 = arith.addi %scan3A_73, %scan3A_74 : i32
      %scan3A_76 = arith.constant 1 : i32
      scf.for %scan3A_78 = %scan3A_73 to %scan3A_75 step %scan3A_76  : i32 {
        %mul3A_79 = arith.constant 4 : i32
        %mul3A_80 = arith.muli %scan3A_78, %mul3A_79 : i32
        %add3A_81 = arith.constant 0 : i32
        %add3A_82 = arith.addi %mul3A_80, %add3A_81 : i32
        %mul3A_83 = arith.constant 16 : i32
        %mul3A_84 = arith.muli %add3A_82, %mul3A_83 : i32
        %get3A = arith.index_cast %mul3A_84 : i32 to index
        %get3A_85 = tpu.vector_load %arg6[%get3A] {strides = array<i32>} : memref<2048xi32, #tpu.memory_space<vmem>>, vector<16xi32>,
        %shift_right_logical3A = arith.constant 16 : i32
        %shift_right_logical3A_86 = vector.broadcast %shift_right_logical3A : i32 to vector<16xi32>
        %shift_right_logical3A_87 = arith.shrui %get3A_85, %shift_right_logical3A_86 : vector<16xi32>
        %eq3A = vector.broadcast %add3A_2 : i32 to vector<16xi32>
        %eq3A_88 = arith.cmpi eq, %shift_right_logical3A_87, %eq3A : vector<16xi32>
        %and3A = arith.constant 65535 : i32
        %and3A_89 = vector.broadcast %and3A : i32 to vector<16xi32>
        %and3A_90 = arith.andi %get3A_85, %and3A_89 : vector<16xi32>
        %mul3A_91 = arith.constant 2048 : i32
        %mul3A_92 = arith.muli %add3A_60, %mul3A_91 : i32
        %mul3A_93 = arith.constant 16 : i32
        %mul3A_94 = arith.muli %add3A_82, %mul3A_93 : i32
        %add3A_95 = arith.addi %mul3A_92, %mul3A_94 : i32
        %add3A_96 = arith.constant 1 : i32
        %add3A_97 = arith.addi %add3A_95, %add3A_96 : i32
        %iota3A = tpu.iota {dimensions = array<i32: 0>} : vector<16xi32>
        %add3A_98 = vector.broadcast %add3A_97 : i32 to vector<16xi32>
        %add3A_99 = arith.addi %add3A_98, %iota3A : vector<16xi32>
        tpu.vector_store_idx %arg4[%and3A_90], %add3A_99 masked %eq3A_88 : memref<65536xi32, #tpu.memory_space<vmem>>[vector<16xi32>], vector<16xi32>, vector<16xi1>
        %mul3A_100 = arith.constant 4 : i32
        %mul3A_101 = arith.muli %scan3A_78, %mul3A_100 : i32
        %add3A_102 = arith.constant 1 : i32
        %add3A_103 = arith.addi %mul3A_101, %add3A_102 : i32
        %mul3A_104 = arith.constant 16 : i32
        %mul3A_105 = arith.muli %add3A_103, %mul3A_104 : i32
        %get3A_106 = arith.index_cast %mul3A_105 : i32 to index
        %get3A_107 = tpu.vector_load %arg6[%get3A_106] {strides = array<i32>} : memref<2048xi32, #tpu.memory_space<vmem>>, vector<16xi32>,
        %shift_right_logical3A_108 = arith.constant 16 : i32
        %shift_right_logical3A_109 = vector.broadcast %shift_right_logical3A_108 : i32 to vector<16xi32>
        %shift_right_logical3A_110 = arith.shrui %get3A_107, %shift_right_logical3A_109 : vector<16xi32>
        %eq3A_111 = vector.broadcast %add3A_2 : i32 to vector<16xi32>
        %eq3A_112 = arith.cmpi eq, %shift_right_logical3A_110, %eq3A_111 : vector<16xi32>
        %and3A_113 = arith.constant 65535 : i32
        %and3A_114 = vector.broadcast %and3A_113 : i32 to vector<16xi32>
        %and3A_115 = arith.andi %get3A_107, %and3A_114 : vector<16xi32>
        %mul3A_116 = arith.constant 2048 : i32
        %mul3A_117 = arith.muli %add3A_60, %mul3A_116 : i32
        %mul3A_118 = arith.constant 16 : i32
        %mul3A_119 = arith.muli %add3A_103, %mul3A_118 : i32
        %add3A_120 = arith.addi %mul3A_117, %mul3A_119 : i32
        %add3A_121 = arith.constant 1 : i32
        %add3A_122 = arith.addi %add3A_120, %add3A_121 : i32
        %iota3A_123 = tpu.iota {dimensions = array<i32: 0>} : vector<16xi32>
        %add3A_124 = vector.broadcast %add3A_122 : i32 to vector<16xi32>
        %add3A_125 = arith.addi %add3A_124, %iota3A_123 : vector<16xi32>
        tpu.vector_store_idx %arg4[%and3A_115], %add3A_125 masked %eq3A_112 : memref<65536xi32, #tpu.memory_space<vmem>>[vector<16xi32>], vector<16xi32>, vector<16xi1>
        %mul3A_126 = arith.constant 4 : i32
        %mul3A_127 = arith.muli %scan3A_78, %mul3A_126 : i32
        %add3A_128 = arith.constant 2 : i32
        %add3A_129 = arith.addi %mul3A_127, %add3A_128 : i32
        %mul3A_130 = arith.constant 16 : i32
        %mul3A_131 = arith.muli %add3A_129, %mul3A_130 : i32
        %get3A_132 = arith.index_cast %mul3A_131 : i32 to index
        %get3A_133 = tpu.vector_load %arg6[%get3A_132] {strides = array<i32>} : memref<2048xi32, #tpu.memory_space<vmem>>, vector<16xi32>,
        %shift_right_logical3A_134 = arith.constant 16 : i32
        %shift_right_logical3A_135 = vector.broadcast %shift_right_logical3A_134 : i32 to vector<16xi32>
        %shift_right_logical3A_136 = arith.shrui %get3A_133, %shift_right_logical3A_135 : vector<16xi32>
        %eq3A_137 = vector.broadcast %add3A_2 : i32 to vector<16xi32>
        %eq3A_138 = arith.cmpi eq, %shift_right_logical3A_136, %eq3A_137 : vector<16xi32>
        %and3A_139 = arith.constant 65535 : i32
        %and3A_140 = vector.broadcast %and3A_139 : i32 to vector<16xi32>
        %and3A_141 = arith.andi %get3A_133, %and3A_140 : vector<16xi32>
        %mul3A_142 = arith.constant 2048 : i32
        %mul3A_143 = arith.muli %add3A_60, %mul3A_142 : i32
        %mul3A_144 = arith.constant 16 : i32
        %mul3A_145 = arith.muli %add3A_129, %mul3A_144 : i32
        %add3A_146 = arith.addi %mul3A_143, %mul3A_145 : i32
        %add3A_147 = arith.constant 1 : i32
        %add3A_148 = arith.addi %add3A_146, %add3A_147 : i32
        %iota3A_149 = tpu.iota {dimensions = array<i32: 0>} : vector<16xi32>
        %add3A_150 = vector.broadcast %add3A_148 : i32 to vector<16xi32>
        %add3A_151 = arith.addi %add3A_150, %iota3A_149 : vector<16xi32>
        tpu.vector_store_idx %arg4[%and3A_141], %add3A_151 masked %eq3A_138 : memref<65536xi32, #tpu.memory_space<vmem>>[vector<16xi32>], vector<16xi32>, vector<16xi1>
        %mul3A_152 = arith.constant 4 : i32
        %mul3A_153 = arith.muli %scan3A_78, %mul3A_152 : i32
        %add3A_154 = arith.constant 3 : i32
        %add3A_155 = arith.addi %mul3A_153, %add3A_154 : i32
        %mul3A_156 = arith.constant 16 : i32
        %mul3A_157 = arith.muli %add3A_155, %mul3A_156 : i32
        %get3A_158 = arith.index_cast %mul3A_157 : i32 to index
        %get3A_159 = tpu.vector_load %arg6[%get3A_158] {strides = array<i32>} : memref<2048xi32, #tpu.memory_space<vmem>>, vector<16xi32>,
        %shift_right_logical3A_160 = arith.constant 16 : i32
        %shift_right_logical3A_161 = vector.broadcast %shift_right_logical3A_160 : i32 to vector<16xi32>
        %shift_right_logical3A_162 = arith.shrui %get3A_159, %shift_right_logical3A_161 : vector<16xi32>
        %eq3A_163 = vector.broadcast %add3A_2 : i32 to vector<16xi32>
        %eq3A_164 = arith.cmpi eq, %shift_right_logical3A_162, %eq3A_163 : vector<16xi32>
        %and3A_165 = arith.constant 65535 : i32
        %and3A_166 = vector.broadcast %and3A_165 : i32 to vector<16xi32>
        %and3A_167 = arith.andi %get3A_159, %and3A_166 : vector<16xi32>
        %mul3A_168 = arith.constant 2048 : i32
        %mul3A_169 = arith.muli %add3A_60, %mul3A_168 : i32
        %mul3A_170 = arith.constant 16 : i32
        %mul3A_171 = arith.muli %add3A_155, %mul3A_170 : i32
        %add3A_172 = arith.addi %mul3A_169, %mul3A_171 : i32
        %add3A_173 = arith.constant 1 : i32
        %add3A_174 = arith.addi %add3A_172, %add3A_173 : i32
        %iota3A_175 = tpu.iota {dimensions = array<i32: 0>} : vector<16xi32>
        %add3A_176 = vector.broadcast %add3A_174 : i32 to vector<16xi32>
        %add3A_177 = arith.addi %add3A_176, %iota3A_175 : vector<16xi32>
        tpu.vector_store_idx %arg4[%and3A_167], %add3A_177 masked %eq3A_164 : memref<65536xi32, #tpu.memory_space<vmem>>[vector<16xi32>], vector<16xi32>, vector<16xi1>
      }
      %scan3A_77 = arith.constant 32 : i32
    }
    %scan3A_16 = arith.constant 16 : i32
    %mul3A_17 = arith.constant 65536 : i32
    %mul3A_18 = arith.muli %add3A_2, %mul3A_17 : i32
    "tpu.region"() ({
      %run_scoped3A = tpu.sem_alloc : memref<!tpu.dma_semaphore, #tpu.memory_space<semaphore_mem>>
      %dma_start3A_39 = tpu.memref_slice %arg3[%mul3A_18] : memref<4194304xi32, #tpu.memory_space<hbm>> -> memref<65536xi32, #tpu.memory_space<hbm>>
      %dma_start3A_40 = tpu.memref_slice %arg3[%mul3A_18] : memref<4194304xi32, #tpu.memory_space<hbm>> -> memref<65536xi32, #tpu.memory_space<hbm>>
      tpu.enqueue_dma source(%arg4 : memref<65536xi32, #tpu.memory_space<vmem>>) target(%dma_start3A_40 : memref<65536xi32, #tpu.memory_space<hbm>>) target_semaphore(%run_scoped3A : memref<!tpu.dma_semaphore, #tpu.memory_space<semaphore_mem>>)
      %dma_wait3A = tpu.memref_slice %arg3[%mul3A_18] : memref<4194304xi32, #tpu.memory_space<hbm>> -> memref<65536xi32, #tpu.memory_space<hbm>>
      %dma_wait3A_41 = tpu.memref_slice %arg3[%mul3A_18] : memref<4194304xi32, #tpu.memory_space<hbm>> -> memref<65536xi32, #tpu.memory_space<hbm>>
      tpu.wait_dma2 semaphore(%run_scoped3A : memref<!tpu.dma_semaphore, #tpu.memory_space<semaphore_mem>>) src(%arg4 : memref<65536xi32, #tpu.memory_space<vmem>>) dst(%dma_wait3A_41 : memref<65536xi32, #tpu.memory_space<hbm>>)
      tpu.yield
    }) : () -> ()
    %add3A_19 = arith.constant 32 : i32
    %add3A_20 = arith.addi %add3A_19, %add3A : i32
    %scan3A_21 = arith.constant 0 : i32
    %scan3A_22 = arith.constant 0 : i32
    %scan3A_23 = arith.constant 1024 : i32
    %scan3A_24 = arith.addi %scan3A_22, %scan3A_23 : i32
    %scan3A_25 = arith.constant 1 : i32
    scf.for %scan3A_39 = %scan3A_22 to %scan3A_24 step %scan3A_25  : i32 {
      %broadcast_in_dim3A = arith.constant 0 : i32
      %broadcast_in_dim3A_40 = vector.broadcast %broadcast_in_dim3A : i32 to vector<16xi32>
      %mul3A_41 = arith.constant 4 : i32
      %mul3A_42 = arith.muli %scan3A_39, %mul3A_41 : i32
      %add3A_43 = arith.constant 0 : i32
      %add3A_44 = arith.addi %mul3A_42, %add3A_43 : i32
      %mul3A_45 = arith.constant 16 : i32
      %mul3A_46 = arith.muli %add3A_44, %mul3A_45 : i32
      %swap3A = arith.index_cast %mul3A_46 : i32 to index
      %swap3A_47 = tpu.vector_load %arg4[%swap3A] {strides = array<i32>} : memref<65536xi32, #tpu.memory_space<vmem>>, vector<16xi32>,
      tpu.vector_store %arg4[%swap3A], %broadcast_in_dim3A_40 {strides = array<i32>} : memref<65536xi32, #tpu.memory_space<vmem>>, vector<16xi32>,
      %broadcast_in_dim3A_48 = arith.constant 0 : i32
      %broadcast_in_dim3A_49 = vector.broadcast %broadcast_in_dim3A_48 : i32 to vector<16xi32>
      %mul3A_50 = arith.constant 4 : i32
      %mul3A_51 = arith.muli %scan3A_39, %mul3A_50 : i32
      %add3A_52 = arith.constant 1 : i32
      %add3A_53 = arith.addi %mul3A_51, %add3A_52 : i32
      %mul3A_54 = arith.constant 16 : i32
      %mul3A_55 = arith.muli %add3A_53, %mul3A_54 : i32
      %swap3A_56 = arith.index_cast %mul3A_55 : i32 to index
      %swap3A_57 = tpu.vector_load %arg4[%swap3A_56] {strides = array<i32>} : memref<65536xi32, #tpu.memory_space<vmem>>, vector<16xi32>,
      tpu.vector_store %arg4[%swap3A_56], %broadcast_in_dim3A_49 {strides = array<i32>} : memref<65536xi32, #tpu.memory_space<vmem>>, vector<16xi32>,
      %broadcast_in_dim3A_58 = arith.constant 0 : i32
      %broadcast_in_dim3A_59 = vector.broadcast %broadcast_in_dim3A_58 : i32 to vector<16xi32>
      %mul3A_60 = arith.constant 4 : i32
      %mul3A_61 = arith.muli %scan3A_39, %mul3A_60 : i32
      %add3A_62 = arith.constant 2 : i32
      %add3A_63 = arith.addi %mul3A_61, %add3A_62 : i32
      %mul3A_64 = arith.constant 16 : i32
      %mul3A_65 = arith.muli %add3A_63, %mul3A_64 : i32
      %swap3A_66 = arith.index_cast %mul3A_65 : i32 to index
      %swap3A_67 = tpu.vector_load %arg4[%swap3A_66] {strides = array<i32>} : memref<65536xi32, #tpu.memory_space<vmem>>, vector<16xi32>,
      tpu.vector_store %arg4[%swap3A_66], %broadcast_in_dim3A_59 {strides = array<i32>} : memref<65536xi32, #tpu.memory_space<vmem>>, vector<16xi32>,
      %broadcast_in_dim3A_68 = arith.constant 0 : i32
      %broadcast_in_dim3A_69 = vector.broadcast %broadcast_in_dim3A_68 : i32 to vector<16xi32>
      %mul3A_70 = arith.constant 4 : i32
      %mul3A_71 = arith.muli %scan3A_39, %mul3A_70 : i32
      %add3A_72 = arith.constant 3 : i32
      %add3A_73 = arith.addi %mul3A_71, %add3A_72 : i32
      %mul3A_74 = arith.constant 16 : i32
      %mul3A_75 = arith.muli %add3A_73, %mul3A_74 : i32
      %swap3A_76 = arith.index_cast %mul3A_75 : i32 to index
      %swap3A_77 = tpu.vector_load %arg4[%swap3A_76] {strides = array<i32>} : memref<65536xi32, #tpu.memory_space<vmem>>, vector<16xi32>,
      tpu.vector_store %arg4[%swap3A_76], %broadcast_in_dim3A_69 {strides = array<i32>} : memref<65536xi32, #tpu.memory_space<vmem>>, vector<16xi32>,
    }
    %scan3A_26 = arith.constant 1024 : i32
    %dma_start3A_27 = arith.constant 0 : i32
    %dma_start3A_28 = tpu.memref_slice %arg2[%dma_start3A_27] : memref<65536xi32, #tpu.memory_space<hbm>> -> memref<2048xi32, #tpu.memory_space<hbm>>
    %dma_start3A_29 = arith.constant 0 : i32
    %dma_start3A_30 = tpu.memref_slice %arg2[%dma_start3A_29] : memref<65536xi32, #tpu.memory_space<hbm>> -> memref<2048xi32, #tpu.memory_space<hbm>>
    tpu.enqueue_dma source(%dma_start3A_30 : memref<2048xi32, #tpu.memory_space<hbm>>) target(%arg5 : memref<2048xi32, #tpu.memory_space<vmem>>) target_semaphore(%arg7 : memref<!tpu.dma_semaphore, #tpu.memory_space<semaphore_mem>>)
    %scan3A_31 = arith.constant 0 : i32
    %scan3A_32 = arith.constant 0 : i32
    %scan3A_33 = arith.constant 16 : i32
    %scan3A_34 = arith.addi %scan3A_32, %scan3A_33 : i32
    %scan3A_35 = arith.constant 1 : i32
    scf.for %scan3A_39 = %scan3A_32 to %scan3A_34 step %scan3A_35  : i32 {
      %mul3A_40 = arith.constant 2 : i32
      %mul3A_41 = arith.muli %scan3A_39, %mul3A_40 : i32
      %add3A_42 = arith.constant 0 : i32
      %add3A_43 = arith.addi %mul3A_41, %add3A_42 : i32
      %dma_wait3A = arith.constant 0 : i32
      %dma_wait3A_44 = tpu.memref_slice %arg2[%dma_wait3A] : memref<65536xi32, #tpu.memory_space<hbm>> -> memref<2048xi32, #tpu.memory_space<hbm>>
      %dma_wait3A_45 = arith.constant 0 : i32
      %dma_wait3A_46 = tpu.memref_slice %arg2[%dma_wait3A_45] : memref<65536xi32, #tpu.memory_space<hbm>> -> memref<2048xi32, #tpu.memory_space<hbm>>
      tpu.wait_dma2 semaphore(%arg7 : memref<!tpu.dma_semaphore, #tpu.memory_space<semaphore_mem>>) src(%dma_wait3A_46 : memref<2048xi32, #tpu.memory_space<hbm>>) dst(%arg5 : memref<2048xi32, #tpu.memory_space<vmem>>)
      %add3A_47 = arith.constant 1 : i32
      %add3A_48 = arith.addi %add3A_43, %add3A_47 : i32
      %lt3A = arith.constant 32 : i32
      %lt3A_49 = arith.cmpi slt, %add3A_48, %lt3A : i32
      %convert_element_type3A = arith.extui %lt3A_49 : i1 to i32
      %cond3A = arith.constant 0 : i32
      %cond3A_50 = arith.cmpi ne, %convert_element_type3A, %cond3A : i32
      scf.if %cond3A_50 {
        %add3A_78 = arith.constant 1 : i32
        %add3A_79 = arith.addi %add3A_43, %add3A_78 : i32
        %mul3A_80 = arith.constant 2048 : i32
        %mul3A_81 = arith.muli %add3A_79, %mul3A_80 : i32
        %dma_start3A_82 = tpu.memref_slice %arg2[%mul3A_81] : memref<65536xi32, #tpu.memory_space<hbm>> -> memref<2048xi32, #tpu.memory_space<hbm>>
        %dma_start3A_83 = tpu.memref_slice %arg2[%mul3A_81] : memref<65536xi32, #tpu.memory_space<hbm>> -> memref<2048xi32, #tpu.memory_space<hbm>>
        tpu.enqueue_dma source(%dma_start3A_83 : memref<2048xi32, #tpu.memory_space<hbm>>) target(%arg6 : memref<2048xi32, #tpu.memory_space<vmem>>) target_semaphore(%arg8 : memref<!tpu.dma_semaphore, #tpu.memory_space<semaphore_mem>>)
      } else {
      }
      %scan3A_51 = arith.constant 0 : i32
      %scan3A_52 = arith.constant 0 : i32
      %scan3A_53 = arith.constant 32 : i32
      %scan3A_54 = arith.addi %scan3A_52, %scan3A_53 : i32
      %scan3A_55 = arith.constant 1 : i32
      scf.for %scan3A_78 = %scan3A_52 to %scan3A_54 step %scan3A_55  : i32 {
        %mul3A_79 = arith.constant 4 : i32
        %mul3A_80 = arith.muli %scan3A_78, %mul3A_79 : i32
        %add3A_81 = arith.constant 0 : i32
        %add3A_82 = arith.addi %mul3A_80, %add3A_81 : i32
        %mul3A_83 = arith.constant 16 : i32
        %mul3A_84 = arith.muli %add3A_82, %mul3A_83 : i32
        %get3A = arith.index_cast %mul3A_84 : i32 to index
        %get3A_85 = tpu.vector_load %arg5[%get3A] {strides = array<i32>} : memref<2048xi32, #tpu.memory_space<vmem>>, vector<16xi32>,
        %shift_right_logical3A = arith.constant 16 : i32
        %shift_right_logical3A_86 = vector.broadcast %shift_right_logical3A : i32 to vector<16xi32>
        %shift_right_logical3A_87 = arith.shrui %get3A_85, %shift_right_logical3A_86 : vector<16xi32>
        %eq3A = vector.broadcast %add3A_20 : i32 to vector<16xi32>
        %eq3A_88 = arith.cmpi eq, %shift_right_logical3A_87, %eq3A : vector<16xi32>
        %and3A = arith.constant 65535 : i32
        %and3A_89 = vector.broadcast %and3A : i32 to vector<16xi32>
        %and3A_90 = arith.andi %get3A_85, %and3A_89 : vector<16xi32>
        %mul3A_91 = arith.constant 2048 : i32
        %mul3A_92 = arith.muli %add3A_43, %mul3A_91 : i32
        %mul3A_93 = arith.constant 16 : i32
        %mul3A_94 = arith.muli %add3A_82, %mul3A_93 : i32
        %add3A_95 = arith.addi %mul3A_92, %mul3A_94 : i32
        %add3A_96 = arith.constant 1 : i32
        %add3A_97 = arith.addi %add3A_95, %add3A_96 : i32
        %iota3A = tpu.iota {dimensions = array<i32: 0>} : vector<16xi32>
        %add3A_98 = vector.broadcast %add3A_97 : i32 to vector<16xi32>
        %add3A_99 = arith.addi %add3A_98, %iota3A : vector<16xi32>
        tpu.vector_store_idx %arg4[%and3A_90], %add3A_99 masked %eq3A_88 : memref<65536xi32, #tpu.memory_space<vmem>>[vector<16xi32>], vector<16xi32>, vector<16xi1>
        %mul3A_100 = arith.constant 4 : i32
        %mul3A_101 = arith.muli %scan3A_78, %mul3A_100 : i32
        %add3A_102 = arith.constant 1 : i32
        %add3A_103 = arith.addi %mul3A_101, %add3A_102 : i32
        %mul3A_104 = arith.constant 16 : i32
        %mul3A_105 = arith.muli %add3A_103, %mul3A_104 : i32
        %get3A_106 = arith.index_cast %mul3A_105 : i32 to index
        %get3A_107 = tpu.vector_load %arg5[%get3A_106] {strides = array<i32>} : memref<2048xi32, #tpu.memory_space<vmem>>, vector<16xi32>,
        %shift_right_logical3A_108 = arith.constant 16 : i32
        %shift_right_logical3A_109 = vector.broadcast %shift_right_logical3A_108 : i32 to vector<16xi32>
        %shift_right_logical3A_110 = arith.shrui %get3A_107, %shift_right_logical3A_109 : vector<16xi32>
        %eq3A_111 = vector.broadcast %add3A_20 : i32 to vector<16xi32>
        %eq3A_112 = arith.cmpi eq, %shift_right_logical3A_110, %eq3A_111 : vector<16xi32>
        %and3A_113 = arith.constant 65535 : i32
        %and3A_114 = vector.broadcast %and3A_113 : i32 to vector<16xi32>
        %and3A_115 = arith.andi %get3A_107, %and3A_114 : vector<16xi32>
        %mul3A_116 = arith.constant 2048 : i32
        %mul3A_117 = arith.muli %add3A_43, %mul3A_116 : i32
        %mul3A_118 = arith.constant 16 : i32
        %mul3A_119 = arith.muli %add3A_103, %mul3A_118 : i32
        %add3A_120 = arith.addi %mul3A_117, %mul3A_119 : i32
        %add3A_121 = arith.constant 1 : i32
        %add3A_122 = arith.addi %add3A_120, %add3A_121 : i32
        %iota3A_123 = tpu.iota {dimensions = array<i32: 0>} : vector<16xi32>
        %add3A_124 = vector.broadcast %add3A_122 : i32 to vector<16xi32>
        %add3A_125 = arith.addi %add3A_124, %iota3A_123 : vector<16xi32>
        tpu.vector_store_idx %arg4[%and3A_115], %add3A_125 masked %eq3A_112 : memref<65536xi32, #tpu.memory_space<vmem>>[vector<16xi32>], vector<16xi32>, vector<16xi1>
        %mul3A_126 = arith.constant 4 : i32
        %mul3A_127 = arith.muli %scan3A_78, %mul3A_126 : i32
        %add3A_128 = arith.constant 2 : i32
        %add3A_129 = arith.addi %mul3A_127, %add3A_128 : i32
        %mul3A_130 = arith.constant 16 : i32
        %mul3A_131 = arith.muli %add3A_129, %mul3A_130 : i32
        %get3A_132 = arith.index_cast %mul3A_131 : i32 to index
        %get3A_133 = tpu.vector_load %arg5[%get3A_132] {strides = array<i32>} : memref<2048xi32, #tpu.memory_space<vmem>>, vector<16xi32>,
        %shift_right_logical3A_134 = arith.constant 16 : i32
        %shift_right_logical3A_135 = vector.broadcast %shift_right_logical3A_134 : i32 to vector<16xi32>
        %shift_right_logical3A_136 = arith.shrui %get3A_133, %shift_right_logical3A_135 : vector<16xi32>
        %eq3A_137 = vector.broadcast %add3A_20 : i32 to vector<16xi32>
        %eq3A_138 = arith.cmpi eq, %shift_right_logical3A_136, %eq3A_137 : vector<16xi32>
        %and3A_139 = arith.constant 65535 : i32
        %and3A_140 = vector.broadcast %and3A_139 : i32 to vector<16xi32>
        %and3A_141 = arith.andi %get3A_133, %and3A_140 : vector<16xi32>
        %mul3A_142 = arith.constant 2048 : i32
        %mul3A_143 = arith.muli %add3A_43, %mul3A_142 : i32
        %mul3A_144 = arith.constant 16 : i32
        %mul3A_145 = arith.muli %add3A_129, %mul3A_144 : i32
        %add3A_146 = arith.addi %mul3A_143, %mul3A_145 : i32
        %add3A_147 = arith.constant 1 : i32
        %add3A_148 = arith.addi %add3A_146, %add3A_147 : i32
        %iota3A_149 = tpu.iota {dimensions = array<i32: 0>} : vector<16xi32>
        %add3A_150 = vector.broadcast %add3A_148 : i32 to vector<16xi32>
        %add3A_151 = arith.addi %add3A_150, %iota3A_149 : vector<16xi32>
        tpu.vector_store_idx %arg4[%and3A_141], %add3A_151 masked %eq3A_138 : memref<65536xi32, #tpu.memory_space<vmem>>[vector<16xi32>], vector<16xi32>, vector<16xi1>
        %mul3A_152 = arith.constant 4 : i32
        %mul3A_153 = arith.muli %scan3A_78, %mul3A_152 : i32
        %add3A_154 = arith.constant 3 : i32
        %add3A_155 = arith.addi %mul3A_153, %add3A_154 : i32
        %mul3A_156 = arith.constant 16 : i32
        %mul3A_157 = arith.muli %add3A_155, %mul3A_156 : i32
        %get3A_158 = arith.index_cast %mul3A_157 : i32 to index
        %get3A_159 = tpu.vector_load %arg5[%get3A_158] {strides = array<i32>} : memref<2048xi32, #tpu.memory_space<vmem>>, vector<16xi32>,
        %shift_right_logical3A_160 = arith.constant 16 : i32
        %shift_right_logical3A_161 = vector.broadcast %shift_right_logical3A_160 : i32 to vector<16xi32>
        %shift_right_logical3A_162 = arith.shrui %get3A_159, %shift_right_logical3A_161 : vector<16xi32>
        %eq3A_163 = vector.broadcast %add3A_20 : i32 to vector<16xi32>
        %eq3A_164 = arith.cmpi eq, %shift_right_logical3A_162, %eq3A_163 : vector<16xi32>
        %and3A_165 = arith.constant 65535 : i32
        %and3A_166 = vector.broadcast %and3A_165 : i32 to vector<16xi32>
        %and3A_167 = arith.andi %get3A_159, %and3A_166 : vector<16xi32>
        %mul3A_168 = arith.constant 2048 : i32
        %mul3A_169 = arith.muli %add3A_43, %mul3A_168 : i32
        %mul3A_170 = arith.constant 16 : i32
        %mul3A_171 = arith.muli %add3A_155, %mul3A_170 : i32
        %add3A_172 = arith.addi %mul3A_169, %mul3A_171 : i32
        %add3A_173 = arith.constant 1 : i32
        %add3A_174 = arith.addi %add3A_172, %add3A_173 : i32
        %iota3A_175 = tpu.iota {dimensions = array<i32: 0>} : vector<16xi32>
        %add3A_176 = vector.broadcast %add3A_174 : i32 to vector<16xi32>
        %add3A_177 = arith.addi %add3A_176, %iota3A_175 : vector<16xi32>
        tpu.vector_store_idx %arg4[%and3A_167], %add3A_177 masked %eq3A_164 : memref<65536xi32, #tpu.memory_space<vmem>>[vector<16xi32>], vector<16xi32>, vector<16xi1>
      }
      %scan3A_56 = arith.constant 32 : i32
      %mul3A_57 = arith.constant 2 : i32
      %mul3A_58 = arith.muli %scan3A_39, %mul3A_57 : i32
      %add3A_59 = arith.constant 1 : i32
      %add3A_60 = arith.addi %mul3A_58, %add3A_59 : i32
      %dma_wait3A_61 = arith.constant 0 : i32
      %dma_wait3A_62 = tpu.memref_slice %arg2[%dma_wait3A_61] : memref<65536xi32, #tpu.memory_space<hbm>> -> memref<2048xi32, #tpu.memory_space<hbm>>
      %dma_wait3A_63 = arith.constant 0 : i32
      %dma_wait3A_64 = tpu.memref_slice %arg2[%dma_wait3A_63] : memref<65536xi32, #tpu.memory_space<hbm>> -> memref<2048xi32, #tpu.memory_space<hbm>>
      tpu.wait_dma2 semaphore(%arg8 : memref<!tpu.dma_semaphore, #tpu.memory_space<semaphore_mem>>) src(%dma_wait3A_64 : memref<2048xi32, #tpu.memory_space<hbm>>) dst(%arg6 : memref<2048xi32, #tpu.memory_space<vmem>>)
      %add3A_65 = arith.constant 1 : i32
      %add3A_66 = arith.addi %add3A_60, %add3A_65 : i32
      %lt3A_67 = arith.constant 32 : i32
      %lt3A_68 = arith.cmpi slt, %add3A_66, %lt3A_67 : i32
      %convert_element_type3A_69 = arith.extui %lt3A_68 : i1 to i32
      %cond3A_70 = arith.constant 0 : i32
      %cond3A_71 = arith.cmpi ne, %convert_element_type3A_69, %cond3A_70 : i32
      scf.if %cond3A_71 {
        %add3A_78 = arith.constant 1 : i32
        %add3A_79 = arith.addi %add3A_60, %add3A_78 : i32
        %mul3A_80 = arith.constant 2048 : i32
        %mul3A_81 = arith.muli %add3A_79, %mul3A_80 : i32
        %dma_start3A_82 = tpu.memref_slice %arg2[%mul3A_81] : memref<65536xi32, #tpu.memory_space<hbm>> -> memref<2048xi32, #tpu.memory_space<hbm>>
        %dma_start3A_83 = tpu.memref_slice %arg2[%mul3A_81] : memref<65536xi32, #tpu.memory_space<hbm>> -> memref<2048xi32, #tpu.memory_space<hbm>>
        tpu.enqueue_dma source(%dma_start3A_83 : memref<2048xi32, #tpu.memory_space<hbm>>) target(%arg5 : memref<2048xi32, #tpu.memory_space<vmem>>) target_semaphore(%arg7 : memref<!tpu.dma_semaphore, #tpu.memory_space<semaphore_mem>>)
      } else {
      }
      %scan3A_72 = arith.constant 0 : i32
      %scan3A_73 = arith.constant 0 : i32
      %scan3A_74 = arith.constant 32 : i32
      %scan3A_75 = arith.addi %scan3A_73, %scan3A_74 : i32
      %scan3A_76 = arith.constant 1 : i32
      scf.for %scan3A_78 = %scan3A_73 to %scan3A_75 step %scan3A_76  : i32 {
        %mul3A_79 = arith.constant 4 : i32
        %mul3A_80 = arith.muli %scan3A_78, %mul3A_79 : i32
        %add3A_81 = arith.constant 0 : i32
        %add3A_82 = arith.addi %mul3A_80, %add3A_81 : i32
        %mul3A_83 = arith.constant 16 : i32
        %mul3A_84 = arith.muli %add3A_82, %mul3A_83 : i32
        %get3A = arith.index_cast %mul3A_84 : i32 to index
        %get3A_85 = tpu.vector_load %arg6[%get3A] {strides = array<i32>} : memref<2048xi32, #tpu.memory_space<vmem>>, vector<16xi32>,
        %shift_right_logical3A = arith.constant 16 : i32
        %shift_right_logical3A_86 = vector.broadcast %shift_right_logical3A : i32 to vector<16xi32>
        %shift_right_logical3A_87 = arith.shrui %get3A_85, %shift_right_logical3A_86 : vector<16xi32>
        %eq3A = vector.broadcast %add3A_20 : i32 to vector<16xi32>
        %eq3A_88 = arith.cmpi eq, %shift_right_logical3A_87, %eq3A : vector<16xi32>
        %and3A = arith.constant 65535 : i32
        %and3A_89 = vector.broadcast %and3A : i32 to vector<16xi32>
        %and3A_90 = arith.andi %get3A_85, %and3A_89 : vector<16xi32>
        %mul3A_91 = arith.constant 2048 : i32
        %mul3A_92 = arith.muli %add3A_60, %mul3A_91 : i32
        %mul3A_93 = arith.constant 16 : i32
        %mul3A_94 = arith.muli %add3A_82, %mul3A_93 : i32
        %add3A_95 = arith.addi %mul3A_92, %mul3A_94 : i32
        %add3A_96 = arith.constant 1 : i32
        %add3A_97 = arith.addi %add3A_95, %add3A_96 : i32
        %iota3A = tpu.iota {dimensions = array<i32: 0>} : vector<16xi32>
        %add3A_98 = vector.broadcast %add3A_97 : i32 to vector<16xi32>
        %add3A_99 = arith.addi %add3A_98, %iota3A : vector<16xi32>
        tpu.vector_store_idx %arg4[%and3A_90], %add3A_99 masked %eq3A_88 : memref<65536xi32, #tpu.memory_space<vmem>>[vector<16xi32>], vector<16xi32>, vector<16xi1>
        %mul3A_100 = arith.constant 4 : i32
        %mul3A_101 = arith.muli %scan3A_78, %mul3A_100 : i32
        %add3A_102 = arith.constant 1 : i32
        %add3A_103 = arith.addi %mul3A_101, %add3A_102 : i32
        %mul3A_104 = arith.constant 16 : i32
        %mul3A_105 = arith.muli %add3A_103, %mul3A_104 : i32
        %get3A_106 = arith.index_cast %mul3A_105 : i32 to index
        %get3A_107 = tpu.vector_load %arg6[%get3A_106] {strides = array<i32>} : memref<2048xi32, #tpu.memory_space<vmem>>, vector<16xi32>,
        %shift_right_logical3A_108 = arith.constant 16 : i32
        %shift_right_logical3A_109 = vector.broadcast %shift_right_logical3A_108 : i32 to vector<16xi32>
        %shift_right_logical3A_110 = arith.shrui %get3A_107, %shift_right_logical3A_109 : vector<16xi32>
        %eq3A_111 = vector.broadcast %add3A_20 : i32 to vector<16xi32>
        %eq3A_112 = arith.cmpi eq, %shift_right_logical3A_110, %eq3A_111 : vector<16xi32>
        %and3A_113 = arith.constant 65535 : i32
        %and3A_114 = vector.broadcast %and3A_113 : i32 to vector<16xi32>
        %and3A_115 = arith.andi %get3A_107, %and3A_114 : vector<16xi32>
        %mul3A_116 = arith.constant 2048 : i32
        %mul3A_117 = arith.muli %add3A_60, %mul3A_116 : i32
        %mul3A_118 = arith.constant 16 : i32
        %mul3A_119 = arith.muli %add3A_103, %mul3A_118 : i32
        %add3A_120 = arith.addi %mul3A_117, %mul3A_119 : i32
        %add3A_121 = arith.constant 1 : i32
        %add3A_122 = arith.addi %add3A_120, %add3A_121 : i32
        %iota3A_123 = tpu.iota {dimensions = array<i32: 0>} : vector<16xi32>
        %add3A_124 = vector.broadcast %add3A_122 : i32 to vector<16xi32>
        %add3A_125 = arith.addi %add3A_124, %iota3A_123 : vector<16xi32>
        tpu.vector_store_idx %arg4[%and3A_115], %add3A_125 masked %eq3A_112 : memref<65536xi32, #tpu.memory_space<vmem>>[vector<16xi32>], vector<16xi32>, vector<16xi1>
        %mul3A_126 = arith.constant 4 : i32
        %mul3A_127 = arith.muli %scan3A_78, %mul3A_126 : i32
        %add3A_128 = arith.constant 2 : i32
        %add3A_129 = arith.addi %mul3A_127, %add3A_128 : i32
        %mul3A_130 = arith.constant 16 : i32
        %mul3A_131 = arith.muli %add3A_129, %mul3A_130 : i32
        %get3A_132 = arith.index_cast %mul3A_131 : i32 to index
        %get3A_133 = tpu.vector_load %arg6[%get3A_132] {strides = array<i32>} : memref<2048xi32, #tpu.memory_space<vmem>>, vector<16xi32>,
        %shift_right_logical3A_134 = arith.constant 16 : i32
        %shift_right_logical3A_135 = vector.broadcast %shift_right_logical3A_134 : i32 to vector<16xi32>
        %shift_right_logical3A_136 = arith.shrui %get3A_133, %shift_right_logical3A_135 : vector<16xi32>
        %eq3A_137 = vector.broadcast %add3A_20 : i32 to vector<16xi32>
        %eq3A_138 = arith.cmpi eq, %shift_right_logical3A_136, %eq3A_137 : vector<16xi32>
        %and3A_139 = arith.constant 65535 : i32
        %and3A_140 = vector.broadcast %and3A_139 : i32 to vector<16xi32>
        %and3A_141 = arith.andi %get3A_133, %and3A_140 : vector<16xi32>
        %mul3A_142 = arith.constant 2048 : i32
        %mul3A_143 = arith.muli %add3A_60, %mul3A_142 : i32
        %mul3A_144 = arith.constant 16 : i32
        %mul3A_145 = arith.muli %add3A_129, %mul3A_144 : i32
        %add3A_146 = arith.addi %mul3A_143, %mul3A_145 : i32
        %add3A_147 = arith.constant 1 : i32
        %add3A_148 = arith.addi %add3A_146, %add3A_147 : i32
        %iota3A_149 = tpu.iota {dimensions = array<i32: 0>} : vector<16xi32>
        %add3A_150 = vector.broadcast %add3A_148 : i32 to vector<16xi32>
        %add3A_151 = arith.addi %add3A_150, %iota3A_149 : vector<16xi32>
        tpu.vector_store_idx %arg4[%and3A_141], %add3A_151 masked %eq3A_138 : memref<65536xi32, #tpu.memory_space<vmem>>[vector<16xi32>], vector<16xi32>, vector<16xi1>
        %mul3A_152 = arith.constant 4 : i32
        %mul3A_153 = arith.muli %scan3A_78, %mul3A_152 : i32
        %add3A_154 = arith.constant 3 : i32
        %add3A_155 = arith.addi %mul3A_153, %add3A_154 : i32
        %mul3A_156 = arith.constant 16 : i32
        %mul3A_157 = arith.muli %add3A_155, %mul3A_156 : i32
        %get3A_158 = arith.index_cast %mul3A_157 : i32 to index
        %get3A_159 = tpu.vector_load %arg6[%get3A_158] {strides = array<i32>} : memref<2048xi32, #tpu.memory_space<vmem>>, vector<16xi32>,
        %shift_right_logical3A_160 = arith.constant 16 : i32
        %shift_right_logical3A_161 = vector.broadcast %shift_right_logical3A_160 : i32 to vector<16xi32>
        %shift_right_logical3A_162 = arith.shrui %get3A_159, %shift_right_logical3A_161 : vector<16xi32>
        %eq3A_163 = vector.broadcast %add3A_20 : i32 to vector<16xi32>
        %eq3A_164 = arith.cmpi eq, %shift_right_logical3A_162, %eq3A_163 : vector<16xi32>
        %and3A_165 = arith.constant 65535 : i32
        %and3A_166 = vector.broadcast %and3A_165 : i32 to vector<16xi32>
        %and3A_167 = arith.andi %get3A_159, %and3A_166 : vector<16xi32>
        %mul3A_168 = arith.constant 2048 : i32
        %mul3A_169 = arith.muli %add3A_60, %mul3A_168 : i32
        %mul3A_170 = arith.constant 16 : i32
        %mul3A_171 = arith.muli %add3A_155, %mul3A_170 : i32
        %add3A_172 = arith.addi %mul3A_169, %mul3A_171 : i32
        %add3A_173 = arith.constant 1 : i32
        %add3A_174 = arith.addi %add3A_172, %add3A_173 : i32
        %iota3A_175 = tpu.iota {dimensions = array<i32: 0>} : vector<16xi32>
        %add3A_176 = vector.broadcast %add3A_174 : i32 to vector<16xi32>
        %add3A_177 = arith.addi %add3A_176, %iota3A_175 : vector<16xi32>
        tpu.vector_store_idx %arg4[%and3A_167], %add3A_177 masked %eq3A_164 : memref<65536xi32, #tpu.memory_space<vmem>>[vector<16xi32>], vector<16xi32>, vector<16xi1>
      }
      %scan3A_77 = arith.constant 32 : i32
    }
    %scan3A_36 = arith.constant 16 : i32
    %mul3A_37 = arith.constant 65536 : i32
    %mul3A_38 = arith.muli %add3A_20, %mul3A_37 : i32
    "tpu.region"() ({
      %run_scoped3A = tpu.sem_alloc : memref<!tpu.dma_semaphore, #tpu.memory_space<semaphore_mem>>
      %dma_start3A_39 = tpu.memref_slice %arg3[%mul3A_38] : memref<4194304xi32, #tpu.memory_space<hbm>> -> memref<65536xi32, #tpu.memory_space<hbm>>
      %dma_start3A_40 = tpu.memref_slice %arg3[%mul3A_38] : memref<4194304xi32, #tpu.memory_space<hbm>> -> memref<65536xi32, #tpu.memory_space<hbm>>
      tpu.enqueue_dma source(%arg4 : memref<65536xi32, #tpu.memory_space<vmem>>) target(%dma_start3A_40 : memref<65536xi32, #tpu.memory_space<hbm>>) target_semaphore(%run_scoped3A : memref<!tpu.dma_semaphore, #tpu.memory_space<semaphore_mem>>)
      %dma_wait3A = tpu.memref_slice %arg3[%mul3A_38] : memref<4194304xi32, #tpu.memory_space<hbm>> -> memref<65536xi32, #tpu.memory_space<hbm>>
      %dma_wait3A_41 = tpu.memref_slice %arg3[%mul3A_38] : memref<4194304xi32, #tpu.memory_space<hbm>> -> memref<65536xi32, #tpu.memory_space<hbm>>
      tpu.wait_dma2 semaphore(%run_scoped3A : memref<!tpu.dma_semaphore, #tpu.memory_space<semaphore_mem>>) src(%arg4 : memref<65536xi32, #tpu.memory_space<vmem>>) dst(%dma_wait3A_41 : memref<65536xi32, #tpu.memory_space<hbm>>)
      tpu.yield
    }) : () -> ()
    return
  }
}

#map = affine_map<(d0, d1) -> (0)>
#map1 = affine_map<(d0, d1) -> (0, 0)>
module attributes {stable_mosaic.version = 14 : i64} {
  func.func @gather_k(%arg0: i32, %arg1: i32, %arg2: memref<4194304xi32, #tpu.memory_space<hbm>>, %arg3: memref<65536xi32, #tpu.memory_space<hbm>>, %arg4: memref<65536xi32, #tpu.memory_space<hbm>>, %arg5: memref<65536xi32, #tpu.memory_space<hbm>>, %arg6: memref<65536xi32, #tpu.memory_space<hbm>>, %arg7: memref<65664x16xf32, #tpu.memory_space<hbm>>, %arg8: memref<2048x272xf32, #tpu.memory_space<hbm>>, %arg9: memref<65536x16xf32, #tpu.memory_space<hbm>>, %arg10: memref<65536x272xf32, #tpu.memory_space<hbm>>, %arg11: memref<64xi32, #tpu.memory_space<vmem>>, %arg12: memref<64xi32, #tpu.memory_space<vmem>>, %arg13: memref<64xi32, #tpu.memory_space<vmem>>, %arg14: memref<64xi32, #tpu.memory_space<vmem>>, %arg15: memref<64xi32, #tpu.memory_space<vmem>>, %arg16: memref<64xi32, #tpu.memory_space<vmem>>, %arg17: memref<64xi32, #tpu.memory_space<vmem>>, %arg18: memref<64xi32, #tpu.memory_space<vmem>>, %arg19: memref<64x16xf32, #tpu.memory_space<vmem>>, %arg20: memref<64x16xf32, #tpu.memory_space<vmem>>, %arg21: memref<64x272xf32, #tpu.memory_space<vmem>>, %arg22: memref<64x272xf32, #tpu.memory_space<vmem>>, %arg23: memref<!tpu.dma_semaphore, #tpu.memory_space<semaphore_mem>>, %arg24: memref<!tpu.dma_semaphore, #tpu.memory_space<semaphore_mem>>, %arg25: memref<!tpu.dma_semaphore, #tpu.memory_space<semaphore_mem>>, %arg26: memref<!tpu.dma_semaphore, #tpu.memory_space<semaphore_mem>>, %arg27: memref<!tpu.dma_semaphore, #tpu.memory_space<semaphore_mem>>, %arg28: memref<!tpu.dma_semaphore, #tpu.memory_space<semaphore_mem>>, %arg29: memref<!tpu.dma_semaphore, #tpu.memory_space<semaphore_mem>>, %arg30: memref<!tpu.dma_semaphore, #tpu.memory_space<semaphore_mem>>, %arg31: memref<!tpu.dma_semaphore, #tpu.memory_space<semaphore_mem>>, %arg32: memref<!tpu.dma_semaphore, #tpu.memory_space<semaphore_mem>>, %arg33: memref<!tpu.dma_semaphore, #tpu.memory_space<semaphore_mem>>, %arg34: memref<!tpu.dma_semaphore, #tpu.memory_space<semaphore_mem>>, %arg35: memref<64xi32, #tpu.memory_space<vmem>>, %arg36: memref<64xi32, #tpu.memory_space<vmem>>, %arg37: memref<64xi32, #tpu.memory_space<vmem>>, %arg38: memref<64xi32, #tpu.memory_space<vmem>>, %arg39: memref<64xi32, #tpu.memory_space<vmem>>, %arg40: memref<64xi32, #tpu.memory_space<vmem>>, %arg41: memref<64xi32, #tpu.memory_space<vmem>>, %arg42: memref<64xi32, #tpu.memory_space<vmem>>, %arg43: memref<64x16xf32, #tpu.memory_space<vmem>>, %arg44: memref<64x16xf32, #tpu.memory_space<vmem>>, %arg45: memref<64x272xf32, #tpu.memory_space<vmem>>, %arg46: memref<64x272xf32, #tpu.memory_space<vmem>>, %arg47: memref<!tpu.dma_semaphore, #tpu.memory_space<semaphore_mem>>, %arg48: memref<!tpu.dma_semaphore, #tpu.memory_space<semaphore_mem>>, %arg49: memref<!tpu.dma_semaphore, #tpu.memory_space<semaphore_mem>>, %arg50: memref<!tpu.dma_semaphore, #tpu.memory_space<semaphore_mem>>, %arg51: memref<!tpu.dma_semaphore, #tpu.memory_space<semaphore_mem>>, %arg52: memref<!tpu.dma_semaphore, #tpu.memory_space<semaphore_mem>>, %arg53: memref<!tpu.dma_semaphore, #tpu.memory_space<semaphore_mem>>, %arg54: memref<!tpu.dma_semaphore, #tpu.memory_space<semaphore_mem>>, %arg55: memref<!tpu.dma_semaphore, #tpu.memory_space<semaphore_mem>>, %arg56: memref<!tpu.dma_semaphore, #tpu.memory_space<semaphore_mem>>, %arg57: memref<!tpu.dma_semaphore, #tpu.memory_space<semaphore_mem>>, %arg58: memref<!tpu.dma_semaphore, #tpu.memory_space<semaphore_mem>>) attributes {dimension_semantics = [#tpu.dimension_semantics<core_parallel>, #tpu.dimension_semantics<subcore_parallel>], iteration_bounds = array<i64: 2, 16>, scalar_prefetch = 0 : i64, scratch_operands = 48 : i64, tpu.core_type = #tpu.core_type<sc_vector_subcore>, window_params = [{transform_indices = #map}, {transform_indices = #map}, {transform_indices = #map}, {transform_indices = #map}, {transform_indices = #map}, {transform_indices = #map1}, {transform_indices = #map1}, {transform_indices = #map1}, {transform_indices = #map1}]} {
    %mul3A = arith.constant 2 : i32
    %mul3A_0 = arith.muli %arg1, %mul3A : i32
    %add3A = arith.addi %mul3A_0, %arg0 : i32
    %mul3A_1 = arith.constant 2048 : i32
    %mul3A_2 = arith.muli %add3A, %mul3A_1 : i32
    %add3A_3 = arith.constant 0 : i32
    %add3A_4 = arith.addi %mul3A_2, %add3A_3 : i32
    %dma_start3A = tpu.memref_slice %arg3[%add3A_4] : memref<65536xi32, #tpu.memory_space<hbm>> -> memref<64xi32, #tpu.memory_space<hbm>>
    %dma_start3A_5 = tpu.memref_slice %arg3[%add3A_4] : memref<65536xi32, #tpu.memory_space<hbm>> -> memref<64xi32, #tpu.memory_space<hbm>>
    tpu.enqueue_dma source(%dma_start3A_5 : memref<64xi32, #tpu.memory_space<hbm>>) target(%arg11 : memref<64xi32, #tpu.memory_space<vmem>>) target_semaphore(%arg23 : memref<!tpu.dma_semaphore, #tpu.memory_space<semaphore_mem>>)
    %dma_start3A_6 = tpu.memref_slice %arg4[%add3A_4] : memref<65536xi32, #tpu.memory_space<hbm>> -> memref<64xi32, #tpu.memory_space<hbm>>
    %dma_start3A_7 = tpu.memref_slice %arg4[%add3A_4] : memref<65536xi32, #tpu.memory_space<hbm>> -> memref<64xi32, #tpu.memory_space<hbm>>
    tpu.enqueue_dma source(%dma_start3A_7 : memref<64xi32, #tpu.memory_space<hbm>>) target(%arg12 : memref<64xi32, #tpu.memory_space<vmem>>) target_semaphore(%arg24 : memref<!tpu.dma_semaphore, #tpu.memory_space<semaphore_mem>>)
    %dma_start3A_8 = tpu.memref_slice %arg5[%add3A_4] : memref<65536xi32, #tpu.memory_space<hbm>> -> memref<64xi32, #tpu.memory_space<hbm>>
    %dma_start3A_9 = tpu.memref_slice %arg5[%add3A_4] : memref<65536xi32, #tpu.memory_space<hbm>> -> memref<64xi32, #tpu.memory_space<hbm>>
    tpu.enqueue_dma source(%dma_start3A_9 : memref<64xi32, #tpu.memory_space<hbm>>) target(%arg13 : memref<64xi32, #tpu.memory_space<vmem>>) target_semaphore(%arg25 : memref<!tpu.dma_semaphore, #tpu.memory_space<semaphore_mem>>)
    %dma_start3A_10 = tpu.memref_slice %arg6[%add3A_4] : memref<65536xi32, #tpu.memory_space<hbm>> -> memref<64xi32, #tpu.memory_space<hbm>>
    %dma_start3A_11 = tpu.memref_slice %arg6[%add3A_4] : memref<65536xi32, #tpu.memory_space<hbm>> -> memref<64xi32, #tpu.memory_space<hbm>>
    tpu.enqueue_dma source(%dma_start3A_11 : memref<64xi32, #tpu.memory_space<hbm>>) target(%arg14 : memref<64xi32, #tpu.memory_space<vmem>>) target_semaphore(%arg26 : memref<!tpu.dma_semaphore, #tpu.memory_space<semaphore_mem>>)
    %dma_wait3A = arith.constant 0 : i32
    %dma_wait3A_12 = tpu.memref_slice %arg3[%dma_wait3A] : memref<65536xi32, #tpu.memory_space<hbm>> -> memref<64xi32, #tpu.memory_space<hbm>>
    %dma_wait3A_13 = arith.constant 0 : i32
    %dma_wait3A_14 = tpu.memref_slice %arg3[%dma_wait3A_13] : memref<65536xi32, #tpu.memory_space<hbm>> -> memref<64xi32, #tpu.memory_space<hbm>>
    tpu.wait_dma2 semaphore(%arg23 : memref<!tpu.dma_semaphore, #tpu.memory_space<semaphore_mem>>) src(%dma_wait3A_14 : memref<64xi32, #tpu.memory_space<hbm>>) dst(%arg11 : memref<64xi32, #tpu.memory_space<vmem>>)
    %dma_wait3A_15 = arith.constant 0 : i32
    %dma_wait3A_16 = tpu.memref_slice %arg3[%dma_wait3A_15] : memref<65536xi32, #tpu.memory_space<hbm>> -> memref<64xi32, #tpu.memory_space<hbm>>
    %dma_wait3A_17 = arith.constant 0 : i32
    %dma_wait3A_18 = tpu.memref_slice %arg3[%dma_wait3A_17] : memref<65536xi32, #tpu.memory_space<hbm>> -> memref<64xi32, #tpu.memory_space<hbm>>
    tpu.wait_dma2 semaphore(%arg24 : memref<!tpu.dma_semaphore, #tpu.memory_space<semaphore_mem>>) src(%dma_wait3A_18 : memref<64xi32, #tpu.memory_space<hbm>>) dst(%arg12 : memref<64xi32, #tpu.memory_space<vmem>>)
    %dma_wait3A_19 = arith.constant 0 : i32
    %dma_wait3A_20 = tpu.memref_slice %arg3[%dma_wait3A_19] : memref<65536xi32, #tpu.memory_space<hbm>> -> memref<64xi32, #tpu.memory_space<hbm>>
    %dma_wait3A_21 = arith.constant 0 : i32
    %dma_wait3A_22 = tpu.memref_slice %arg3[%dma_wait3A_21] : memref<65536xi32, #tpu.memory_space<hbm>> -> memref<64xi32, #tpu.memory_space<hbm>>
    tpu.wait_dma2 semaphore(%arg25 : memref<!tpu.dma_semaphore, #tpu.memory_space<semaphore_mem>>) src(%dma_wait3A_22 : memref<64xi32, #tpu.memory_space<hbm>>) dst(%arg13 : memref<64xi32, #tpu.memory_space<vmem>>)
    %dma_wait3A_23 = arith.constant 0 : i32
    %dma_wait3A_24 = tpu.memref_slice %arg3[%dma_wait3A_23] : memref<65536xi32, #tpu.memory_space<hbm>> -> memref<64xi32, #tpu.memory_space<hbm>>
    %dma_wait3A_25 = arith.constant 0 : i32
    %dma_wait3A_26 = tpu.memref_slice %arg3[%dma_wait3A_25] : memref<65536xi32, #tpu.memory_space<hbm>> -> memref<64xi32, #tpu.memory_space<hbm>>
    tpu.wait_dma2 semaphore(%arg26 : memref<!tpu.dma_semaphore, #tpu.memory_space<semaphore_mem>>) src(%dma_wait3A_26 : memref<64xi32, #tpu.memory_space<hbm>>) dst(%arg14 : memref<64xi32, #tpu.memory_space<vmem>>)
    %dma_start3A_27 = arith.constant 0 : i32
    %dma_start3A_28 = tpu.memref_slice %arg2[%dma_start3A_27] : memref<4194304xi32, #tpu.memory_space<hbm>> -> memref<4194304xi32, #tpu.memory_space<hbm>>
    tpu.enqueue_indirect_dma source(%dma_start3A_28 : memref<4194304xi32, #tpu.memory_space<hbm>>) target(%arg15 : memref<64xi32, #tpu.memory_space<vmem>>) offsets(%arg11 : memref<64xi32, #tpu.memory_space<vmem>>) semaphore(%arg27 : memref<!tpu.dma_semaphore, #tpu.memory_space<semaphore_mem>>)
    %dma_start3A_29 = arith.constant 0 : i32
    %dma_start3A_30 = tpu.memref_slice %arg2[%dma_start3A_29] : memref<4194304xi32, #tpu.memory_space<hbm>> -> memref<4194304xi32, #tpu.memory_space<hbm>>
    tpu.enqueue_indirect_dma source(%dma_start3A_30 : memref<4194304xi32, #tpu.memory_space<hbm>>) target(%arg16 : memref<64xi32, #tpu.memory_space<vmem>>) offsets(%arg12 : memref<64xi32, #tpu.memory_space<vmem>>) semaphore(%arg28 : memref<!tpu.dma_semaphore, #tpu.memory_space<semaphore_mem>>)
    %dma_start3A_31 = arith.constant 0 : i32
    %dma_start3A_32 = arith.constant 0 : i32
    %dma_start3A_33 = tpu.memref_slice %arg8[%dma_start3A_31, %dma_start3A_32] : memref<2048x272xf32, #tpu.memory_space<hbm>> -> memref<2048x272xf32, #tpu.memory_space<hbm>>
    tpu.enqueue_indirect_dma source(%dma_start3A_33 : memref<2048x272xf32, #tpu.memory_space<hbm>>) target(%arg21 : memref<64x272xf32, #tpu.memory_space<vmem>>) offsets(%arg13 : memref<64xi32, #tpu.memory_space<vmem>>) semaphore(%arg33 : memref<!tpu.dma_semaphore, #tpu.memory_space<semaphore_mem>>)
    %dma_start3A_34 = arith.constant 0 : i32
    %dma_start3A_35 = arith.constant 0 : i32
    %dma_start3A_36 = tpu.memref_slice %arg8[%dma_start3A_34, %dma_start3A_35] : memref<2048x272xf32, #tpu.memory_space<hbm>> -> memref<2048x272xf32, #tpu.memory_space<hbm>>
    tpu.enqueue_indirect_dma source(%dma_start3A_36 : memref<2048x272xf32, #tpu.memory_space<hbm>>) target(%arg22 : memref<64x272xf32, #tpu.memory_space<vmem>>) offsets(%arg14 : memref<64xi32, #tpu.memory_space<vmem>>) semaphore(%arg34 : memref<!tpu.dma_semaphore, #tpu.memory_space<semaphore_mem>>)
    %scan3A = arith.constant 0 : i32
    %scan3A_37 = arith.constant 0 : i32
    %scan3A_38 = arith.constant 16 : i32
    %scan3A_39 = arith.addi %scan3A_37, %scan3A_38 : i32
    %scan3A_40 = arith.constant 1 : i32
    scf.for %scan3A_66 = %scan3A_37 to %scan3A_39 step %scan3A_40  : i32 {
      %mul3A_67 = arith.constant 2 : i32
      %mul3A_68 = arith.muli %scan3A_66, %mul3A_67 : i32
      %add3A_69 = arith.constant 0 : i32
      %add3A_70 = arith.addi %mul3A_68, %add3A_69 : i32
      %add3A_71 = arith.constant 1 : i32
      %add3A_72 = arith.addi %add3A_70, %add3A_71 : i32
      %lt3A = arith.constant 32 : i32
      %lt3A_73 = arith.cmpi slt, %add3A_72, %lt3A : i32
      %convert_element_type3A = arith.extui %lt3A_73 : i1 to i32
      %cond3A = arith.constant 0 : i32
      %cond3A_74 = arith.cmpi ne, %convert_element_type3A, %cond3A : i32
      scf.if %cond3A_74 {
        %add3A_228 = arith.constant 1 : i32
        %add3A_229 = arith.addi %add3A_70, %add3A_228 : i32
        %mul3A_230 = arith.constant 64 : i32
        %mul3A_231 = arith.muli %add3A_229, %mul3A_230 : i32
        %add3A_232 = arith.addi %mul3A_2, %mul3A_231 : i32
        %dma_start3A_233 = tpu.memref_slice %arg3[%add3A_232] : memref<65536xi32, #tpu.memory_space<hbm>> -> memref<64xi32, #tpu.memory_space<hbm>>
        %dma_start3A_234 = tpu.memref_slice %arg3[%add3A_232] : memref<65536xi32, #tpu.memory_space<hbm>> -> memref<64xi32, #tpu.memory_space<hbm>>
        tpu.enqueue_dma source(%dma_start3A_234 : memref<64xi32, #tpu.memory_space<hbm>>) target(%arg35 : memref<64xi32, #tpu.memory_space<vmem>>) target_semaphore(%arg47 : memref<!tpu.dma_semaphore, #tpu.memory_space<semaphore_mem>>)
        %dma_start3A_235 = tpu.memref_slice %arg4[%add3A_232] : memref<65536xi32, #tpu.memory_space<hbm>> -> memref<64xi32, #tpu.memory_space<hbm>>
        %dma_start3A_236 = tpu.memref_slice %arg4[%add3A_232] : memref<65536xi32, #tpu.memory_space<hbm>> -> memref<64xi32, #tpu.memory_space<hbm>>
        tpu.enqueue_dma source(%dma_start3A_236 : memref<64xi32, #tpu.memory_space<hbm>>) target(%arg36 : memref<64xi32, #tpu.memory_space<vmem>>) target_semaphore(%arg48 : memref<!tpu.dma_semaphore, #tpu.memory_space<semaphore_mem>>)
        %dma_start3A_237 = tpu.memref_slice %arg5[%add3A_232] : memref<65536xi32, #tpu.memory_space<hbm>> -> memref<64xi32, #tpu.memory_space<hbm>>
        %dma_start3A_238 = tpu.memref_slice %arg5[%add3A_232] : memref<65536xi32, #tpu.memory_space<hbm>> -> memref<64xi32, #tpu.memory_space<hbm>>
        tpu.enqueue_dma source(%dma_start3A_238 : memref<64xi32, #tpu.memory_space<hbm>>) target(%arg37 : memref<64xi32, #tpu.memory_space<vmem>>) target_semaphore(%arg49 : memref<!tpu.dma_semaphore, #tpu.memory_space<semaphore_mem>>)
        %dma_start3A_239 = tpu.memref_slice %arg6[%add3A_232] : memref<65536xi32, #tpu.memory_space<hbm>> -> memref<64xi32, #tpu.memory_space<hbm>>
        %dma_start3A_240 = tpu.memref_slice %arg6[%add3A_232] : memref<65536xi32, #tpu.memory_space<hbm>> -> memref<64xi32, #tpu.memory_space<hbm>>
        tpu.enqueue_dma source(%dma_start3A_240 : memref<64xi32, #tpu.memory_space<hbm>>) target(%arg38 : memref<64xi32, #tpu.memory_space<vmem>>) target_semaphore(%arg50 : memref<!tpu.dma_semaphore, #tpu.memory_space<semaphore_mem>>)
      } else {
      }
      %dma_wait3A_75 = arith.constant 0 : i32
      %dma_wait3A_76 = tpu.memref_slice %arg2[%dma_wait3A_75] : memref<4194304xi32, #tpu.memory_space<hbm>> -> memref<64xi32, #tpu.memory_space<hbm>>
      %dma_wait3A_77 = arith.constant 0 : i32
      %dma_wait3A_78 = tpu.memref_slice %arg2[%dma_wait3A_77] : memref<4194304xi32, #tpu.memory_space<hbm>> -> memref<64xi32, #tpu.memory_space<hbm>>
      tpu.wait_dma2 semaphore(%arg27 : memref<!tpu.dma_semaphore, #tpu.memory_space<semaphore_mem>>) src(%dma_wait3A_78 : memref<64xi32, #tpu.memory_space<hbm>>) dst(%arg15 : memref<64xi32, #tpu.memory_space<vmem>>)
      %dma_wait3A_79 = arith.constant 0 : i32
      %dma_wait3A_80 = tpu.memref_slice %arg2[%dma_wait3A_79] : memref<4194304xi32, #tpu.memory_space<hbm>> -> memref<64xi32, #tpu.memory_space<hbm>>
      %dma_wait3A_81 = arith.constant 0 : i32
      %dma_wait3A_82 = tpu.memref_slice %arg2[%dma_wait3A_81] : memref<4194304xi32, #tpu.memory_space<hbm>> -> memref<64xi32, #tpu.memory_space<hbm>>
      tpu.wait_dma2 semaphore(%arg28 : memref<!tpu.dma_semaphore, #tpu.memory_space<semaphore_mem>>) src(%dma_wait3A_82 : memref<64xi32, #tpu.memory_space<hbm>>) dst(%arg16 : memref<64xi32, #tpu.memory_space<vmem>>)
      %mul3A_83 = arith.constant 64 : i32
      %mul3A_84 = arith.muli %add3A_70, %mul3A_83 : i32
      %add3A_85 = arith.addi %mul3A_2, %mul3A_84 : i32
      %scan3A_86 = arith.constant 0 : i32
      %scan3A_87 = arith.constant 0 : i32
      %scan3A_88 = arith.constant 4 : i32
      %scan3A_89 = arith.addi %scan3A_87, %scan3A_88 : i32
      %scan3A_90 = arith.constant 1 : i32
      scf.for %scan3A_228 = %scan3A_87 to %scan3A_89 step %scan3A_90  : i32 {
        %mul3A_229 = arith.constant 16 : i32
        %mul3A_230 = arith.muli %scan3A_228, %mul3A_229 : i32
        %get3A = arith.index_cast %mul3A_230 : i32 to index
        %get3A_231 = tpu.vector_load %arg15[%get3A] {strides = array<i32>} : memref<64xi32, #tpu.memory_space<vmem>>, vector<16xi32>,
        %get3A_232 = vector.shape_cast %get3A_231 : vector<16xi32> to vector<16xi32>
        %sub3A = arith.constant 1 : i32
        %sub3A_233 = vector.broadcast %sub3A : i32 to vector<16xi32>
        %sub3A_234 = arith.subi %get3A_232, %sub3A_233 : vector<16xi32>
        %mul3A_235 = arith.constant 16 : i32
        %mul3A_236 = arith.muli %scan3A_228, %mul3A_235 : i32
        %swap3A = arith.index_cast %mul3A_236 : i32 to index
        %swap3A_237 = tpu.vector_load %arg17[%swap3A] {strides = array<i32>} : memref<64xi32, #tpu.memory_space<vmem>>, vector<16xi32>,
        %swap3A_238 = vector.shape_cast %swap3A_237 : vector<16xi32> to vector<16xi32>
        %swap3A_239 = vector.shape_cast %sub3A_234 : vector<16xi32> to vector<16xi32>
        tpu.vector_store %arg17[%swap3A], %swap3A_239 {strides = array<i32>} : memref<64xi32, #tpu.memory_space<vmem>>, vector<16xi32>,
        %mul3A_240 = arith.constant 16 : i32
        %mul3A_241 = arith.muli %scan3A_228, %mul3A_240 : i32
        %get3A_242 = arith.index_cast %mul3A_241 : i32 to index
        %get3A_243 = tpu.vector_load %arg16[%get3A_242] {strides = array<i32>} : memref<64xi32, #tpu.memory_space<vmem>>, vector<16xi32>,
        %get3A_244 = vector.shape_cast %get3A_243 : vector<16xi32> to vector<16xi32>
        %mul3A_245 = arith.constant 16 : i32
        %mul3A_246 = arith.muli %scan3A_228, %mul3A_245 : i32
        %add3A_247 = arith.addi %add3A_85, %mul3A_246 : i32
        %iota3A = tpu.iota {dimensions = array<i32: 0>} : vector<16xi32>
        %add3A_248 = vector.broadcast %add3A_247 : i32 to vector<16xi32>
        %add3A_249 = arith.addi %add3A_248, %iota3A : vector<16xi32>
        %and3A = arith.constant 127 : i32
        %and3A_250 = vector.broadcast %and3A : i32 to vector<16xi32>
        %and3A_251 = arith.andi %add3A_249, %and3A_250 : vector<16xi32>
        %add3A_252 = arith.constant 65536 : i32
        %add3A_253 = vector.broadcast %add3A_252 : i32 to vector<16xi32>
        %add3A_254 = arith.addi %add3A_253, %and3A_251 : vector<16xi32>
        %gt3A = arith.constant 0 : i32
        %gt3A_255 = vector.broadcast %gt3A : i32 to vector<16xi32>
        %gt3A_256 = arith.cmpi sgt, %get3A_244, %gt3A_255 : vector<16xi32>
        %sub3A_257 = arith.constant 1 : i32
        %sub3A_258 = vector.broadcast %sub3A_257 : i32 to vector<16xi32>
        %sub3A_259 = arith.subi %get3A_244, %sub3A_258 : vector<16xi32>
        %select_n3A = arith.select %gt3A_256, %sub3A_259, %add3A_254 : vector<16xi1>, vector<16xi32>
        %mul3A_260 = arith.constant 16 : i32
        %mul3A_261 = arith.muli %scan3A_228, %mul3A_260 : i32
        %swap3A_262 = arith.index_cast %mul3A_261 : i32 to index
        %swap3A_263 = tpu.vector_load %arg18[%swap3A_262] {strides = array<i32>} : memref<64xi32, #tpu.memory_space<vmem>>, vector<16xi32>,
        %swap3A_264 = vector.shape_cast %swap3A_263 : vector<16xi32> to vector<16xi32>
        %swap3A_265 = vector.shape_cast %select_n3A : vector<16xi32> to vector<16xi32>
        tpu.vector_store %arg18[%swap3A_262], %swap3A_265 {strides = array<i32>} : memref<64xi32, #tpu.memory_space<vmem>>, vector<16xi32>,
      }
      %scan3A_91 = arith.constant 4 : i32
      %dma_start3A_92 = arith.constant 0 : i32
      %dma_start3A_93 = arith.constant 0 : i32
      %dma_start3A_94 = tpu.memref_slice %arg7[%dma_start3A_92, %dma_start3A_93] : memref<65664x16xf32, #tpu.memory_space<hbm>> -> memref<65664x16xf32, #tpu.memory_space<hbm>>
      tpu.enqueue_indirect_dma source(%dma_start3A_94 : memref<65664x16xf32, #tpu.memory_space<hbm>>) target(%arg19 : memref<64x16xf32, #tpu.memory_space<vmem>>) offsets(%arg17 : memref<64xi32, #tpu.memory_space<vmem>>) semaphore(%arg29 : memref<!tpu.dma_semaphore, #tpu.memory_space<semaphore_mem>>)
      %dma_start3A_95 = arith.constant 0 : i32
      %dma_start3A_96 = arith.constant 0 : i32
      %dma_start3A_97 = tpu.memref_slice %arg7[%dma_start3A_95, %dma_start3A_96] : memref<65664x16xf32, #tpu.memory_space<hbm>> -> memref<65664x16xf32, #tpu.memory_space<hbm>>
      tpu.enqueue_indirect_dma source(%dma_start3A_97 : memref<65664x16xf32, #tpu.memory_space<hbm>>) target(%arg20 : memref<64x16xf32, #tpu.memory_space<vmem>>) offsets(%arg18 : memref<64xi32, #tpu.memory_space<vmem>>) semaphore(%arg30 : memref<!tpu.dma_semaphore, #tpu.memory_space<semaphore_mem>>)
      %add3A_98 = arith.constant 1 : i32
      %add3A_99 = arith.addi %add3A_70, %add3A_98 : i32
      %lt3A_100 = arith.constant 32 : i32
      %lt3A_101 = arith.cmpi slt, %add3A_99, %lt3A_100 : i32
      %convert_element_type3A_102 = arith.extui %lt3A_101 : i1 to i32
      %cond3A_103 = arith.constant 0 : i32
      %cond3A_104 = arith.cmpi ne, %convert_element_type3A_102, %cond3A_103 : i32
      scf.if %cond3A_104 {
        %ge3A = arith.constant 1 : i32
        %ge3A_228 = arith.cmpi sge, %add3A_70, %ge3A : i32
        %convert_element_type3A_229 = arith.extui %ge3A_228 : i1 to i32
        %cond3A_230 = arith.constant 0 : i32
        %cond3A_231 = arith.cmpi ne, %convert_element_type3A_229, %cond3A_230 : i32
        scf.if %cond3A_231 {
          %dma_wait3A_258 = arith.constant 0 : i32
          %dma_wait3A_259 = arith.constant 0 : i32
          %dma_wait3A_260 = tpu.memref_slice %arg9[%dma_wait3A_258, %dma_wait3A_259] : memref<65536x16xf32, #tpu.memory_space<hbm>> -> memref<64x16xf32, #tpu.memory_space<hbm>>
          %dma_wait3A_261 = arith.constant 0 : i32
          %dma_wait3A_262 = arith.constant 0 : i32
          %dma_wait3A_263 = tpu.memref_slice %arg9[%dma_wait3A_261, %dma_wait3A_262] : memref<65536x16xf32, #tpu.memory_space<hbm>> -> memref<64x16xf32, #tpu.memory_space<hbm>>
          tpu.wait_dma2 semaphore(%arg55 : memref<!tpu.dma_semaphore, #tpu.memory_space<semaphore_mem>>) src(%arg44 : memref<64x16xf32, #tpu.memory_space<vmem>>) dst(%dma_wait3A_263 : memref<64x16xf32, #tpu.memory_space<hbm>>)
          %dma_wait3A_264 = arith.constant 0 : i32
          %dma_wait3A_265 = arith.constant 0 : i32
          %dma_wait3A_266 = tpu.memref_slice %arg10[%dma_wait3A_264, %dma_wait3A_265] : memref<65536x272xf32, #tpu.memory_space<hbm>> -> memref<64x272xf32, #tpu.memory_space<hbm>>
          %dma_wait3A_267 = arith.constant 0 : i32
          %dma_wait3A_268 = arith.constant 0 : i32
          %dma_wait3A_269 = tpu.memref_slice %arg10[%dma_wait3A_267, %dma_wait3A_268] : memref<65536x272xf32, #tpu.memory_space<hbm>> -> memref<64x272xf32, #tpu.memory_space<hbm>>
          tpu.wait_dma2 semaphore(%arg56 : memref<!tpu.dma_semaphore, #tpu.memory_space<semaphore_mem>>) src(%arg45 : memref<64x272xf32, #tpu.memory_space<vmem>>) dst(%dma_wait3A_269 : memref<64x272xf32, #tpu.memory_space<hbm>>)
        } else {
        }
        %dma_wait3A_232 = arith.constant 0 : i32
        %dma_wait3A_233 = tpu.memref_slice %arg3[%dma_wait3A_232] : memref<65536xi32, #tpu.memory_space<hbm>> -> memref<64xi32, #tpu.memory_space<hbm>>
        %dma_wait3A_234 = arith.constant 0 : i32
        %dma_wait3A_235 = tpu.memref_slice %arg3[%dma_wait3A_234] : memref<65536xi32, #tpu.memory_space<hbm>> -> memref<64xi32, #tpu.memory_space<hbm>>
        tpu.wait_dma2 semaphore(%arg47 : memref<!tpu.dma_semaphore, #tpu.memory_space<semaphore_mem>>) src(%dma_wait3A_235 : memref<64xi32, #tpu.memory_space<hbm>>) dst(%arg35 : memref<64xi32, #tpu.memory_space<vmem>>)
        %dma_wait3A_236 = arith.constant 0 : i32
        %dma_wait3A_237 = tpu.memref_slice %arg3[%dma_wait3A_236] : memref<65536xi32, #tpu.memory_space<hbm>> -> memref<64xi32, #tpu.memory_space<hbm>>
        %dma_wait3A_238 = arith.constant 0 : i32
        %dma_wait3A_239 = tpu.memref_slice %arg3[%dma_wait3A_238] : memref<65536xi32, #tpu.memory_space<hbm>> -> memref<64xi32, #tpu.memory_space<hbm>>
        tpu.wait_dma2 semaphore(%arg48 : memref<!tpu.dma_semaphore, #tpu.memory_space<semaphore_mem>>) src(%dma_wait3A_239 : memref<64xi32, #tpu.memory_space<hbm>>) dst(%arg36 : memref<64xi32, #tpu.memory_space<vmem>>)
        %dma_wait3A_240 = arith.constant 0 : i32
        %dma_wait3A_241 = tpu.memref_slice %arg3[%dma_wait3A_240] : memref<65536xi32, #tpu.memory_space<hbm>> -> memref<64xi32, #tpu.memory_space<hbm>>
        %dma_wait3A_242 = arith.constant 0 : i32
        %dma_wait3A_243 = tpu.memref_slice %arg3[%dma_wait3A_242] : memref<65536xi32, #tpu.memory_space<hbm>> -> memref<64xi32, #tpu.memory_space<hbm>>
        tpu.wait_dma2 semaphore(%arg49 : memref<!tpu.dma_semaphore, #tpu.memory_space<semaphore_mem>>) src(%dma_wait3A_243 : memref<64xi32, #tpu.memory_space<hbm>>) dst(%arg37 : memref<64xi32, #tpu.memory_space<vmem>>)
        %dma_wait3A_244 = arith.constant 0 : i32
        %dma_wait3A_245 = tpu.memref_slice %arg3[%dma_wait3A_244] : memref<65536xi32, #tpu.memory_space<hbm>> -> memref<64xi32, #tpu.memory_space<hbm>>
        %dma_wait3A_246 = arith.constant 0 : i32
        %dma_wait3A_247 = tpu.memref_slice %arg3[%dma_wait3A_246] : memref<65536xi32, #tpu.memory_space<hbm>> -> memref<64xi32, #tpu.memory_space<hbm>>
        tpu.wait_dma2 semaphore(%arg50 : memref<!tpu.dma_semaphore, #tpu.memory_space<semaphore_mem>>) src(%dma_wait3A_247 : memref<64xi32, #tpu.memory_space<hbm>>) dst(%arg38 : memref<64xi32, #tpu.memory_space<vmem>>)
        %dma_start3A_248 = arith.constant 0 : i32
        %dma_start3A_249 = tpu.memref_slice %arg2[%dma_start3A_248] : memref<4194304xi32, #tpu.memory_space<hbm>> -> memref<4194304xi32, #tpu.memory_space<hbm>>
        tpu.enqueue_indirect_dma source(%dma_start3A_249 : memref<4194304xi32, #tpu.memory_space<hbm>>) target(%arg39 : memref<64xi32, #tpu.memory_space<vmem>>) offsets(%arg35 : memref<64xi32, #tpu.memory_space<vmem>>) semaphore(%arg51 : memref<!tpu.dma_semaphore, #tpu.memory_space<semaphore_mem>>)
        %dma_start3A_250 = arith.constant 0 : i32
        %dma_start3A_251 = tpu.memref_slice %arg2[%dma_start3A_250] : memref<4194304xi32, #tpu.memory_space<hbm>> -> memref<4194304xi32, #tpu.memory_space<hbm>>
        tpu.enqueue_indirect_dma source(%dma_start3A_251 : memref<4194304xi32, #tpu.memory_space<hbm>>) target(%arg40 : memref<64xi32, #tpu.memory_space<vmem>>) offsets(%arg36 : memref<64xi32, #tpu.memory_space<vmem>>) semaphore(%arg52 : memref<!tpu.dma_semaphore, #tpu.memory_space<semaphore_mem>>)
        %dma_start3A_252 = arith.constant 0 : i32
        %dma_start3A_253 = arith.constant 0 : i32
        %dma_start3A_254 = tpu.memref_slice %arg8[%dma_start3A_252, %dma_start3A_253] : memref<2048x272xf32, #tpu.memory_space<hbm>> -> memref<2048x272xf32, #tpu.memory_space<hbm>>
        tpu.enqueue_indirect_dma source(%dma_start3A_254 : memref<2048x272xf32, #tpu.memory_space<hbm>>) target(%arg45 : memref<64x272xf32, #tpu.memory_space<vmem>>) offsets(%arg37 : memref<64xi32, #tpu.memory_space<vmem>>) semaphore(%arg57 : memref<!tpu.dma_semaphore, #tpu.memory_space<semaphore_mem>>)
        %dma_start3A_255 = arith.constant 0 : i32
        %dma_start3A_256 = arith.constant 0 : i32
        %dma_start3A_257 = tpu.memref_slice %arg8[%dma_start3A_255, %dma_start3A_256] : memref<2048x272xf32, #tpu.memory_space<hbm>> -> memref<2048x272xf32, #tpu.memory_space<hbm>>
        tpu.enqueue_indirect_dma source(%dma_start3A_257 : memref<2048x272xf32, #tpu.memory_space<hbm>>) target(%arg46 : memref<64x272xf32, #tpu.memory_space<vmem>>) offsets(%arg38 : memref<64xi32, #tpu.memory_space<vmem>>) semaphore(%arg58 : memref<!tpu.dma_semaphore, #tpu.memory_space<semaphore_mem>>)
      } else {
      }
      %dma_wait3A_105 = arith.constant 0 : i32
      %dma_wait3A_106 = arith.constant 0 : i32
      %dma_wait3A_107 = tpu.memref_slice %arg7[%dma_wait3A_105, %dma_wait3A_106] : memref<65664x16xf32, #tpu.memory_space<hbm>> -> memref<64x16xf32, #tpu.memory_space<hbm>>
      %dma_wait3A_108 = arith.constant 0 : i32
      %dma_wait3A_109 = arith.constant 0 : i32
      %dma_wait3A_110 = tpu.memref_slice %arg7[%dma_wait3A_108, %dma_wait3A_109] : memref<65664x16xf32, #tpu.memory_space<hbm>> -> memref<64x16xf32, #tpu.memory_space<hbm>>
      tpu.wait_dma2 semaphore(%arg29 : memref<!tpu.dma_semaphore, #tpu.memory_space<semaphore_mem>>) src(%dma_wait3A_110 : memref<64x16xf32, #tpu.memory_space<hbm>>) dst(%arg19 : memref<64x16xf32, #tpu.memory_space<vmem>>)
      %dma_wait3A_111 = arith.constant 0 : i32
      %dma_wait3A_112 = arith.constant 0 : i32
      %dma_wait3A_113 = tpu.memref_slice %arg7[%dma_wait3A_111, %dma_wait3A_112] : memref<65664x16xf32, #tpu.memory_space<hbm>> -> memref<64x16xf32, #tpu.memory_space<hbm>>
      %dma_wait3A_114 = arith.constant 0 : i32
      %dma_wait3A_115 = arith.constant 0 : i32
      %dma_wait3A_116 = tpu.memref_slice %arg7[%dma_wait3A_114, %dma_wait3A_115] : memref<65664x16xf32, #tpu.memory_space<hbm>> -> memref<64x16xf32, #tpu.memory_space<hbm>>
      tpu.wait_dma2 semaphore(%arg30 : memref<!tpu.dma_semaphore, #tpu.memory_space<semaphore_mem>>) src(%dma_wait3A_116 : memref<64x16xf32, #tpu.memory_space<hbm>>) dst(%arg20 : memref<64x16xf32, #tpu.memory_space<vmem>>)
      %dma_wait3A_117 = arith.constant 0 : i32
      %dma_wait3A_118 = arith.constant 0 : i32
      %dma_wait3A_119 = tpu.memref_slice %arg8[%dma_wait3A_117, %dma_wait3A_118] : memref<2048x272xf32, #tpu.memory_space<hbm>> -> memref<64x272xf32, #tpu.memory_space<hbm>>
      %dma_wait3A_120 = arith.constant 0 : i32
      %dma_wait3A_121 = arith.constant 0 : i32
      %dma_wait3A_122 = tpu.memref_slice %arg8[%dma_wait3A_120, %dma_wait3A_121] : memref<2048x272xf32, #tpu.memory_space<hbm>> -> memref<64x272xf32, #tpu.memory_space<hbm>>
      tpu.wait_dma2 semaphore(%arg33 : memref<!tpu.dma_semaphore, #tpu.memory_space<semaphore_mem>>) src(%dma_wait3A_122 : memref<64x272xf32, #tpu.memory_space<hbm>>) dst(%arg21 : memref<64x272xf32, #tpu.memory_space<vmem>>)
      %dma_wait3A_123 = arith.constant 0 : i32
      %dma_wait3A_124 = arith.constant 0 : i32
      %dma_wait3A_125 = tpu.memref_slice %arg8[%dma_wait3A_123, %dma_wait3A_124] : memref<2048x272xf32, #tpu.memory_space<hbm>> -> memref<64x272xf32, #tpu.memory_space<hbm>>
      %dma_wait3A_126 = arith.constant 0 : i32
      %dma_wait3A_127 = arith.constant 0 : i32
      %dma_wait3A_128 = tpu.memref_slice %arg8[%dma_wait3A_126, %dma_wait3A_127] : memref<2048x272xf32, #tpu.memory_space<hbm>> -> memref<64x272xf32, #tpu.memory_space<hbm>>
      tpu.wait_dma2 semaphore(%arg34 : memref<!tpu.dma_semaphore, #tpu.memory_space<semaphore_mem>>) src(%dma_wait3A_128 : memref<64x272xf32, #tpu.memory_space<hbm>>) dst(%arg22 : memref<64x272xf32, #tpu.memory_space<vmem>>)
      %scan3A_129 = arith.constant 0 : i32
      %scan3A_130 = arith.constant 0 : i32
      %scan3A_131 = arith.constant 64 : i32
      %scan3A_132 = arith.addi %scan3A_130, %scan3A_131 : i32
      %scan3A_133 = arith.constant 1 : i32
      scf.for %scan3A_228 = %scan3A_130 to %scan3A_132 step %scan3A_133  : i32 {
        %get3A = arith.index_cast %scan3A_228 : i32 to index
        %get3A_229 = arith.constant 0 : index
        %get3A_230 = tpu.vector_load %arg19[%get3A, %get3A_229] {strides = array<i32>} : memref<64x16xf32, #tpu.memory_space<vmem>>, vector<1x16xf32>,
        %get3A_231 = vector.shape_cast %get3A_230 : vector<1x16xf32> to vector<16xf32>
        %get3A_232 = arith.index_cast %scan3A_228 : i32 to index
        %get3A_233 = arith.constant 0 : index
        %get3A_234 = tpu.vector_load %arg20[%get3A_232, %get3A_233] {strides = array<i32>} : memref<64x16xf32, #tpu.memory_space<vmem>>, vector<1x16xf32>,
        %get3A_235 = vector.shape_cast %get3A_234 : vector<1x16xf32> to vector<16xf32>
        %add3A_236 = arith.addf %get3A_231, %get3A_235 : vector<16xf32>
        %mul3A_237 = arith.constant 5.000000e-01 : f32
        %mul3A_238 = vector.broadcast %mul3A_237 : f32 to vector<16xf32>
        %mul3A_239 = arith.mulf %mul3A_238, %add3A_236 : vector<16xf32>
        %swap3A = arith.index_cast %scan3A_228 : i32 to index
        %swap3A_240 = arith.constant 0 : index
        %swap3A_241 = tpu.vector_load %arg20[%swap3A, %swap3A_240] {strides = array<i32>} : memref<64x16xf32, #tpu.memory_space<vmem>>, vector<1x16xf32>,
        %swap3A_242 = vector.shape_cast %swap3A_241 : vector<1x16xf32> to vector<16xf32>
        %swap3A_243 = vector.shape_cast %mul3A_239 : vector<16xf32> to vector<1x16xf32>
        tpu.vector_store %arg20[%swap3A, %swap3A_240], %swap3A_243 {strides = array<i32>} : memref<64x16xf32, #tpu.memory_space<vmem>>, vector<1x16xf32>,
        %get3A_244 = arith.index_cast %scan3A_228 : i32 to index
        %get3A_245 = arith.constant 0 : index
        %get3A_246 = tpu.vector_load %arg21[%get3A_244, %get3A_245] {strides = array<i32>} : memref<64x272xf32, #tpu.memory_space<vmem>>, vector<1x16xf32>,
        %get3A_247 = vector.shape_cast %get3A_246 : vector<1x16xf32> to vector<16xf32>
        %get3A_248 = arith.index_cast %scan3A_228 : i32 to index
        %get3A_249 = arith.constant 0 : index
        %get3A_250 = tpu.vector_load %arg22[%get3A_248, %get3A_249] {strides = array<i32>} : memref<64x272xf32, #tpu.memory_space<vmem>>, vector<1x16xf32>,
        %get3A_251 = vector.shape_cast %get3A_250 : vector<1x16xf32> to vector<16xf32>
        %add3A_252 = arith.addf %get3A_247, %get3A_251 : vector<16xf32>
        %swap3A_253 = arith.index_cast %scan3A_228 : i32 to index
        %swap3A_254 = arith.constant 0 : index
        %swap3A_255 = tpu.vector_load %arg21[%swap3A_253, %swap3A_254] {strides = array<i32>} : memref<64x272xf32, #tpu.memory_space<vmem>>, vector<1x16xf32>,
        %swap3A_256 = vector.shape_cast %swap3A_255 : vector<1x16xf32> to vector<16xf32>
        %swap3A_257 = vector.shape_cast %add3A_252 : vector<16xf32> to vector<1x16xf32>
        tpu.vector_store %arg21[%swap3A_253, %swap3A_254], %swap3A_257 {strides = array<i32>} : memref<64x272xf32, #tpu.memory_space<vmem>>, vector<1x16xf32>,
        %get3A_258 = arith.index_cast %scan3A_228 : i32 to index
        %get3A_259 = arith.constant 16 : index
        %get3A_260 = tpu.vector_load %arg21[%get3A_258, %get3A_259] {strides = array<i32>} : memref<64x272xf32, #tpu.memory_space<vmem>>, vector<1x16xf32>,
        %get3A_261 = vector.shape_cast %get3A_260 : vector<1x16xf32> to vector<16xf32>
        %get3A_262 = arith.index_cast %scan3A_228 : i32 to index
        %get3A_263 = arith.constant 16 : index
        %get3A_264 = tpu.vector_load %arg22[%get3A_262, %get3A_263] {strides = array<i32>} : memref<64x272xf32, #tpu.memory_space<vmem>>, vector<1x16xf32>,
        %get3A_265 = vector.shape_cast %get3A_264 : vector<1x16xf32> to vector<16xf32>
        %add3A_266 = arith.addf %get3A_261, %get3A_265 : vector<16xf32>
        %swap3A_267 = arith.index_cast %scan3A_228 : i32 to index
        %swap3A_268 = arith.constant 16 : index
        %swap3A_269 = tpu.vector_load %arg21[%swap3A_267, %swap3A_268] {strides = array<i32>} : memref<64x272xf32, #tpu.memory_space<vmem>>, vector<1x16xf32>,
        %swap3A_270 = vector.shape_cast %swap3A_269 : vector<1x16xf32> to vector<16xf32>
        %swap3A_271 = vector.shape_cast %add3A_266 : vector<16xf32> to vector<1x16xf32>
        tpu.vector_store %arg21[%swap3A_267, %swap3A_268], %swap3A_271 {strides = array<i32>} : memref<64x272xf32, #tpu.memory_space<vmem>>, vector<1x16xf32>,
        %get3A_272 = arith.index_cast %scan3A_228 : i32 to index
        %get3A_273 = arith.constant 32 : index
        %get3A_274 = tpu.vector_load %arg21[%get3A_272, %get3A_273] {strides = array<i32>} : memref<64x272xf32, #tpu.memory_space<vmem>>, vector<1x16xf32>,
        %get3A_275 = vector.shape_cast %get3A_274 : vector<1x16xf32> to vector<16xf32>
        %get3A_276 = arith.index_cast %scan3A_228 : i32 to index
        %get3A_277 = arith.constant 32 : index
        %get3A_278 = tpu.vector_load %arg22[%get3A_276, %get3A_277] {strides = array<i32>} : memref<64x272xf32, #tpu.memory_space<vmem>>, vector<1x16xf32>,
        %get3A_279 = vector.shape_cast %get3A_278 : vector<1x16xf32> to vector<16xf32>
        %add3A_280 = arith.addf %get3A_275, %get3A_279 : vector<16xf32>
        %swap3A_281 = arith.index_cast %scan3A_228 : i32 to index
        %swap3A_282 = arith.constant 32 : index
        %swap3A_283 = tpu.vector_load %arg21[%swap3A_281, %swap3A_282] {strides = array<i32>} : memref<64x272xf32, #tpu.memory_space<vmem>>, vector<1x16xf32>,
        %swap3A_284 = vector.shape_cast %swap3A_283 : vector<1x16xf32> to vector<16xf32>
        %swap3A_285 = vector.shape_cast %add3A_280 : vector<16xf32> to vector<1x16xf32>
        tpu.vector_store %arg21[%swap3A_281, %swap3A_282], %swap3A_285 {strides = array<i32>} : memref<64x272xf32, #tpu.memory_space<vmem>>, vector<1x16xf32>,
        %get3A_286 = arith.index_cast %scan3A_228 : i32 to index
        %get3A_287 = arith.constant 48 : index
        %get3A_288 = tpu.vector_load %arg21[%get3A_286, %get3A_287] {strides = array<i32>} : memref<64x272xf32, #tpu.memory_space<vmem>>, vector<1x16xf32>,
        %get3A_289 = vector.shape_cast %get3A_288 : vector<1x16xf32> to vector<16xf32>
        %get3A_290 = arith.index_cast %scan3A_228 : i32 to index
        %get3A_291 = arith.constant 48 : index
        %get3A_292 = tpu.vector_load %arg22[%get3A_290, %get3A_291] {strides = array<i32>} : memref<64x272xf32, #tpu.memory_space<vmem>>, vector<1x16xf32>,
        %get3A_293 = vector.shape_cast %get3A_292 : vector<1x16xf32> to vector<16xf32>
        %add3A_294 = arith.addf %get3A_289, %get3A_293 : vector<16xf32>
        %swap3A_295 = arith.index_cast %scan3A_228 : i32 to index
        %swap3A_296 = arith.constant 48 : index
        %swap3A_297 = tpu.vector_load %arg21[%swap3A_295, %swap3A_296] {strides = array<i32>} : memref<64x272xf32, #tpu.memory_space<vmem>>, vector<1x16xf32>,
        %swap3A_298 = vector.shape_cast %swap3A_297 : vector<1x16xf32> to vector<16xf32>
        %swap3A_299 = vector.shape_cast %add3A_294 : vector<16xf32> to vector<1x16xf32>
        tpu.vector_store %arg21[%swap3A_295, %swap3A_296], %swap3A_299 {strides = array<i32>} : memref<64x272xf32, #tpu.memory_space<vmem>>, vector<1x16xf32>,
        %get3A_300 = arith.index_cast %scan3A_228 : i32 to index
        %get3A_301 = arith.constant 64 : index
        %get3A_302 = tpu.vector_load %arg21[%get3A_300, %get3A_301] {strides = array<i32>} : memref<64x272xf32, #tpu.memory_space<vmem>>, vector<1x16xf32>,
        %get3A_303 = vector.shape_cast %get3A_302 : vector<1x16xf32> to vector<16xf32>
        %get3A_304 = arith.index_cast %scan3A_228 : i32 to index
        %get3A_305 = arith.constant 64 : index
        %get3A_306 = tpu.vector_load %arg22[%get3A_304, %get3A_305] {strides = array<i32>} : memref<64x272xf32, #tpu.memory_space<vmem>>, vector<1x16xf32>,
        %get3A_307 = vector.shape_cast %get3A_306 : vector<1x16xf32> to vector<16xf32>
        %add3A_308 = arith.addf %get3A_303, %get3A_307 : vector<16xf32>
        %swap3A_309 = arith.index_cast %scan3A_228 : i32 to index
        %swap3A_310 = arith.constant 64 : index
        %swap3A_311 = tpu.vector_load %arg21[%swap3A_309, %swap3A_310] {strides = array<i32>} : memref<64x272xf32, #tpu.memory_space<vmem>>, vector<1x16xf32>,
        %swap3A_312 = vector.shape_cast %swap3A_311 : vector<1x16xf32> to vector<16xf32>
        %swap3A_313 = vector.shape_cast %add3A_308 : vector<16xf32> to vector<1x16xf32>
        tpu.vector_store %arg21[%swap3A_309, %swap3A_310], %swap3A_313 {strides = array<i32>} : memref<64x272xf32, #tpu.memory_space<vmem>>, vector<1x16xf32>,
        %get3A_314 = arith.index_cast %scan3A_228 : i32 to index
        %get3A_315 = arith.constant 80 : index
        %get3A_316 = tpu.vector_load %arg21[%get3A_314, %get3A_315] {strides = array<i32>} : memref<64x272xf32, #tpu.memory_space<vmem>>, vector<1x16xf32>,
        %get3A_317 = vector.shape_cast %get3A_316 : vector<1x16xf32> to vector<16xf32>
        %get3A_318 = arith.index_cast %scan3A_228 : i32 to index
        %get3A_319 = arith.constant 80 : index
        %get3A_320 = tpu.vector_load %arg22[%get3A_318, %get3A_319] {strides = array<i32>} : memref<64x272xf32, #tpu.memory_space<vmem>>, vector<1x16xf32>,
        %get3A_321 = vector.shape_cast %get3A_320 : vector<1x16xf32> to vector<16xf32>
        %add3A_322 = arith.addf %get3A_317, %get3A_321 : vector<16xf32>
        %swap3A_323 = arith.index_cast %scan3A_228 : i32 to index
        %swap3A_324 = arith.constant 80 : index
        %swap3A_325 = tpu.vector_load %arg21[%swap3A_323, %swap3A_324] {strides = array<i32>} : memref<64x272xf32, #tpu.memory_space<vmem>>, vector<1x16xf32>,
        %swap3A_326 = vector.shape_cast %swap3A_325 : vector<1x16xf32> to vector<16xf32>
        %swap3A_327 = vector.shape_cast %add3A_322 : vector<16xf32> to vector<1x16xf32>
        tpu.vector_store %arg21[%swap3A_323, %swap3A_324], %swap3A_327 {strides = array<i32>} : memref<64x272xf32, #tpu.memory_space<vmem>>, vector<1x16xf32>,
        %get3A_328 = arith.index_cast %scan3A_228 : i32 to index
        %get3A_329 = arith.constant 96 : index
        %get3A_330 = tpu.vector_load %arg21[%get3A_328, %get3A_329] {strides = array<i32>} : memref<64x272xf32, #tpu.memory_space<vmem>>, vector<1x16xf32>,
        %get3A_331 = vector.shape_cast %get3A_330 : vector<1x16xf32> to vector<16xf32>
        %get3A_332 = arith.index_cast %scan3A_228 : i32 to index
        %get3A_333 = arith.constant 96 : index
        %get3A_334 = tpu.vector_load %arg22[%get3A_332, %get3A_333] {strides = array<i32>} : memref<64x272xf32, #tpu.memory_space<vmem>>, vector<1x16xf32>,
        %get3A_335 = vector.shape_cast %get3A_334 : vector<1x16xf32> to vector<16xf32>
        %add3A_336 = arith.addf %get3A_331, %get3A_335 : vector<16xf32>
        %swap3A_337 = arith.index_cast %scan3A_228 : i32 to index
        %swap3A_338 = arith.constant 96 : index
        %swap3A_339 = tpu.vector_load %arg21[%swap3A_337, %swap3A_338] {strides = array<i32>} : memref<64x272xf32, #tpu.memory_space<vmem>>, vector<1x16xf32>,
        %swap3A_340 = vector.shape_cast %swap3A_339 : vector<1x16xf32> to vector<16xf32>
        %swap3A_341 = vector.shape_cast %add3A_336 : vector<16xf32> to vector<1x16xf32>
        tpu.vector_store %arg21[%swap3A_337, %swap3A_338], %swap3A_341 {strides = array<i32>} : memref<64x272xf32, #tpu.memory_space<vmem>>, vector<1x16xf32>,
        %get3A_342 = arith.index_cast %scan3A_228 : i32 to index
        %get3A_343 = arith.constant 112 : index
        %get3A_344 = tpu.vector_load %arg21[%get3A_342, %get3A_343] {strides = array<i32>} : memref<64x272xf32, #tpu.memory_space<vmem>>, vector<1x16xf32>,
        %get3A_345 = vector.shape_cast %get3A_344 : vector<1x16xf32> to vector<16xf32>
        %get3A_346 = arith.index_cast %scan3A_228 : i32 to index
        %get3A_347 = arith.constant 112 : index
        %get3A_348 = tpu.vector_load %arg22[%get3A_346, %get3A_347] {strides = array<i32>} : memref<64x272xf32, #tpu.memory_space<vmem>>, vector<1x16xf32>,
        %get3A_349 = vector.shape_cast %get3A_348 : vector<1x16xf32> to vector<16xf32>
        %add3A_350 = arith.addf %get3A_345, %get3A_349 : vector<16xf32>
        %swap3A_351 = arith.index_cast %scan3A_228 : i32 to index
        %swap3A_352 = arith.constant 112 : index
        %swap3A_353 = tpu.vector_load %arg21[%swap3A_351, %swap3A_352] {strides = array<i32>} : memref<64x272xf32, #tpu.memory_space<vmem>>, vector<1x16xf32>,
        %swap3A_354 = vector.shape_cast %swap3A_353 : vector<1x16xf32> to vector<16xf32>
        %swap3A_355 = vector.shape_cast %add3A_350 : vector<16xf32> to vector<1x16xf32>
        tpu.vector_store %arg21[%swap3A_351, %swap3A_352], %swap3A_355 {strides = array<i32>} : memref<64x272xf32, #tpu.memory_space<vmem>>, vector<1x16xf32>,
        %get3A_356 = arith.index_cast %scan3A_228 : i32 to index
        %get3A_357 = arith.constant 128 : index
        %get3A_358 = tpu.vector_load %arg21[%get3A_356, %get3A_357] {strides = array<i32>} : memref<64x272xf32, #tpu.memory_space<vmem>>, vector<1x16xf32>,
        %get3A_359 = vector.shape_cast %get3A_358 : vector<1x16xf32> to vector<16xf32>
        %get3A_360 = arith.index_cast %scan3A_228 : i32 to index
        %get3A_361 = arith.constant 128 : index
        %get3A_362 = tpu.vector_load %arg22[%get3A_360, %get3A_361] {strides = array<i32>} : memref<64x272xf32, #tpu.memory_space<vmem>>, vector<1x16xf32>,
        %get3A_363 = vector.shape_cast %get3A_362 : vector<1x16xf32> to vector<16xf32>
        %add3A_364 = arith.addf %get3A_359, %get3A_363 : vector<16xf32>
        %swap3A_365 = arith.index_cast %scan3A_228 : i32 to index
        %swap3A_366 = arith.constant 128 : index
        %swap3A_367 = tpu.vector_load %arg21[%swap3A_365, %swap3A_366] {strides = array<i32>} : memref<64x272xf32, #tpu.memory_space<vmem>>, vector<1x16xf32>,
        %swap3A_368 = vector.shape_cast %swap3A_367 : vector<1x16xf32> to vector<16xf32>
        %swap3A_369 = vector.shape_cast %add3A_364 : vector<16xf32> to vector<1x16xf32>
        tpu.vector_store %arg21[%swap3A_365, %swap3A_366], %swap3A_369 {strides = array<i32>} : memref<64x272xf32, #tpu.memory_space<vmem>>, vector<1x16xf32>,
        %get3A_370 = arith.index_cast %scan3A_228 : i32 to index
        %get3A_371 = arith.constant 144 : index
        %get3A_372 = tpu.vector_load %arg21[%get3A_370, %get3A_371] {strides = array<i32>} : memref<64x272xf32, #tpu.memory_space<vmem>>, vector<1x16xf32>,
        %get3A_373 = vector.shape_cast %get3A_372 : vector<1x16xf32> to vector<16xf32>
        %get3A_374 = arith.index_cast %scan3A_228 : i32 to index
        %get3A_375 = arith.constant 144 : index
        %get3A_376 = tpu.vector_load %arg22[%get3A_374, %get3A_375] {strides = array<i32>} : memref<64x272xf32, #tpu.memory_space<vmem>>, vector<1x16xf32>,
        %get3A_377 = vector.shape_cast %get3A_376 : vector<1x16xf32> to vector<16xf32>
        %add3A_378 = arith.addf %get3A_373, %get3A_377 : vector<16xf32>
        %swap3A_379 = arith.index_cast %scan3A_228 : i32 to index
        %swap3A_380 = arith.constant 144 : index
        %swap3A_381 = tpu.vector_load %arg21[%swap3A_379, %swap3A_380] {strides = array<i32>} : memref<64x272xf32, #tpu.memory_space<vmem>>, vector<1x16xf32>,
        %swap3A_382 = vector.shape_cast %swap3A_381 : vector<1x16xf32> to vector<16xf32>
        %swap3A_383 = vector.shape_cast %add3A_378 : vector<16xf32> to vector<1x16xf32>
        tpu.vector_store %arg21[%swap3A_379, %swap3A_380], %swap3A_383 {strides = array<i32>} : memref<64x272xf32, #tpu.memory_space<vmem>>, vector<1x16xf32>,
        %get3A_384 = arith.index_cast %scan3A_228 : i32 to index
        %get3A_385 = arith.constant 160 : index
        %get3A_386 = tpu.vector_load %arg21[%get3A_384, %get3A_385] {strides = array<i32>} : memref<64x272xf32, #tpu.memory_space<vmem>>, vector<1x16xf32>,
        %get3A_387 = vector.shape_cast %get3A_386 : vector<1x16xf32> to vector<16xf32>
        %get3A_388 = arith.index_cast %scan3A_228 : i32 to index
        %get3A_389 = arith.constant 160 : index
        %get3A_390 = tpu.vector_load %arg22[%get3A_388, %get3A_389] {strides = array<i32>} : memref<64x272xf32, #tpu.memory_space<vmem>>, vector<1x16xf32>,
        %get3A_391 = vector.shape_cast %get3A_390 : vector<1x16xf32> to vector<16xf32>
        %add3A_392 = arith.addf %get3A_387, %get3A_391 : vector<16xf32>
        %swap3A_393 = arith.index_cast %scan3A_228 : i32 to index
        %swap3A_394 = arith.constant 160 : index
        %swap3A_395 = tpu.vector_load %arg21[%swap3A_393, %swap3A_394] {strides = array<i32>} : memref<64x272xf32, #tpu.memory_space<vmem>>, vector<1x16xf32>,
        %swap3A_396 = vector.shape_cast %swap3A_395 : vector<1x16xf32> to vector<16xf32>
        %swap3A_397 = vector.shape_cast %add3A_392 : vector<16xf32> to vector<1x16xf32>
        tpu.vector_store %arg21[%swap3A_393, %swap3A_394], %swap3A_397 {strides = array<i32>} : memref<64x272xf32, #tpu.memory_space<vmem>>, vector<1x16xf32>,
        %get3A_398 = arith.index_cast %scan3A_228 : i32 to index
        %get3A_399 = arith.constant 176 : index
        %get3A_400 = tpu.vector_load %arg21[%get3A_398, %get3A_399] {strides = array<i32>} : memref<64x272xf32, #tpu.memory_space<vmem>>, vector<1x16xf32>,
        %get3A_401 = vector.shape_cast %get3A_400 : vector<1x16xf32> to vector<16xf32>
        %get3A_402 = arith.index_cast %scan3A_228 : i32 to index
        %get3A_403 = arith.constant 176 : index
        %get3A_404 = tpu.vector_load %arg22[%get3A_402, %get3A_403] {strides = array<i32>} : memref<64x272xf32, #tpu.memory_space<vmem>>, vector<1x16xf32>,
        %get3A_405 = vector.shape_cast %get3A_404 : vector<1x16xf32> to vector<16xf32>
        %add3A_406 = arith.addf %get3A_401, %get3A_405 : vector<16xf32>
        %swap3A_407 = arith.index_cast %scan3A_228 : i32 to index
        %swap3A_408 = arith.constant 176 : index
        %swap3A_409 = tpu.vector_load %arg21[%swap3A_407, %swap3A_408] {strides = array<i32>} : memref<64x272xf32, #tpu.memory_space<vmem>>, vector<1x16xf32>,
        %swap3A_410 = vector.shape_cast %swap3A_409 : vector<1x16xf32> to vector<16xf32>
        %swap3A_411 = vector.shape_cast %add3A_406 : vector<16xf32> to vector<1x16xf32>
        tpu.vector_store %arg21[%swap3A_407, %swap3A_408], %swap3A_411 {strides = array<i32>} : memref<64x272xf32, #tpu.memory_space<vmem>>, vector<1x16xf32>,
        %get3A_412 = arith.index_cast %scan3A_228 : i32 to index
        %get3A_413 = arith.constant 192 : index
        %get3A_414 = tpu.vector_load %arg21[%get3A_412, %get3A_413] {strides = array<i32>} : memref<64x272xf32, #tpu.memory_space<vmem>>, vector<1x16xf32>,
        %get3A_415 = vector.shape_cast %get3A_414 : vector<1x16xf32> to vector<16xf32>
        %get3A_416 = arith.index_cast %scan3A_228 : i32 to index
        %get3A_417 = arith.constant 192 : index
        %get3A_418 = tpu.vector_load %arg22[%get3A_416, %get3A_417] {strides = array<i32>} : memref<64x272xf32, #tpu.memory_space<vmem>>, vector<1x16xf32>,
        %get3A_419 = vector.shape_cast %get3A_418 : vector<1x16xf32> to vector<16xf32>
        %add3A_420 = arith.addf %get3A_415, %get3A_419 : vector<16xf32>
        %swap3A_421 = arith.index_cast %scan3A_228 : i32 to index
        %swap3A_422 = arith.constant 192 : index
        %swap3A_423 = tpu.vector_load %arg21[%swap3A_421, %swap3A_422] {strides = array<i32>} : memref<64x272xf32, #tpu.memory_space<vmem>>, vector<1x16xf32>,
        %swap3A_424 = vector.shape_cast %swap3A_423 : vector<1x16xf32> to vector<16xf32>
        %swap3A_425 = vector.shape_cast %add3A_420 : vector<16xf32> to vector<1x16xf32>
        tpu.vector_store %arg21[%swap3A_421, %swap3A_422], %swap3A_425 {strides = array<i32>} : memref<64x272xf32, #tpu.memory_space<vmem>>, vector<1x16xf32>,
        %get3A_426 = arith.index_cast %scan3A_228 : i32 to index
        %get3A_427 = arith.constant 208 : index
        %get3A_428 = tpu.vector_load %arg21[%get3A_426, %get3A_427] {strides = array<i32>} : memref<64x272xf32, #tpu.memory_space<vmem>>, vector<1x16xf32>,
        %get3A_429 = vector.shape_cast %get3A_428 : vector<1x16xf32> to vector<16xf32>
        %get3A_430 = arith.index_cast %scan3A_228 : i32 to index
        %get3A_431 = arith.constant 208 : index
        %get3A_432 = tpu.vector_load %arg22[%get3A_430, %get3A_431] {strides = array<i32>} : memref<64x272xf32, #tpu.memory_space<vmem>>, vector<1x16xf32>,
        %get3A_433 = vector.shape_cast %get3A_432 : vector<1x16xf32> to vector<16xf32>
        %add3A_434 = arith.addf %get3A_429, %get3A_433 : vector<16xf32>
        %swap3A_435 = arith.index_cast %scan3A_228 : i32 to index
        %swap3A_436 = arith.constant 208 : index
        %swap3A_437 = tpu.vector_load %arg21[%swap3A_435, %swap3A_436] {strides = array<i32>} : memref<64x272xf32, #tpu.memory_space<vmem>>, vector<1x16xf32>,
        %swap3A_438 = vector.shape_cast %swap3A_437 : vector<1x16xf32> to vector<16xf32>
        %swap3A_439 = vector.shape_cast %add3A_434 : vector<16xf32> to vector<1x16xf32>
        tpu.vector_store %arg21[%swap3A_435, %swap3A_436], %swap3A_439 {strides = array<i32>} : memref<64x272xf32, #tpu.memory_space<vmem>>, vector<1x16xf32>,
        %get3A_440 = arith.index_cast %scan3A_228 : i32 to index
        %get3A_441 = arith.constant 224 : index
        %get3A_442 = tpu.vector_load %arg21[%get3A_440, %get3A_441] {strides = array<i32>} : memref<64x272xf32, #tpu.memory_space<vmem>>, vector<1x16xf32>,
        %get3A_443 = vector.shape_cast %get3A_442 : vector<1x16xf32> to vector<16xf32>
        %get3A_444 = arith.index_cast %scan3A_228 : i32 to index
        %get3A_445 = arith.constant 224 : index
        %get3A_446 = tpu.vector_load %arg22[%get3A_444, %get3A_445] {strides = array<i32>} : memref<64x272xf32, #tpu.memory_space<vmem>>, vector<1x16xf32>,
        %get3A_447 = vector.shape_cast %get3A_446 : vector<1x16xf32> to vector<16xf32>
        %add3A_448 = arith.addf %get3A_443, %get3A_447 : vector<16xf32>
        %swap3A_449 = arith.index_cast %scan3A_228 : i32 to index
        %swap3A_450 = arith.constant 224 : index
        %swap3A_451 = tpu.vector_load %arg21[%swap3A_449, %swap3A_450] {strides = array<i32>} : memref<64x272xf32, #tpu.memory_space<vmem>>, vector<1x16xf32>,
        %swap3A_452 = vector.shape_cast %swap3A_451 : vector<1x16xf32> to vector<16xf32>
        %swap3A_453 = vector.shape_cast %add3A_448 : vector<16xf32> to vector<1x16xf32>
        tpu.vector_store %arg21[%swap3A_449, %swap3A_450], %swap3A_453 {strides = array<i32>} : memref<64x272xf32, #tpu.memory_space<vmem>>, vector<1x16xf32>,
        %get3A_454 = arith.index_cast %scan3A_228 : i32 to index
        %get3A_455 = arith.constant 240 : index
        %get3A_456 = tpu.vector_load %arg21[%get3A_454, %get3A_455] {strides = array<i32>} : memref<64x272xf32, #tpu.memory_space<vmem>>, vector<1x16xf32>,
        %get3A_457 = vector.shape_cast %get3A_456 : vector<1x16xf32> to vector<16xf32>
        %get3A_458 = arith.index_cast %scan3A_228 : i32 to index
        %get3A_459 = arith.constant 240 : index
        %get3A_460 = tpu.vector_load %arg22[%get3A_458, %get3A_459] {strides = array<i32>} : memref<64x272xf32, #tpu.memory_space<vmem>>, vector<1x16xf32>,
        %get3A_461 = vector.shape_cast %get3A_460 : vector<1x16xf32> to vector<16xf32>
        %add3A_462 = arith.addf %get3A_457, %get3A_461 : vector<16xf32>
        %swap3A_463 = arith.index_cast %scan3A_228 : i32 to index
        %swap3A_464 = arith.constant 240 : index
        %swap3A_465 = tpu.vector_load %arg21[%swap3A_463, %swap3A_464] {strides = array<i32>} : memref<64x272xf32, #tpu.memory_space<vmem>>, vector<1x16xf32>,
        %swap3A_466 = vector.shape_cast %swap3A_465 : vector<1x16xf32> to vector<16xf32>
        %swap3A_467 = vector.shape_cast %add3A_462 : vector<16xf32> to vector<1x16xf32>
        tpu.vector_store %arg21[%swap3A_463, %swap3A_464], %swap3A_467 {strides = array<i32>} : memref<64x272xf32, #tpu.memory_space<vmem>>, vector<1x16xf32>,
        %get3A_468 = arith.index_cast %scan3A_228 : i32 to index
        %get3A_469 = arith.constant 256 : index
        %get3A_470 = tpu.vector_load %arg21[%get3A_468, %get3A_469] {strides = array<i32>} : memref<64x272xf32, #tpu.memory_space<vmem>>, vector<1x16xf32>,
        %get3A_471 = vector.shape_cast %get3A_470 : vector<1x16xf32> to vector<16xf32>
        %get3A_472 = arith.index_cast %scan3A_228 : i32 to index
        %get3A_473 = arith.constant 256 : index
        %get3A_474 = tpu.vector_load %arg22[%get3A_472, %get3A_473] {strides = array<i32>} : memref<64x272xf32, #tpu.memory_space<vmem>>, vector<1x16xf32>,
        %get3A_475 = vector.shape_cast %get3A_474 : vector<1x16xf32> to vector<16xf32>
        %add3A_476 = arith.addf %get3A_471, %get3A_475 : vector<16xf32>
        %swap3A_477 = arith.index_cast %scan3A_228 : i32 to index
        %swap3A_478 = arith.constant 256 : index
        %swap3A_479 = tpu.vector_load %arg21[%swap3A_477, %swap3A_478] {strides = array<i32>} : memref<64x272xf32, #tpu.memory_space<vmem>>, vector<1x16xf32>,
        %swap3A_480 = vector.shape_cast %swap3A_479 : vector<1x16xf32> to vector<16xf32>
        %swap3A_481 = vector.shape_cast %add3A_476 : vector<16xf32> to vector<1x16xf32>
        tpu.vector_store %arg21[%swap3A_477, %swap3A_478], %swap3A_481 {strides = array<i32>} : memref<64x272xf32, #tpu.memory_space<vmem>>, vector<1x16xf32>,
      }
      %scan3A_134 = arith.constant 64 : i32
      %mul3A_135 = arith.constant 64 : i32
      %mul3A_136 = arith.muli %add3A_70, %mul3A_135 : i32
      %add3A_137 = arith.addi %mul3A_2, %mul3A_136 : i32
      %dma_start3A_138 = arith.constant 0 : i32
      %dma_start3A_139 = tpu.memref_slice %arg9[%add3A_137, %dma_start3A_138] : memref<65536x16xf32, #tpu.memory_space<hbm>> -> memref<64x16xf32, #tpu.memory_space<hbm>>
      %dma_start3A_140 = arith.constant 0 : i32
      %dma_start3A_141 = tpu.memref_slice %arg9[%add3A_137, %dma_start3A_140] : memref<65536x16xf32, #tpu.memory_space<hbm>> -> memref<64x16xf32, #tpu.memory_space<hbm>>
      tpu.enqueue_dma source(%arg20 : memref<64x16xf32, #tpu.memory_space<vmem>>) target(%dma_start3A_141 : memref<64x16xf32, #tpu.memory_space<hbm>>) target_semaphore(%arg31 : memref<!tpu.dma_semaphore, #tpu.memory_space<semaphore_mem>>)
      %dma_start3A_142 = arith.constant 0 : i32
      %dma_start3A_143 = tpu.memref_slice %arg10[%add3A_137, %dma_start3A_142] : memref<65536x272xf32, #tpu.memory_space<hbm>> -> memref<64x272xf32, #tpu.memory_space<hbm>>
      %dma_start3A_144 = arith.constant 0 : i32
      %dma_start3A_145 = tpu.memref_slice %arg10[%add3A_137, %dma_start3A_144] : memref<65536x272xf32, #tpu.memory_space<hbm>> -> memref<64x272xf32, #tpu.memory_space<hbm>>
      tpu.enqueue_dma source(%arg21 : memref<64x272xf32, #tpu.memory_space<vmem>>) target(%dma_start3A_145 : memref<64x272xf32, #tpu.memory_space<hbm>>) target_semaphore(%arg32 : memref<!tpu.dma_semaphore, #tpu.memory_space<semaphore_mem>>)
      %mul3A_146 = arith.constant 2 : i32
      %mul3A_147 = arith.muli %scan3A_66, %mul3A_146 : i32
      %add3A_148 = arith.constant 1 : i32
      %add3A_149 = arith.addi %mul3A_147, %add3A_148 : i32
      %add3A_150 = arith.constant 1 : i32
      %add3A_151 = arith.addi %add3A_149, %add3A_150 : i32
      %lt3A_152 = arith.constant 32 : i32
      %lt3A_153 = arith.cmpi slt, %add3A_151, %lt3A_152 : i32
      %convert_element_type3A_154 = arith.extui %lt3A_153 : i1 to i32
      %cond3A_155 = arith.constant 0 : i32
      %cond3A_156 = arith.cmpi ne, %convert_element_type3A_154, %cond3A_155 : i32
      scf.if %cond3A_156 {
        %add3A_228 = arith.constant 1 : i32
        %add3A_229 = arith.addi %add3A_149, %add3A_228 : i32
        %mul3A_230 = arith.constant 64 : i32
        %mul3A_231 = arith.muli %add3A_229, %mul3A_230 : i32
        %add3A_232 = arith.addi %mul3A_2, %mul3A_231 : i32
        %dma_start3A_233 = tpu.memref_slice %arg3[%add3A_232] : memref<65536xi32, #tpu.memory_space<hbm>> -> memref<64xi32, #tpu.memory_space<hbm>>
        %dma_start3A_234 = tpu.memref_slice %arg3[%add3A_232] : memref<65536xi32, #tpu.memory_space<hbm>> -> memref<64xi32, #tpu.memory_space<hbm>>
        tpu.enqueue_dma source(%dma_start3A_234 : memref<64xi32, #tpu.memory_space<hbm>>) target(%arg11 : memref<64xi32, #tpu.memory_space<vmem>>) target_semaphore(%arg23 : memref<!tpu.dma_semaphore, #tpu.memory_space<semaphore_mem>>)
        %dma_start3A_235 = tpu.memref_slice %arg4[%add3A_232] : memref<65536xi32, #tpu.memory_space<hbm>> -> memref<64xi32, #tpu.memory_space<hbm>>
        %dma_start3A_236 = tpu.memref_slice %arg4[%add3A_232] : memref<65536xi32, #tpu.memory_space<hbm>> -> memref<64xi32, #tpu.memory_space<hbm>>
        tpu.enqueue_dma source(%dma_start3A_236 : memref<64xi32, #tpu.memory_space<hbm>>) target(%arg12 : memref<64xi32, #tpu.memory_space<vmem>>) target_semaphore(%arg24 : memref<!tpu.dma_semaphore, #tpu.memory_space<semaphore_mem>>)
        %dma_start3A_237 = tpu.memref_slice %arg5[%add3A_232] : memref<65536xi32, #tpu.memory_space<hbm>> -> memref<64xi32, #tpu.memory_space<hbm>>
        %dma_start3A_238 = tpu.memref_slice %arg5[%add3A_232] : memref<65536xi32, #tpu.memory_space<hbm>> -> memref<64xi32, #tpu.memory_space<hbm>>
        tpu.enqueue_dma source(%dma_start3A_238 : memref<64xi32, #tpu.memory_space<hbm>>) target(%arg13 : memref<64xi32, #tpu.memory_space<vmem>>) target_semaphore(%arg25 : memref<!tpu.dma_semaphore, #tpu.memory_space<semaphore_mem>>)
        %dma_start3A_239 = tpu.memref_slice %arg6[%add3A_232] : memref<65536xi32, #tpu.memory_space<hbm>> -> memref<64xi32, #tpu.memory_space<hbm>>
        %dma_start3A_240 = tpu.memref_slice %arg6[%add3A_232] : memref<65536xi32, #tpu.memory_space<hbm>> -> memref<64xi32, #tpu.memory_space<hbm>>
        tpu.enqueue_dma source(%dma_start3A_240 : memref<64xi32, #tpu.memory_space<hbm>>) target(%arg14 : memref<64xi32, #tpu.memory_space<vmem>>) target_semaphore(%arg26 : memref<!tpu.dma_semaphore, #tpu.memory_space<semaphore_mem>>)
      } else {
      }
      %dma_wait3A_157 = arith.constant 0 : i32
      %dma_wait3A_158 = tpu.memref_slice %arg2[%dma_wait3A_157] : memref<4194304xi32, #tpu.memory_space<hbm>> -> memref<64xi32, #tpu.memory_space<hbm>>
      %dma_wait3A_159 = arith.constant 0 : i32
      %dma_wait3A_160 = tpu.memref_slice %arg2[%dma_wait3A_159] : memref<4194304xi32, #tpu.memory_space<hbm>> -> memref<64xi32, #tpu.memory_space<hbm>>
      tpu.wait_dma2 semaphore(%arg51 : memref<!tpu.dma_semaphore, #tpu.memory_space<semaphore_mem>>) src(%dma_wait3A_160 : memref<64xi32, #tpu.memory_space<hbm>>) dst(%arg39 : memref<64xi32, #tpu.memory_space<vmem>>)
      %dma_wait3A_161 = arith.constant 0 : i32
      %dma_wait3A_162 = tpu.memref_slice %arg2[%dma_wait3A_161] : memref<4194304xi32, #tpu.memory_space<hbm>> -> memref<64xi32, #tpu.memory_space<hbm>>
      %dma_wait3A_163 = arith.constant 0 : i32
      %dma_wait3A_164 = tpu.memref_slice %arg2[%dma_wait3A_163] : memref<4194304xi32, #tpu.memory_space<hbm>> -> memref<64xi32, #tpu.memory_space<hbm>>
      tpu.wait_dma2 semaphore(%arg52 : memref<!tpu.dma_semaphore, #tpu.memory_space<semaphore_mem>>) src(%dma_wait3A_164 : memref<64xi32, #tpu.memory_space<hbm>>) dst(%arg40 : memref<64xi32, #tpu.memory_space<vmem>>)
      %mul3A_165 = arith.constant 64 : i32
      %mul3A_166 = arith.muli %add3A_149, %mul3A_165 : i32
      %add3A_167 = arith.addi %mul3A_2, %mul3A_166 : i32
      %scan3A_168 = arith.constant 0 : i32
      %scan3A_169 = arith.constant 0 : i32
      %scan3A_170 = arith.constant 4 : i32
      %scan3A_171 = arith.addi %scan3A_169, %scan3A_170 : i32
      %scan3A_172 = arith.constant 1 : i32
      scf.for %scan3A_228 = %scan3A_169 to %scan3A_171 step %scan3A_172  : i32 {
        %mul3A_229 = arith.constant 16 : i32
        %mul3A_230 = arith.muli %scan3A_228, %mul3A_229 : i32
        %get3A = arith.index_cast %mul3A_230 : i32 to index
        %get3A_231 = tpu.vector_load %arg39[%get3A] {strides = array<i32>} : memref<64xi32, #tpu.memory_space<vmem>>, vector<16xi32>,
        %get3A_232 = vector.shape_cast %get3A_231 : vector<16xi32> to vector<16xi32>
        %sub3A = arith.constant 1 : i32
        %sub3A_233 = vector.broadcast %sub3A : i32 to vector<16xi32>
        %sub3A_234 = arith.subi %get3A_232, %sub3A_233 : vector<16xi32>
        %mul3A_235 = arith.constant 16 : i32
        %mul3A_236 = arith.muli %scan3A_228, %mul3A_235 : i32
        %swap3A = arith.index_cast %mul3A_236 : i32 to index
        %swap3A_237 = tpu.vector_load %arg41[%swap3A] {strides = array<i32>} : memref<64xi32, #tpu.memory_space<vmem>>, vector<16xi32>,
        %swap3A_238 = vector.shape_cast %swap3A_237 : vector<16xi32> to vector<16xi32>
        %swap3A_239 = vector.shape_cast %sub3A_234 : vector<16xi32> to vector<16xi32>
        tpu.vector_store %arg41[%swap3A], %swap3A_239 {strides = array<i32>} : memref<64xi32, #tpu.memory_space<vmem>>, vector<16xi32>,
        %mul3A_240 = arith.constant 16 : i32
        %mul3A_241 = arith.muli %scan3A_228, %mul3A_240 : i32
        %get3A_242 = arith.index_cast %mul3A_241 : i32 to index
        %get3A_243 = tpu.vector_load %arg40[%get3A_242] {strides = array<i32>} : memref<64xi32, #tpu.memory_space<vmem>>, vector<16xi32>,
        %get3A_244 = vector.shape_cast %get3A_243 : vector<16xi32> to vector<16xi32>
        %mul3A_245 = arith.constant 16 : i32
        %mul3A_246 = arith.muli %scan3A_228, %mul3A_245 : i32
        %add3A_247 = arith.addi %add3A_167, %mul3A_246 : i32
        %iota3A = tpu.iota {dimensions = array<i32: 0>} : vector<16xi32>
        %add3A_248 = vector.broadcast %add3A_247 : i32 to vector<16xi32>
        %add3A_249 = arith.addi %add3A_248, %iota3A : vector<16xi32>
        %and3A = arith.constant 127 : i32
        %and3A_250 = vector.broadcast %and3A : i32 to vector<16xi32>
        %and3A_251 = arith.andi %add3A_249, %and3A_250 : vector<16xi32>
        %add3A_252 = arith.constant 65536 : i32
        %add3A_253 = vector.broadcast %add3A_252 : i32 to vector<16xi32>
        %add3A_254 = arith.addi %add3A_253, %and3A_251 : vector<16xi32>
        %gt3A = arith.constant 0 : i32
        %gt3A_255 = vector.broadcast %gt3A : i32 to vector<16xi32>
        %gt3A_256 = arith.cmpi sgt, %get3A_244, %gt3A_255 : vector<16xi32>
        %sub3A_257 = arith.constant 1 : i32
        %sub3A_258 = vector.broadcast %sub3A_257 : i32 to vector<16xi32>
        %sub3A_259 = arith.subi %get3A_244, %sub3A_258 : vector<16xi32>
        %select_n3A = arith.select %gt3A_256, %sub3A_259, %add3A_254 : vector<16xi1>, vector<16xi32>
        %mul3A_260 = arith.constant 16 : i32
        %mul3A_261 = arith.muli %scan3A_228, %mul3A_260 : i32
        %swap3A_262 = arith.index_cast %mul3A_261 : i32 to index
        %swap3A_263 = tpu.vector_load %arg42[%swap3A_262] {strides = array<i32>} : memref<64xi32, #tpu.memory_space<vmem>>, vector<16xi32>,
        %swap3A_264 = vector.shape_cast %swap3A_263 : vector<16xi32> to vector<16xi32>
        %swap3A_265 = vector.shape_cast %select_n3A : vector<16xi32> to vector<16xi32>
        tpu.vector_store %arg42[%swap3A_262], %swap3A_265 {strides = array<i32>} : memref<64xi32, #tpu.memory_space<vmem>>, vector<16xi32>,
      }
      %scan3A_173 = arith.constant 4 : i32
      %dma_start3A_174 = arith.constant 0 : i32
      %dma_start3A_175 = arith.constant 0 : i32
      %dma_start3A_176 = tpu.memref_slice %arg7[%dma_start3A_174, %dma_start3A_175] : memref<65664x16xf32, #tpu.memory_space<hbm>> -> memref<65664x16xf32, #tpu.memory_space<hbm>>
      tpu.enqueue_indirect_dma source(%dma_start3A_176 : memref<65664x16xf32, #tpu.memory_space<hbm>>) target(%arg43 : memref<64x16xf32, #tpu.memory_space<vmem>>) offsets(%arg41 : memref<64xi32, #tpu.memory_space<vmem>>) semaphore(%arg53 : memref<!tpu.dma_semaphore, #tpu.memory_space<semaphore_mem>>)
      %dma_start3A_177 = arith.constant 0 : i32
      %dma_start3A_178 = arith.constant 0 : i32
      %dma_start3A_179 = tpu.memref_slice %arg7[%dma_start3A_177, %dma_start3A_178] : memref<65664x16xf32, #tpu.memory_space<hbm>> -> memref<65664x16xf32, #tpu.memory_space<hbm>>
      tpu.enqueue_indirect_dma source(%dma_start3A_179 : memref<65664x16xf32, #tpu.memory_space<hbm>>) target(%arg44 : memref<64x16xf32, #tpu.memory_space<vmem>>) offsets(%arg42 : memref<64xi32, #tpu.memory_space<vmem>>) semaphore(%arg54 : memref<!tpu.dma_semaphore, #tpu.memory_space<semaphore_mem>>)
      %add3A_180 = arith.constant 1 : i32
      %add3A_181 = arith.addi %add3A_149, %add3A_180 : i32
      %lt3A_182 = arith.constant 32 : i32
      %lt3A_183 = arith.cmpi slt, %add3A_181, %lt3A_182 : i32
      %convert_element_type3A_184 = arith.extui %lt3A_183 : i1 to i32
      %cond3A_185 = arith.constant 0 : i32
      %cond3A_186 = arith.cmpi ne, %convert_element_type3A_184, %cond3A_185 : i32
      scf.if %cond3A_186 {
        %ge3A = arith.constant 1 : i32
        %ge3A_228 = arith.cmpi sge, %add3A_149, %ge3A : i32
        %convert_element_type3A_229 = arith.extui %ge3A_228 : i1 to i32
        %cond3A_230 = arith.constant 0 : i32
        %cond3A_231 = arith.cmpi ne, %convert_element_type3A_229, %cond3A_230 : i32
        scf.if %cond3A_231 {
          %dma_wait3A_258 = arith.constant 0 : i32
          %dma_wait3A_259 = arith.constant 0 : i32
          %dma_wait3A_260 = tpu.memref_slice %arg9[%dma_wait3A_258, %dma_wait3A_259] : memref<65536x16xf32, #tpu.memory_space<hbm>> -> memref<64x16xf32, #tpu.memory_space<hbm>>
          %dma_wait3A_261 = arith.constant 0 : i32
          %dma_wait3A_262 = arith.constant 0 : i32
          %dma_wait3A_263 = tpu.memref_slice %arg9[%dma_wait3A_261, %dma_wait3A_262] : memref<65536x16xf32, #tpu.memory_space<hbm>> -> memref<64x16xf32, #tpu.memory_space<hbm>>
          tpu.wait_dma2 semaphore(%arg31 : memref<!tpu.dma_semaphore, #tpu.memory_space<semaphore_mem>>) src(%arg20 : memref<64x16xf32, #tpu.memory_space<vmem>>) dst(%dma_wait3A_263 : memref<64x16xf32, #tpu.memory_space<hbm>>)
          %dma_wait3A_264 = arith.constant 0 : i32
          %dma_wait3A_265 = arith.constant 0 : i32
          %dma_wait3A_266 = tpu.memref_slice %arg10[%dma_wait3A_264, %dma_wait3A_265] : memref<65536x272xf32, #tpu.memory_space<hbm>> -> memref<64x272xf32, #tpu.memory_space<hbm>>
          %dma_wait3A_267 = arith.constant 0 : i32
          %dma_wait3A_268 = arith.constant 0 : i32
          %dma_wait3A_269 = tpu.memref_slice %arg10[%dma_wait3A_267, %dma_wait3A_268] : memref<65536x272xf32, #tpu.memory_space<hbm>> -> memref<64x272xf32, #tpu.memory_space<hbm>>
          tpu.wait_dma2 semaphore(%arg32 : memref<!tpu.dma_semaphore, #tpu.memory_space<semaphore_mem>>) src(%arg21 : memref<64x272xf32, #tpu.memory_space<vmem>>) dst(%dma_wait3A_269 : memref<64x272xf32, #tpu.memory_space<hbm>>)
        } else {
        }
        %dma_wait3A_232 = arith.constant 0 : i32
        %dma_wait3A_233 = tpu.memref_slice %arg3[%dma_wait3A_232] : memref<65536xi32, #tpu.memory_space<hbm>> -> memref<64xi32, #tpu.memory_space<hbm>>
        %dma_wait3A_234 = arith.constant 0 : i32
        %dma_wait3A_235 = tpu.memref_slice %arg3[%dma_wait3A_234] : memref<65536xi32, #tpu.memory_space<hbm>> -> memref<64xi32, #tpu.memory_space<hbm>>
        tpu.wait_dma2 semaphore(%arg23 : memref<!tpu.dma_semaphore, #tpu.memory_space<semaphore_mem>>) src(%dma_wait3A_235 : memref<64xi32, #tpu.memory_space<hbm>>) dst(%arg11 : memref<64xi32, #tpu.memory_space<vmem>>)
        %dma_wait3A_236 = arith.constant 0 : i32
        %dma_wait3A_237 = tpu.memref_slice %arg3[%dma_wait3A_236] : memref<65536xi32, #tpu.memory_space<hbm>> -> memref<64xi32, #tpu.memory_space<hbm>>
        %dma_wait3A_238 = arith.constant 0 : i32
        %dma_wait3A_239 = tpu.memref_slice %arg3[%dma_wait3A_238] : memref<65536xi32, #tpu.memory_space<hbm>> -> memref<64xi32, #tpu.memory_space<hbm>>
        tpu.wait_dma2 semaphore(%arg24 : memref<!tpu.dma_semaphore, #tpu.memory_space<semaphore_mem>>) src(%dma_wait3A_239 : memref<64xi32, #tpu.memory_space<hbm>>) dst(%arg12 : memref<64xi32, #tpu.memory_space<vmem>>)
        %dma_wait3A_240 = arith.constant 0 : i32
        %dma_wait3A_241 = tpu.memref_slice %arg3[%dma_wait3A_240] : memref<65536xi32, #tpu.memory_space<hbm>> -> memref<64xi32, #tpu.memory_space<hbm>>
        %dma_wait3A_242 = arith.constant 0 : i32
        %dma_wait3A_243 = tpu.memref_slice %arg3[%dma_wait3A_242] : memref<65536xi32, #tpu.memory_space<hbm>> -> memref<64xi32, #tpu.memory_space<hbm>>
        tpu.wait_dma2 semaphore(%arg25 : memref<!tpu.dma_semaphore, #tpu.memory_space<semaphore_mem>>) src(%dma_wait3A_243 : memref<64xi32, #tpu.memory_space<hbm>>) dst(%arg13 : memref<64xi32, #tpu.memory_space<vmem>>)
        %dma_wait3A_244 = arith.constant 0 : i32
        %dma_wait3A_245 = tpu.memref_slice %arg3[%dma_wait3A_244] : memref<65536xi32, #tpu.memory_space<hbm>> -> memref<64xi32, #tpu.memory_space<hbm>>
        %dma_wait3A_246 = arith.constant 0 : i32
        %dma_wait3A_247 = tpu.memref_slice %arg3[%dma_wait3A_246] : memref<65536xi32, #tpu.memory_space<hbm>> -> memref<64xi32, #tpu.memory_space<hbm>>
        tpu.wait_dma2 semaphore(%arg26 : memref<!tpu.dma_semaphore, #tpu.memory_space<semaphore_mem>>) src(%dma_wait3A_247 : memref<64xi32, #tpu.memory_space<hbm>>) dst(%arg14 : memref<64xi32, #tpu.memory_space<vmem>>)
        %dma_start3A_248 = arith.constant 0 : i32
        %dma_start3A_249 = tpu.memref_slice %arg2[%dma_start3A_248] : memref<4194304xi32, #tpu.memory_space<hbm>> -> memref<4194304xi32, #tpu.memory_space<hbm>>
        tpu.enqueue_indirect_dma source(%dma_start3A_249 : memref<4194304xi32, #tpu.memory_space<hbm>>) target(%arg15 : memref<64xi32, #tpu.memory_space<vmem>>) offsets(%arg11 : memref<64xi32, #tpu.memory_space<vmem>>) semaphore(%arg27 : memref<!tpu.dma_semaphore, #tpu.memory_space<semaphore_mem>>)
        %dma_start3A_250 = arith.constant 0 : i32
        %dma_start3A_251 = tpu.memref_slice %arg2[%dma_start3A_250] : memref<4194304xi32, #tpu.memory_space<hbm>> -> memref<4194304xi32, #tpu.memory_space<hbm>>
        tpu.enqueue_indirect_dma source(%dma_start3A_251 : memref<4194304xi32, #tpu.memory_space<hbm>>) target(%arg16 : memref<64xi32, #tpu.memory_space<vmem>>) offsets(%arg12 : memref<64xi32, #tpu.memory_space<vmem>>) semaphore(%arg28 : memref<!tpu.dma_semaphore, #tpu.memory_space<semaphore_mem>>)
        %dma_start3A_252 = arith.constant 0 : i32
        %dma_start3A_253 = arith.constant 0 : i32
        %dma_start3A_254 = tpu.memref_slice %arg8[%dma_start3A_252, %dma_start3A_253] : memref<2048x272xf32, #tpu.memory_space<hbm>> -> memref<2048x272xf32, #tpu.memory_space<hbm>>
        tpu.enqueue_indirect_dma source(%dma_start3A_254 : memref<2048x272xf32, #tpu.memory_space<hbm>>) target(%arg21 : memref<64x272xf32, #tpu.memory_space<vmem>>) offsets(%arg13 : memref<64xi32, #tpu.memory_space<vmem>>) semaphore(%arg33 : memref<!tpu.dma_semaphore, #tpu.memory_space<semaphore_mem>>)
        %dma_start3A_255 = arith.constant 0 : i32
        %dma_start3A_256 = arith.constant 0 : i32
        %dma_start3A_257 = tpu.memref_slice %arg8[%dma_start3A_255, %dma_start3A_256] : memref<2048x272xf32, #tpu.memory_space<hbm>> -> memref<2048x272xf32, #tpu.memory_space<hbm>>
        tpu.enqueue_indirect_dma source(%dma_start3A_257 : memref<2048x272xf32, #tpu.memory_space<hbm>>) target(%arg22 : memref<64x272xf32, #tpu.memory_space<vmem>>) offsets(%arg14 : memref<64xi32, #tpu.memory_space<vmem>>) semaphore(%arg34 : memref<!tpu.dma_semaphore, #tpu.memory_space<semaphore_mem>>)
      } else {
      }
      %dma_wait3A_187 = arith.constant 0 : i32
      %dma_wait3A_188 = arith.constant 0 : i32
      %dma_wait3A_189 = tpu.memref_slice %arg7[%dma_wait3A_187, %dma_wait3A_188] : memref<65664x16xf32, #tpu.memory_space<hbm>> -> memref<64x16xf32, #tpu.memory_space<hbm>>
      %dma_wait3A_190 = arith.constant 0 : i32
      %dma_wait3A_191 = arith.constant 0 : i32
      %dma_wait3A_192 = tpu.memref_slice %arg7[%dma_wait3A_190, %dma_wait3A_191] : memref<65664x16xf32, #tpu.memory_space<hbm>> -> memref<64x16xf32, #tpu.memory_space<hbm>>
      tpu.wait_dma2 semaphore(%arg53 : memref<!tpu.dma_semaphore, #tpu.memory_space<semaphore_mem>>) src(%dma_wait3A_192 : memref<64x16xf32, #tpu.memory_space<hbm>>) dst(%arg43 : memref<64x16xf32, #tpu.memory_space<vmem>>)
      %dma_wait3A_193 = arith.constant 0 : i32
      %dma_wait3A_194 = arith.constant 0 : i32
      %dma_wait3A_195 = tpu.memref_slice %arg7[%dma_wait3A_193, %dma_wait3A_194] : memref<65664x16xf32, #tpu.memory_space<hbm>> -> memref<64x16xf32, #tpu.memory_space<hbm>>
      %dma_wait3A_196 = arith.constant 0 : i32
      %dma_wait3A_197 = arith.constant 0 : i32
      %dma_wait3A_198 = tpu.memref_slice %arg7[%dma_wait3A_196, %dma_wait3A_197] : memref<65664x16xf32, #tpu.memory_space<hbm>> -> memref<64x16xf32, #tpu.memory_space<hbm>>
      tpu.wait_dma2 semaphore(%arg54 : memref<!tpu.dma_semaphore, #tpu.memory_space<semaphore_mem>>) src(%dma_wait3A_198 : memref<64x16xf32, #tpu.memory_space<hbm>>) dst(%arg44 : memref<64x16xf32, #tpu.memory_space<vmem>>)
      %dma_wait3A_199 = arith.constant 0 : i32
      %dma_wait3A_200 = arith.constant 0 : i32
      %dma_wait3A_201 = tpu.memref_slice %arg8[%dma_wait3A_199, %dma_wait3A_200] : memref<2048x272xf32, #tpu.memory_space<hbm>> -> memref<64x272xf32, #tpu.memory_space<hbm>>
      %dma_wait3A_202 = arith.constant 0 : i32
      %dma_wait3A_203 = arith.constant 0 : i32
      %dma_wait3A_204 = tpu.memref_slice %arg8[%dma_wait3A_202, %dma_wait3A_203] : memref<2048x272xf32, #tpu.memory_space<hbm>> -> memref<64x272xf32, #tpu.memory_space<hbm>>
      tpu.wait_dma2 semaphore(%arg57 : memref<!tpu.dma_semaphore, #tpu.memory_space<semaphore_mem>>) src(%dma_wait3A_204 : memref<64x272xf32, #tpu.memory_space<hbm>>) dst(%arg45 : memref<64x272xf32, #tpu.memory_space<vmem>>)
      %dma_wait3A_205 = arith.constant 0 : i32
      %dma_wait3A_206 = arith.constant 0 : i32
      %dma_wait3A_207 = tpu.memref_slice %arg8[%dma_wait3A_205, %dma_wait3A_206] : memref<2048x272xf32, #tpu.memory_space<hbm>> -> memref<64x272xf32, #tpu.memory_space<hbm>>
      %dma_wait3A_208 = arith.constant 0 : i32
      %dma_wait3A_209 = arith.constant 0 : i32
      %dma_wait3A_210 = tpu.memref_slice %arg8[%dma_wait3A_208, %dma_wait3A_209] : memref<2048x272xf32, #tpu.memory_space<hbm>> -> memref<64x272xf32, #tpu.memory_space<hbm>>
      tpu.wait_dma2 semaphore(%arg58 : memref<!tpu.dma_semaphore, #tpu.memory_space<semaphore_mem>>) src(%dma_wait3A_210 : memref<64x272xf32, #tpu.memory_space<hbm>>) dst(%arg46 : memref<64x272xf32, #tpu.memory_space<vmem>>)
      %scan3A_211 = arith.constant 0 : i32
      %scan3A_212 = arith.constant 0 : i32
      %scan3A_213 = arith.constant 64 : i32
      %scan3A_214 = arith.addi %scan3A_212, %scan3A_213 : i32
      %scan3A_215 = arith.constant 1 : i32
      scf.for %scan3A_228 = %scan3A_212 to %scan3A_214 step %scan3A_215  : i32 {
        %get3A = arith.index_cast %scan3A_228 : i32 to index
        %get3A_229 = arith.constant 0 : index
        %get3A_230 = tpu.vector_load %arg43[%get3A, %get3A_229] {strides = array<i32>} : memref<64x16xf32, #tpu.memory_space<vmem>>, vector<1x16xf32>,
        %get3A_231 = vector.shape_cast %get3A_230 : vector<1x16xf32> to vector<16xf32>
        %get3A_232 = arith.index_cast %scan3A_228 : i32 to index
        %get3A_233 = arith.constant 0 : index
        %get3A_234 = tpu.vector_load %arg44[%get3A_232, %get3A_233] {strides = array<i32>} : memref<64x16xf32, #tpu.memory_space<vmem>>, vector<1x16xf32>,
        %get3A_235 = vector.shape_cast %get3A_234 : vector<1x16xf32> to vector<16xf32>
        %add3A_236 = arith.addf %get3A_231, %get3A_235 : vector<16xf32>
        %mul3A_237 = arith.constant 5.000000e-01 : f32
        %mul3A_238 = vector.broadcast %mul3A_237 : f32 to vector<16xf32>
        %mul3A_239 = arith.mulf %mul3A_238, %add3A_236 : vector<16xf32>
        %swap3A = arith.index_cast %scan3A_228 : i32 to index
        %swap3A_240 = arith.constant 0 : index
        %swap3A_241 = tpu.vector_load %arg44[%swap3A, %swap3A_240] {strides = array<i32>} : memref<64x16xf32, #tpu.memory_space<vmem>>, vector<1x16xf32>,
        %swap3A_242 = vector.shape_cast %swap3A_241 : vector<1x16xf32> to vector<16xf32>
        %swap3A_243 = vector.shape_cast %mul3A_239 : vector<16xf32> to vector<1x16xf32>
        tpu.vector_store %arg44[%swap3A, %swap3A_240], %swap3A_243 {strides = array<i32>} : memref<64x16xf32, #tpu.memory_space<vmem>>, vector<1x16xf32>,
        %get3A_244 = arith.index_cast %scan3A_228 : i32 to index
        %get3A_245 = arith.constant 0 : index
        %get3A_246 = tpu.vector_load %arg45[%get3A_244, %get3A_245] {strides = array<i32>} : memref<64x272xf32, #tpu.memory_space<vmem>>, vector<1x16xf32>,
        %get3A_247 = vector.shape_cast %get3A_246 : vector<1x16xf32> to vector<16xf32>
        %get3A_248 = arith.index_cast %scan3A_228 : i32 to index
        %get3A_249 = arith.constant 0 : index
        %get3A_250 = tpu.vector_load %arg46[%get3A_248, %get3A_249] {strides = array<i32>} : memref<64x272xf32, #tpu.memory_space<vmem>>, vector<1x16xf32>,
        %get3A_251 = vector.shape_cast %get3A_250 : vector<1x16xf32> to vector<16xf32>
        %add3A_252 = arith.addf %get3A_247, %get3A_251 : vector<16xf32>
        %swap3A_253 = arith.index_cast %scan3A_228 : i32 to index
        %swap3A_254 = arith.constant 0 : index
        %swap3A_255 = tpu.vector_load %arg45[%swap3A_253, %swap3A_254] {strides = array<i32>} : memref<64x272xf32, #tpu.memory_space<vmem>>, vector<1x16xf32>,
        %swap3A_256 = vector.shape_cast %swap3A_255 : vector<1x16xf32> to vector<16xf32>
        %swap3A_257 = vector.shape_cast %add3A_252 : vector<16xf32> to vector<1x16xf32>
        tpu.vector_store %arg45[%swap3A_253, %swap3A_254], %swap3A_257 {strides = array<i32>} : memref<64x272xf32, #tpu.memory_space<vmem>>, vector<1x16xf32>,
        %get3A_258 = arith.index_cast %scan3A_228 : i32 to index
        %get3A_259 = arith.constant 16 : index
        %get3A_260 = tpu.vector_load %arg45[%get3A_258, %get3A_259] {strides = array<i32>} : memref<64x272xf32, #tpu.memory_space<vmem>>, vector<1x16xf32>,
        %get3A_261 = vector.shape_cast %get3A_260 : vector<1x16xf32> to vector<16xf32>
        %get3A_262 = arith.index_cast %scan3A_228 : i32 to index
        %get3A_263 = arith.constant 16 : index
        %get3A_264 = tpu.vector_load %arg46[%get3A_262, %get3A_263] {strides = array<i32>} : memref<64x272xf32, #tpu.memory_space<vmem>>, vector<1x16xf32>,
        %get3A_265 = vector.shape_cast %get3A_264 : vector<1x16xf32> to vector<16xf32>
        %add3A_266 = arith.addf %get3A_261, %get3A_265 : vector<16xf32>
        %swap3A_267 = arith.index_cast %scan3A_228 : i32 to index
        %swap3A_268 = arith.constant 16 : index
        %swap3A_269 = tpu.vector_load %arg45[%swap3A_267, %swap3A_268] {strides = array<i32>} : memref<64x272xf32, #tpu.memory_space<vmem>>, vector<1x16xf32>,
        %swap3A_270 = vector.shape_cast %swap3A_269 : vector<1x16xf32> to vector<16xf32>
        %swap3A_271 = vector.shape_cast %add3A_266 : vector<16xf32> to vector<1x16xf32>
        tpu.vector_store %arg45[%swap3A_267, %swap3A_268], %swap3A_271 {strides = array<i32>} : memref<64x272xf32, #tpu.memory_space<vmem>>, vector<1x16xf32>,
        %get3A_272 = arith.index_cast %scan3A_228 : i32 to index
        %get3A_273 = arith.constant 32 : index
        %get3A_274 = tpu.vector_load %arg45[%get3A_272, %get3A_273] {strides = array<i32>} : memref<64x272xf32, #tpu.memory_space<vmem>>, vector<1x16xf32>,
        %get3A_275 = vector.shape_cast %get3A_274 : vector<1x16xf32> to vector<16xf32>
        %get3A_276 = arith.index_cast %scan3A_228 : i32 to index
        %get3A_277 = arith.constant 32 : index
        %get3A_278 = tpu.vector_load %arg46[%get3A_276, %get3A_277] {strides = array<i32>} : memref<64x272xf32, #tpu.memory_space<vmem>>, vector<1x16xf32>,
        %get3A_279 = vector.shape_cast %get3A_278 : vector<1x16xf32> to vector<16xf32>
        %add3A_280 = arith.addf %get3A_275, %get3A_279 : vector<16xf32>
        %swap3A_281 = arith.index_cast %scan3A_228 : i32 to index
        %swap3A_282 = arith.constant 32 : index
        %swap3A_283 = tpu.vector_load %arg45[%swap3A_281, %swap3A_282] {strides = array<i32>} : memref<64x272xf32, #tpu.memory_space<vmem>>, vector<1x16xf32>,
        %swap3A_284 = vector.shape_cast %swap3A_283 : vector<1x16xf32> to vector<16xf32>
        %swap3A_285 = vector.shape_cast %add3A_280 : vector<16xf32> to vector<1x16xf32>
        tpu.vector_store %arg45[%swap3A_281, %swap3A_282], %swap3A_285 {strides = array<i32>} : memref<64x272xf32, #tpu.memory_space<vmem>>, vector<1x16xf32>,
        %get3A_286 = arith.index_cast %scan3A_228 : i32 to index
        %get3A_287 = arith.constant 48 : index
        %get3A_288 = tpu.vector_load %arg45[%get3A_286, %get3A_287] {strides = array<i32>} : memref<64x272xf32, #tpu.memory_space<vmem>>, vector<1x16xf32>,
        %get3A_289 = vector.shape_cast %get3A_288 : vector<1x16xf32> to vector<16xf32>
        %get3A_290 = arith.index_cast %scan3A_228 : i32 to index
        %get3A_291 = arith.constant 48 : index
        %get3A_292 = tpu.vector_load %arg46[%get3A_290, %get3A_291] {strides = array<i32>} : memref<64x272xf32, #tpu.memory_space<vmem>>, vector<1x16xf32>,
        %get3A_293 = vector.shape_cast %get3A_292 : vector<1x16xf32> to vector<16xf32>
        %add3A_294 = arith.addf %get3A_289, %get3A_293 : vector<16xf32>
        %swap3A_295 = arith.index_cast %scan3A_228 : i32 to index
        %swap3A_296 = arith.constant 48 : index
        %swap3A_297 = tpu.vector_load %arg45[%swap3A_295, %swap3A_296] {strides = array<i32>} : memref<64x272xf32, #tpu.memory_space<vmem>>, vector<1x16xf32>,
        %swap3A_298 = vector.shape_cast %swap3A_297 : vector<1x16xf32> to vector<16xf32>
        %swap3A_299 = vector.shape_cast %add3A_294 : vector<16xf32> to vector<1x16xf32>
        tpu.vector_store %arg45[%swap3A_295, %swap3A_296], %swap3A_299 {strides = array<i32>} : memref<64x272xf32, #tpu.memory_space<vmem>>, vector<1x16xf32>,
        %get3A_300 = arith.index_cast %scan3A_228 : i32 to index
        %get3A_301 = arith.constant 64 : index
        %get3A_302 = tpu.vector_load %arg45[%get3A_300, %get3A_301] {strides = array<i32>} : memref<64x272xf32, #tpu.memory_space<vmem>>, vector<1x16xf32>,
        %get3A_303 = vector.shape_cast %get3A_302 : vector<1x16xf32> to vector<16xf32>
        %get3A_304 = arith.index_cast %scan3A_228 : i32 to index
        %get3A_305 = arith.constant 64 : index
        %get3A_306 = tpu.vector_load %arg46[%get3A_304, %get3A_305] {strides = array<i32>} : memref<64x272xf32, #tpu.memory_space<vmem>>, vector<1x16xf32>,
        %get3A_307 = vector.shape_cast %get3A_306 : vector<1x16xf32> to vector<16xf32>
        %add3A_308 = arith.addf %get3A_303, %get3A_307 : vector<16xf32>
        %swap3A_309 = arith.index_cast %scan3A_228 : i32 to index
        %swap3A_310 = arith.constant 64 : index
        %swap3A_311 = tpu.vector_load %arg45[%swap3A_309, %swap3A_310] {strides = array<i32>} : memref<64x272xf32, #tpu.memory_space<vmem>>, vector<1x16xf32>,
        %swap3A_312 = vector.shape_cast %swap3A_311 : vector<1x16xf32> to vector<16xf32>
        %swap3A_313 = vector.shape_cast %add3A_308 : vector<16xf32> to vector<1x16xf32>
        tpu.vector_store %arg45[%swap3A_309, %swap3A_310], %swap3A_313 {strides = array<i32>} : memref<64x272xf32, #tpu.memory_space<vmem>>, vector<1x16xf32>,
        %get3A_314 = arith.index_cast %scan3A_228 : i32 to index
        %get3A_315 = arith.constant 80 : index
        %get3A_316 = tpu.vector_load %arg45[%get3A_314, %get3A_315] {strides = array<i32>} : memref<64x272xf32, #tpu.memory_space<vmem>>, vector<1x16xf32>,
        %get3A_317 = vector.shape_cast %get3A_316 : vector<1x16xf32> to vector<16xf32>
        %get3A_318 = arith.index_cast %scan3A_228 : i32 to index
        %get3A_319 = arith.constant 80 : index
        %get3A_320 = tpu.vector_load %arg46[%get3A_318, %get3A_319] {strides = array<i32>} : memref<64x272xf32, #tpu.memory_space<vmem>>, vector<1x16xf32>,
        %get3A_321 = vector.shape_cast %get3A_320 : vector<1x16xf32> to vector<16xf32>
        %add3A_322 = arith.addf %get3A_317, %get3A_321 : vector<16xf32>
        %swap3A_323 = arith.index_cast %scan3A_228 : i32 to index
        %swap3A_324 = arith.constant 80 : index
        %swap3A_325 = tpu.vector_load %arg45[%swap3A_323, %swap3A_324] {strides = array<i32>} : memref<64x272xf32, #tpu.memory_space<vmem>>, vector<1x16xf32>,
        %swap3A_326 = vector.shape_cast %swap3A_325 : vector<1x16xf32> to vector<16xf32>
        %swap3A_327 = vector.shape_cast %add3A_322 : vector<16xf32> to vector<1x16xf32>
        tpu.vector_store %arg45[%swap3A_323, %swap3A_324], %swap3A_327 {strides = array<i32>} : memref<64x272xf32, #tpu.memory_space<vmem>>, vector<1x16xf32>,
        %get3A_328 = arith.index_cast %scan3A_228 : i32 to index
        %get3A_329 = arith.constant 96 : index
        %get3A_330 = tpu.vector_load %arg45[%get3A_328, %get3A_329] {strides = array<i32>} : memref<64x272xf32, #tpu.memory_space<vmem>>, vector<1x16xf32>,
        %get3A_331 = vector.shape_cast %get3A_330 : vector<1x16xf32> to vector<16xf32>
        %get3A_332 = arith.index_cast %scan3A_228 : i32 to index
        %get3A_333 = arith.constant 96 : index
        %get3A_334 = tpu.vector_load %arg46[%get3A_332, %get3A_333] {strides = array<i32>} : memref<64x272xf32, #tpu.memory_space<vmem>>, vector<1x16xf32>,
        %get3A_335 = vector.shape_cast %get3A_334 : vector<1x16xf32> to vector<16xf32>
        %add3A_336 = arith.addf %get3A_331, %get3A_335 : vector<16xf32>
        %swap3A_337 = arith.index_cast %scan3A_228 : i32 to index
        %swap3A_338 = arith.constant 96 : index
        %swap3A_339 = tpu.vector_load %arg45[%swap3A_337, %swap3A_338] {strides = array<i32>} : memref<64x272xf32, #tpu.memory_space<vmem>>, vector<1x16xf32>,
        %swap3A_340 = vector.shape_cast %swap3A_339 : vector<1x16xf32> to vector<16xf32>
        %swap3A_341 = vector.shape_cast %add3A_336 : vector<16xf32> to vector<1x16xf32>
        tpu.vector_store %arg45[%swap3A_337, %swap3A_338], %swap3A_341 {strides = array<i32>} : memref<64x272xf32, #tpu.memory_space<vmem>>, vector<1x16xf32>,
        %get3A_342 = arith.index_cast %scan3A_228 : i32 to index
        %get3A_343 = arith.constant 112 : index
        %get3A_344 = tpu.vector_load %arg45[%get3A_342, %get3A_343] {strides = array<i32>} : memref<64x272xf32, #tpu.memory_space<vmem>>, vector<1x16xf32>,
        %get3A_345 = vector.shape_cast %get3A_344 : vector<1x16xf32> to vector<16xf32>
        %get3A_346 = arith.index_cast %scan3A_228 : i32 to index
        %get3A_347 = arith.constant 112 : index
        %get3A_348 = tpu.vector_load %arg46[%get3A_346, %get3A_347] {strides = array<i32>} : memref<64x272xf32, #tpu.memory_space<vmem>>, vector<1x16xf32>,
        %get3A_349 = vector.shape_cast %get3A_348 : vector<1x16xf32> to vector<16xf32>
        %add3A_350 = arith.addf %get3A_345, %get3A_349 : vector<16xf32>
        %swap3A_351 = arith.index_cast %scan3A_228 : i32 to index
        %swap3A_352 = arith.constant 112 : index
        %swap3A_353 = tpu.vector_load %arg45[%swap3A_351, %swap3A_352] {strides = array<i32>} : memref<64x272xf32, #tpu.memory_space<vmem>>, vector<1x16xf32>,
        %swap3A_354 = vector.shape_cast %swap3A_353 : vector<1x16xf32> to vector<16xf32>
        %swap3A_355 = vector.shape_cast %add3A_350 : vector<16xf32> to vector<1x16xf32>
        tpu.vector_store %arg45[%swap3A_351, %swap3A_352], %swap3A_355 {strides = array<i32>} : memref<64x272xf32, #tpu.memory_space<vmem>>, vector<1x16xf32>,
        %get3A_356 = arith.index_cast %scan3A_228 : i32 to index
        %get3A_357 = arith.constant 128 : index
        %get3A_358 = tpu.vector_load %arg45[%get3A_356, %get3A_357] {strides = array<i32>} : memref<64x272xf32, #tpu.memory_space<vmem>>, vector<1x16xf32>,
        %get3A_359 = vector.shape_cast %get3A_358 : vector<1x16xf32> to vector<16xf32>
        %get3A_360 = arith.index_cast %scan3A_228 : i32 to index
        %get3A_361 = arith.constant 128 : index
        %get3A_362 = tpu.vector_load %arg46[%get3A_360, %get3A_361] {strides = array<i32>} : memref<64x272xf32, #tpu.memory_space<vmem>>, vector<1x16xf32>,
        %get3A_363 = vector.shape_cast %get3A_362 : vector<1x16xf32> to vector<16xf32>
        %add3A_364 = arith.addf %get3A_359, %get3A_363 : vector<16xf32>
        %swap3A_365 = arith.index_cast %scan3A_228 : i32 to index
        %swap3A_366 = arith.constant 128 : index
        %swap3A_367 = tpu.vector_load %arg45[%swap3A_365, %swap3A_366] {strides = array<i32>} : memref<64x272xf32, #tpu.memory_space<vmem>>, vector<1x16xf32>,
        %swap3A_368 = vector.shape_cast %swap3A_367 : vector<1x16xf32> to vector<16xf32>
        %swap3A_369 = vector.shape_cast %add3A_364 : vector<16xf32> to vector<1x16xf32>
        tpu.vector_store %arg45[%swap3A_365, %swap3A_366], %swap3A_369 {strides = array<i32>} : memref<64x272xf32, #tpu.memory_space<vmem>>, vector<1x16xf32>,
        %get3A_370 = arith.index_cast %scan3A_228 : i32 to index
        %get3A_371 = arith.constant 144 : index
        %get3A_372 = tpu.vector_load %arg45[%get3A_370, %get3A_371] {strides = array<i32>} : memref<64x272xf32, #tpu.memory_space<vmem>>, vector<1x16xf32>,
        %get3A_373 = vector.shape_cast %get3A_372 : vector<1x16xf32> to vector<16xf32>
        %get3A_374 = arith.index_cast %scan3A_228 : i32 to index
        %get3A_375 = arith.constant 144 : index
        %get3A_376 = tpu.vector_load %arg46[%get3A_374, %get3A_375] {strides = array<i32>} : memref<64x272xf32, #tpu.memory_space<vmem>>, vector<1x16xf32>,
        %get3A_377 = vector.shape_cast %get3A_376 : vector<1x16xf32> to vector<16xf32>
        %add3A_378 = arith.addf %get3A_373, %get3A_377 : vector<16xf32>
        %swap3A_379 = arith.index_cast %scan3A_228 : i32 to index
        %swap3A_380 = arith.constant 144 : index
        %swap3A_381 = tpu.vector_load %arg45[%swap3A_379, %swap3A_380] {strides = array<i32>} : memref<64x272xf32, #tpu.memory_space<vmem>>, vector<1x16xf32>,
        %swap3A_382 = vector.shape_cast %swap3A_381 : vector<1x16xf32> to vector<16xf32>
        %swap3A_383 = vector.shape_cast %add3A_378 : vector<16xf32> to vector<1x16xf32>
        tpu.vector_store %arg45[%swap3A_379, %swap3A_380], %swap3A_383 {strides = array<i32>} : memref<64x272xf32, #tpu.memory_space<vmem>>, vector<1x16xf32>,
        %get3A_384 = arith.index_cast %scan3A_228 : i32 to index
        %get3A_385 = arith.constant 160 : index
        %get3A_386 = tpu.vector_load %arg45[%get3A_384, %get3A_385] {strides = array<i32>} : memref<64x272xf32, #tpu.memory_space<vmem>>, vector<1x16xf32>,
        %get3A_387 = vector.shape_cast %get3A_386 : vector<1x16xf32> to vector<16xf32>
        %get3A_388 = arith.index_cast %scan3A_228 : i32 to index
        %get3A_389 = arith.constant 160 : index
        %get3A_390 = tpu.vector_load %arg46[%get3A_388, %get3A_389] {strides = array<i32>} : memref<64x272xf32, #tpu.memory_space<vmem>>, vector<1x16xf32>,
        %get3A_391 = vector.shape_cast %get3A_390 : vector<1x16xf32> to vector<16xf32>
        %add3A_392 = arith.addf %get3A_387, %get3A_391 : vector<16xf32>
        %swap3A_393 = arith.index_cast %scan3A_228 : i32 to index
        %swap3A_394 = arith.constant 160 : index
        %swap3A_395 = tpu.vector_load %arg45[%swap3A_393, %swap3A_394] {strides = array<i32>} : memref<64x272xf32, #tpu.memory_space<vmem>>, vector<1x16xf32>,
        %swap3A_396 = vector.shape_cast %swap3A_395 : vector<1x16xf32> to vector<16xf32>
        %swap3A_397 = vector.shape_cast %add3A_392 : vector<16xf32> to vector<1x16xf32>
        tpu.vector_store %arg45[%swap3A_393, %swap3A_394], %swap3A_397 {strides = array<i32>} : memref<64x272xf32, #tpu.memory_space<vmem>>, vector<1x16xf32>,
        %get3A_398 = arith.index_cast %scan3A_228 : i32 to index
        %get3A_399 = arith.constant 176 : index
        %get3A_400 = tpu.vector_load %arg45[%get3A_398, %get3A_399] {strides = array<i32>} : memref<64x272xf32, #tpu.memory_space<vmem>>, vector<1x16xf32>,
        %get3A_401 = vector.shape_cast %get3A_400 : vector<1x16xf32> to vector<16xf32>
        %get3A_402 = arith.index_cast %scan3A_228 : i32 to index
        %get3A_403 = arith.constant 176 : index
        %get3A_404 = tpu.vector_load %arg46[%get3A_402, %get3A_403] {strides = array<i32>} : memref<64x272xf32, #tpu.memory_space<vmem>>, vector<1x16xf32>,
        %get3A_405 = vector.shape_cast %get3A_404 : vector<1x16xf32> to vector<16xf32>
        %add3A_406 = arith.addf %get3A_401, %get3A_405 : vector<16xf32>
        %swap3A_407 = arith.index_cast %scan3A_228 : i32 to index
        %swap3A_408 = arith.constant 176 : index
        %swap3A_409 = tpu.vector_load %arg45[%swap3A_407, %swap3A_408] {strides = array<i32>} : memref<64x272xf32, #tpu.memory_space<vmem>>, vector<1x16xf32>,
        %swap3A_410 = vector.shape_cast %swap3A_409 : vector<1x16xf32> to vector<16xf32>
        %swap3A_411 = vector.shape_cast %add3A_406 : vector<16xf32> to vector<1x16xf32>
        tpu.vector_store %arg45[%swap3A_407, %swap3A_408], %swap3A_411 {strides = array<i32>} : memref<64x272xf32, #tpu.memory_space<vmem>>, vector<1x16xf32>,
        %get3A_412 = arith.index_cast %scan3A_228 : i32 to index
        %get3A_413 = arith.constant 192 : index
        %get3A_414 = tpu.vector_load %arg45[%get3A_412, %get3A_413] {strides = array<i32>} : memref<64x272xf32, #tpu.memory_space<vmem>>, vector<1x16xf32>,
        %get3A_415 = vector.shape_cast %get3A_414 : vector<1x16xf32> to vector<16xf32>
        %get3A_416 = arith.index_cast %scan3A_228 : i32 to index
        %get3A_417 = arith.constant 192 : index
        %get3A_418 = tpu.vector_load %arg46[%get3A_416, %get3A_417] {strides = array<i32>} : memref<64x272xf32, #tpu.memory_space<vmem>>, vector<1x16xf32>,
        %get3A_419 = vector.shape_cast %get3A_418 : vector<1x16xf32> to vector<16xf32>
        %add3A_420 = arith.addf %get3A_415, %get3A_419 : vector<16xf32>
        %swap3A_421 = arith.index_cast %scan3A_228 : i32 to index
        %swap3A_422 = arith.constant 192 : index
        %swap3A_423 = tpu.vector_load %arg45[%swap3A_421, %swap3A_422] {strides = array<i32>} : memref<64x272xf32, #tpu.memory_space<vmem>>, vector<1x16xf32>,
        %swap3A_424 = vector.shape_cast %swap3A_423 : vector<1x16xf32> to vector<16xf32>
        %swap3A_425 = vector.shape_cast %add3A_420 : vector<16xf32> to vector<1x16xf32>
        tpu.vector_store %arg45[%swap3A_421, %swap3A_422], %swap3A_425 {strides = array<i32>} : memref<64x272xf32, #tpu.memory_space<vmem>>, vector<1x16xf32>,
        %get3A_426 = arith.index_cast %scan3A_228 : i32 to index
        %get3A_427 = arith.constant 208 : index
        %get3A_428 = tpu.vector_load %arg45[%get3A_426, %get3A_427] {strides = array<i32>} : memref<64x272xf32, #tpu.memory_space<vmem>>, vector<1x16xf32>,
        %get3A_429 = vector.shape_cast %get3A_428 : vector<1x16xf32> to vector<16xf32>
        %get3A_430 = arith.index_cast %scan3A_228 : i32 to index
        %get3A_431 = arith.constant 208 : index
        %get3A_432 = tpu.vector_load %arg46[%get3A_430, %get3A_431] {strides = array<i32>} : memref<64x272xf32, #tpu.memory_space<vmem>>, vector<1x16xf32>,
        %get3A_433 = vector.shape_cast %get3A_432 : vector<1x16xf32> to vector<16xf32>
        %add3A_434 = arith.addf %get3A_429, %get3A_433 : vector<16xf32>
        %swap3A_435 = arith.index_cast %scan3A_228 : i32 to index
        %swap3A_436 = arith.constant 208 : index
        %swap3A_437 = tpu.vector_load %arg45[%swap3A_435, %swap3A_436] {strides = array<i32>} : memref<64x272xf32, #tpu.memory_space<vmem>>, vector<1x16xf32>,
        %swap3A_438 = vector.shape_cast %swap3A_437 : vector<1x16xf32> to vector<16xf32>
        %swap3A_439 = vector.shape_cast %add3A_434 : vector<16xf32> to vector<1x16xf32>
        tpu.vector_store %arg45[%swap3A_435, %swap3A_436], %swap3A_439 {strides = array<i32>} : memref<64x272xf32, #tpu.memory_space<vmem>>, vector<1x16xf32>,
        %get3A_440 = arith.index_cast %scan3A_228 : i32 to index
        %get3A_441 = arith.constant 224 : index
        %get3A_442 = tpu.vector_load %arg45[%get3A_440, %get3A_441] {strides = array<i32>} : memref<64x272xf32, #tpu.memory_space<vmem>>, vector<1x16xf32>,
        %get3A_443 = vector.shape_cast %get3A_442 : vector<1x16xf32> to vector<16xf32>
        %get3A_444 = arith.index_cast %scan3A_228 : i32 to index
        %get3A_445 = arith.constant 224 : index
        %get3A_446 = tpu.vector_load %arg46[%get3A_444, %get3A_445] {strides = array<i32>} : memref<64x272xf32, #tpu.memory_space<vmem>>, vector<1x16xf32>,
        %get3A_447 = vector.shape_cast %get3A_446 : vector<1x16xf32> to vector<16xf32>
        %add3A_448 = arith.addf %get3A_443, %get3A_447 : vector<16xf32>
        %swap3A_449 = arith.index_cast %scan3A_228 : i32 to index
        %swap3A_450 = arith.constant 224 : index
        %swap3A_451 = tpu.vector_load %arg45[%swap3A_449, %swap3A_450] {strides = array<i32>} : memref<64x272xf32, #tpu.memory_space<vmem>>, vector<1x16xf32>,
        %swap3A_452 = vector.shape_cast %swap3A_451 : vector<1x16xf32> to vector<16xf32>
        %swap3A_453 = vector.shape_cast %add3A_448 : vector<16xf32> to vector<1x16xf32>
        tpu.vector_store %arg45[%swap3A_449, %swap3A_450], %swap3A_453 {strides = array<i32>} : memref<64x272xf32, #tpu.memory_space<vmem>>, vector<1x16xf32>,
        %get3A_454 = arith.index_cast %scan3A_228 : i32 to index
        %get3A_455 = arith.constant 240 : index
        %get3A_456 = tpu.vector_load %arg45[%get3A_454, %get3A_455] {strides = array<i32>} : memref<64x272xf32, #tpu.memory_space<vmem>>, vector<1x16xf32>,
        %get3A_457 = vector.shape_cast %get3A_456 : vector<1x16xf32> to vector<16xf32>
        %get3A_458 = arith.index_cast %scan3A_228 : i32 to index
        %get3A_459 = arith.constant 240 : index
        %get3A_460 = tpu.vector_load %arg46[%get3A_458, %get3A_459] {strides = array<i32>} : memref<64x272xf32, #tpu.memory_space<vmem>>, vector<1x16xf32>,
        %get3A_461 = vector.shape_cast %get3A_460 : vector<1x16xf32> to vector<16xf32>
        %add3A_462 = arith.addf %get3A_457, %get3A_461 : vector<16xf32>
        %swap3A_463 = arith.index_cast %scan3A_228 : i32 to index
        %swap3A_464 = arith.constant 240 : index
        %swap3A_465 = tpu.vector_load %arg45[%swap3A_463, %swap3A_464] {strides = array<i32>} : memref<64x272xf32, #tpu.memory_space<vmem>>, vector<1x16xf32>,
        %swap3A_466 = vector.shape_cast %swap3A_465 : vector<1x16xf32> to vector<16xf32>
        %swap3A_467 = vector.shape_cast %add3A_462 : vector<16xf32> to vector<1x16xf32>
        tpu.vector_store %arg45[%swap3A_463, %swap3A_464], %swap3A_467 {strides = array<i32>} : memref<64x272xf32, #tpu.memory_space<vmem>>, vector<1x16xf32>,
        %get3A_468 = arith.index_cast %scan3A_228 : i32 to index
        %get3A_469 = arith.constant 256 : index
        %get3A_470 = tpu.vector_load %arg45[%get3A_468, %get3A_469] {strides = array<i32>} : memref<64x272xf32, #tpu.memory_space<vmem>>, vector<1x16xf32>,
        %get3A_471 = vector.shape_cast %get3A_470 : vector<1x16xf32> to vector<16xf32>
        %get3A_472 = arith.index_cast %scan3A_228 : i32 to index
        %get3A_473 = arith.constant 256 : index
        %get3A_474 = tpu.vector_load %arg46[%get3A_472, %get3A_473] {strides = array<i32>} : memref<64x272xf32, #tpu.memory_space<vmem>>, vector<1x16xf32>,
        %get3A_475 = vector.shape_cast %get3A_474 : vector<1x16xf32> to vector<16xf32>
        %add3A_476 = arith.addf %get3A_471, %get3A_475 : vector<16xf32>
        %swap3A_477 = arith.index_cast %scan3A_228 : i32 to index
        %swap3A_478 = arith.constant 256 : index
        %swap3A_479 = tpu.vector_load %arg45[%swap3A_477, %swap3A_478] {strides = array<i32>} : memref<64x272xf32, #tpu.memory_space<vmem>>, vector<1x16xf32>,
        %swap3A_480 = vector.shape_cast %swap3A_479 : vector<1x16xf32> to vector<16xf32>
        %swap3A_481 = vector.shape_cast %add3A_476 : vector<16xf32> to vector<1x16xf32>
        tpu.vector_store %arg45[%swap3A_477, %swap3A_478], %swap3A_481 {strides = array<i32>} : memref<64x272xf32, #tpu.memory_space<vmem>>, vector<1x16xf32>,
      }
      %scan3A_216 = arith.constant 64 : i32
      %mul3A_217 = arith.constant 64 : i32
      %mul3A_218 = arith.muli %add3A_149, %mul3A_217 : i32
      %add3A_219 = arith.addi %mul3A_2, %mul3A_218 : i32
      %dma_start3A_220 = arith.constant 0 : i32
      %dma_start3A_221 = tpu.memref_slice %arg9[%add3A_219, %dma_start3A_220] : memref<65536x16xf32, #tpu.memory_space<hbm>> -> memref<64x16xf32, #tpu.memory_space<hbm>>
      %dma_start3A_222 = arith.constant 0 : i32
      %dma_start3A_223 = tpu.memref_slice %arg9[%add3A_219, %dma_start3A_222] : memref<65536x16xf32, #tpu.memory_space<hbm>> -> memref<64x16xf32, #tpu.memory_space<hbm>>
      tpu.enqueue_dma source(%arg44 : memref<64x16xf32, #tpu.memory_space<vmem>>) target(%dma_start3A_223 : memref<64x16xf32, #tpu.memory_space<hbm>>) target_semaphore(%arg55 : memref<!tpu.dma_semaphore, #tpu.memory_space<semaphore_mem>>)
      %dma_start3A_224 = arith.constant 0 : i32
      %dma_start3A_225 = tpu.memref_slice %arg10[%add3A_219, %dma_start3A_224] : memref<65536x272xf32, #tpu.memory_space<hbm>> -> memref<64x272xf32, #tpu.memory_space<hbm>>
      %dma_start3A_226 = arith.constant 0 : i32
      %dma_start3A_227 = tpu.memref_slice %arg10[%add3A_219, %dma_start3A_226] : memref<65536x272xf32, #tpu.memory_space<hbm>> -> memref<64x272xf32, #tpu.memory_space<hbm>>
      tpu.enqueue_dma source(%arg45 : memref<64x272xf32, #tpu.memory_space<vmem>>) target(%dma_start3A_227 : memref<64x272xf32, #tpu.memory_space<hbm>>) target_semaphore(%arg56 : memref<!tpu.dma_semaphore, #tpu.memory_space<semaphore_mem>>)
    }
    %scan3A_41 = arith.constant 16 : i32
    %dma_wait3A_42 = arith.constant 0 : i32
    %dma_wait3A_43 = arith.constant 0 : i32
    %dma_wait3A_44 = tpu.memref_slice %arg9[%dma_wait3A_42, %dma_wait3A_43] : memref<65536x16xf32, #tpu.memory_space<hbm>> -> memref<64x16xf32, #tpu.memory_space<hbm>>
    %dma_wait3A_45 = arith.constant 0 : i32
    %dma_wait3A_46 = arith.constant 0 : i32
    %dma_wait3A_47 = tpu.memref_slice %arg9[%dma_wait3A_45, %dma_wait3A_46] : memref<65536x16xf32, #tpu.memory_space<hbm>> -> memref<64x16xf32, #tpu.memory_space<hbm>>
    tpu.wait_dma2 semaphore(%arg31 : memref<!tpu.dma_semaphore, #tpu.memory_space<semaphore_mem>>) src(%arg20 : memref<64x16xf32, #tpu.memory_space<vmem>>) dst(%dma_wait3A_47 : memref<64x16xf32, #tpu.memory_space<hbm>>)
    %dma_wait3A_48 = arith.constant 0 : i32
    %dma_wait3A_49 = arith.constant 0 : i32
    %dma_wait3A_50 = tpu.memref_slice %arg10[%dma_wait3A_48, %dma_wait3A_49] : memref<65536x272xf32, #tpu.memory_space<hbm>> -> memref<64x272xf32, #tpu.memory_space<hbm>>
    %dma_wait3A_51 = arith.constant 0 : i32
    %dma_wait3A_52 = arith.constant 0 : i32
    %dma_wait3A_53 = tpu.memref_slice %arg10[%dma_wait3A_51, %dma_wait3A_52] : memref<65536x272xf32, #tpu.memory_space<hbm>> -> memref<64x272xf32, #tpu.memory_space<hbm>>
    tpu.wait_dma2 semaphore(%arg32 : memref<!tpu.dma_semaphore, #tpu.memory_space<semaphore_mem>>) src(%arg21 : memref<64x272xf32, #tpu.memory_space<vmem>>) dst(%dma_wait3A_53 : memref<64x272xf32, #tpu.memory_space<hbm>>)
    %dma_wait3A_54 = arith.constant 0 : i32
    %dma_wait3A_55 = arith.constant 0 : i32
    %dma_wait3A_56 = tpu.memref_slice %arg9[%dma_wait3A_54, %dma_wait3A_55] : memref<65536x16xf32, #tpu.memory_space<hbm>> -> memref<64x16xf32, #tpu.memory_space<hbm>>
    %dma_wait3A_57 = arith.constant 0 : i32
    %dma_wait3A_58 = arith.constant 0 : i32
    %dma_wait3A_59 = tpu.memref_slice %arg9[%dma_wait3A_57, %dma_wait3A_58] : memref<65536x16xf32, #tpu.memory_space<hbm>> -> memref<64x16xf32, #tpu.memory_space<hbm>>
    tpu.wait_dma2 semaphore(%arg55 : memref<!tpu.dma_semaphore, #tpu.memory_space<semaphore_mem>>) src(%arg44 : memref<64x16xf32, #tpu.memory_space<vmem>>) dst(%dma_wait3A_59 : memref<64x16xf32, #tpu.memory_space<hbm>>)
    %dma_wait3A_60 = arith.constant 0 : i32
    %dma_wait3A_61 = arith.constant 0 : i32
    %dma_wait3A_62 = tpu.memref_slice %arg10[%dma_wait3A_60, %dma_wait3A_61] : memref<65536x272xf32, #tpu.memory_space<hbm>> -> memref<64x272xf32, #tpu.memory_space<hbm>>
    %dma_wait3A_63 = arith.constant 0 : i32
    %dma_wait3A_64 = arith.constant 0 : i32
    %dma_wait3A_65 = tpu.memref_slice %arg10[%dma_wait3A_63, %dma_wait3A_64] : memref<65536x272xf32, #tpu.memory_space<hbm>> -> memref<64x272xf32, #tpu.memory_space<hbm>>
    tpu.wait_dma2 semaphore(%arg56 : memref<!tpu.dma_semaphore, #tpu.memory_space<semaphore_mem>>) src(%arg45 : memref<64x272xf32, #tpu.memory_space<vmem>>) dst(%dma_wait3A_65 : memref<64x272xf32, #tpu.memory_space<hbm>>)
    return
  }
}

module attributes {stable_mosaic.version = 14 : i64} {
  func.func @_node_body(%arg0: memref<2048x256xf32, #tpu.memory_space<vmem>>, %arg1: memref<2048x192xf32, #tpu.memory_space<vmem>>, %arg2: memref<2048x3xf32, #tpu.memory_space<vmem>>, %arg3: memref<1x2048xi32, #tpu.memory_space<vmem>>, %arg4: memref<4096x16xi32, #tpu.memory_space<vmem>>, %arg5: memref<4096x16xi32, #tpu.memory_space<vmem>>, %arg6: memref<256x256xf32, #tpu.memory_space<vmem>>, %arg7: memref<1x256xf32, #tpu.memory_space<vmem>>, %arg8: memref<1x64xf32, #tpu.memory_space<vmem>>, %arg9: memref<256x16xf32, #tpu.memory_space<vmem>>, %arg10: memref<1x256xf32, #tpu.memory_space<vmem>>, %arg11: memref<256x257xf32, #tpu.memory_space<vmem>>, %arg12: memref<1x256xf32, #tpu.memory_space<vmem>>, %arg13: memref<2048x272xf32, #tpu.memory_space<vmem>>, %arg14: memref<4096x16xi32, #tpu.memory_space<vmem>>, %arg15: memref<4096x16xi32, #tpu.memory_space<vmem>>, %arg16: memref<4096x16xi32, #tpu.memory_space<vmem>>, %arg17: memref<16x256xf32, #tpu.memory_space<vmem>>, %arg18: memref<1x256xf32, #tpu.memory_space<vmem>>, %arg19: memref<1x256xf32, #tpu.memory_space<vmem>>) attributes {dimension_semantics = [], scalar_prefetch = 0 : i64, scratch_operands = 0 : i64, tpu.core_type = #tpu.core_type<tc>} {
    %get3A = arith.constant 0 : index
    %get3A_0 = arith.constant 0 : index
    %get3A_1 = vector.load %arg0[%get3A, %get3A_0] : memref<2048x256xf32, #tpu.memory_space<vmem>>, vector<2048x256xf32>
    %get3A_2 = arith.constant 0 : index
    %get3A_3 = arith.constant 0 : index
    %get3A_4 = vector.load %arg6[%get3A_2, %get3A_3] : memref<256x256xf32, #tpu.memory_space<vmem>>, vector<256x256xf32>
    %dot_general3A = arith.constant dense<0.000000e+00> : vector<2048x256xf32>
    %dot_general3A_5 = tpu.matmul %get3A_1, %get3A_4, %dot_general3A {dimension_numbers = #tpu.dot_dimension_numbers<[1], [1], [0], [0], [0, 0, 1, 0], [], []>, transpose_lhs_hint = false} : vector<2048x256xf32>, vector<256x256xf32>, vector<2048x256xf32> -> vector<2048x256xf32>
    %get3A_6 = arith.constant 0 : index
    %get3A_7 = arith.constant 0 : index
    %get3A_8 = vector.load %arg7[%get3A_6, %get3A_7] : memref<1x256xf32, #tpu.memory_space<vmem>>, vector<1x256xf32>
    %add3A = vector.broadcast %get3A_8 : vector<1x256xf32> to vector<2048x256xf32>
    %add3A_9 = arith.addf %dot_general3A_5, %add3A : vector<2048x256xf32>
    %neg3A = arith.constant 0.000000e+00 : f32
    %neg3A_10 = vector.broadcast %neg3A : f32 to vector<2048x256xf32>
    %neg3A_11 = arith.subf %neg3A_10, %add3A_9 : vector<2048x256xf32>
    %exp3A = math.exp %neg3A_11 : vector<2048x256xf32>
    %add3A_12 = arith.constant 1.000000e+00 : f32
    %add3A_13 = vector.broadcast %add3A_12 : f32 to vector<2048x256xf32>
    %add3A_14 = arith.addf %add3A_13, %exp3A : vector<2048x256xf32>
    %div3A = arith.constant 1.000000e+00 : f32
    %div3A_15 = vector.broadcast %div3A : f32 to vector<2048x256xf32>
    %div3A_16 = arith.divf %div3A_15, %add3A_14 : vector<2048x256xf32>
    %mul3A = arith.mulf %add3A_9, %div3A_16 : vector<2048x256xf32>
    %get3A_17 = arith.constant 0 : index
    %get3A_18 = arith.constant 0 : index
    %get3A_19 = vector.load %arg11[%get3A_17, %get3A_18] : memref<256x257xf32, #tpu.memory_space<vmem>>, vector<256x257xf32>
    %slice3A = vector.extract_strided_slice %get3A_19 {offsets = [0, 0], sizes = [256, 256], strides = [1, 1]} : vector<256x257xf32> to vector<256x256xf32>
    %dot_general3A_20 = arith.constant dense<0.000000e+00> : vector<2048x256xf32>
    %dot_general3A_21 = tpu.matmul %mul3A, %slice3A, %dot_general3A_20 {dimension_numbers = #tpu.dot_dimension_numbers<[1], [1], [0], [0], [0, 0, 1, 0], [], []>, transpose_lhs_hint = false} : vector<2048x256xf32>, vector<256x256xf32>, vector<2048x256xf32> -> vector<2048x256xf32>
    %get3A_22 = arith.constant 0 : index
    %get3A_23 = arith.constant 0 : index
    %get3A_24 = vector.load %arg1[%get3A_22, %get3A_23] : memref<2048x192xf32, #tpu.memory_space<vmem>>, vector<2048x192xf32>
    %get3A_25 = arith.constant 0 : index
    %get3A_26 = arith.constant 0 : index
    %get3A_27 = vector.load %arg8[%get3A_25, %get3A_26] : memref<1x64xf32, #tpu.memory_space<vmem>>, vector<1x64xf32>
    %slice3A_28 = vector.extract_strided_slice %get3A_24 {offsets = [0, 0], sizes = [2048, 64], strides = [1, 1]} : vector<2048x192xf32> to vector<2048x64xf32>
    %mul3A_29 = vector.broadcast %get3A_27 : vector<1x64xf32> to vector<2048x64xf32>
    %mul3A_30 = arith.mulf %slice3A_28, %mul3A_29 : vector<2048x64xf32>
    %reduce_sum3A = arith.constant dense<0.000000e+00> : vector<2048xf32>
    %reduce_sum3A_31 = vector.multi_reduction <add>, %mul3A_30, %reduce_sum3A [1] : vector<2048x64xf32> to vector<2048xf32>
    %broadcast_in_dim3A = vector.shape_cast %reduce_sum3A_31 : vector<2048xf32> to vector<2048x1xf32>
    %slice3A_32 = vector.extract_strided_slice %get3A_24 {offsets = [0, 64], sizes = [2048, 64], strides = [1, 1]} : vector<2048x192xf32> to vector<2048x64xf32>
    %mul3A_33 = vector.broadcast %get3A_27 : vector<1x64xf32> to vector<2048x64xf32>
    %mul3A_34 = arith.mulf %slice3A_32, %mul3A_33 : vector<2048x64xf32>
    %reduce_sum3A_35 = arith.constant dense<0.000000e+00> : vector<2048xf32>
    %reduce_sum3A_36 = vector.multi_reduction <add>, %mul3A_34, %reduce_sum3A_35 [1] : vector<2048x64xf32> to vector<2048xf32>
    %broadcast_in_dim3A_37 = vector.shape_cast %reduce_sum3A_36 : vector<2048xf32> to vector<2048x1xf32>
    %slice3A_38 = vector.extract_strided_slice %get3A_24 {offsets = [0, 128], sizes = [2048, 64], strides = [1, 1]} : vector<2048x192xf32> to vector<2048x64xf32>
    %mul3A_39 = vector.broadcast %get3A_27 : vector<1x64xf32> to vector<2048x64xf32>
    %mul3A_40 = arith.mulf %slice3A_38, %mul3A_39 : vector<2048x64xf32>
    %reduce_sum3A_41 = arith.constant dense<0.000000e+00> : vector<2048xf32>
    %reduce_sum3A_42 = vector.multi_reduction <add>, %mul3A_40, %reduce_sum3A_41 [1] : vector<2048x64xf32> to vector<2048xf32>
    %broadcast_in_dim3A_43 = vector.shape_cast %reduce_sum3A_42 : vector<2048xf32> to vector<2048x1xf32>
    %get3A_44 = arith.constant 0 : index
    %get3A_45 = arith.constant 0 : index
    %get3A_46 = vector.load %arg2[%get3A_44, %get3A_45] : memref<2048x3xf32, #tpu.memory_space<vmem>>, vector<2048x3xf32>
    %concatenate3A = tpu.concatenate %broadcast_in_dim3A, %broadcast_in_dim3A_37, %broadcast_in_dim3A_43 in 1 : vector<2048x1xf32>, vector<2048x1xf32>, vector<2048x1xf32> -> vector<2048x3xf32>
    %add3A_47 = arith.addf %get3A_46, %concatenate3A : vector<2048x3xf32>
    %iota3A = tpu.iota {dimensions = array<i32: 0>} : vector<64x2048xi32>
    %get3A_48 = arith.constant 0 : index
    %get3A_49 = arith.constant 0 : index
    %get3A_50 = vector.load %arg3[%get3A_48, %get3A_49] : memref<1x2048xi32, #tpu.memory_space<vmem>>, vector<1x2048xi32>
    %eq3A = vector.broadcast %get3A_50 : vector<1x2048xi32> to vector<64x2048xi32>
    %eq3A_51 = arith.cmpi eq, %iota3A, %eq3A : vector<64x2048xi32>
    %convert_element_type3A = arith.extui %eq3A_51 : vector<64x2048xi1> to vector<64x2048xi32>
    %convert_element_type3A_52 = arith.sitofp %convert_element_type3A : vector<64x2048xi32> to vector<64x2048xf32>
    %dot_general3A_53 = arith.constant dense<0.000000e+00> : vector<64x3xf32>
    %dot_general3A_54 = tpu.matmul %convert_element_type3A_52, %add3A_47, %dot_general3A_53 {dimension_numbers = #tpu.dot_dimension_numbers<[1], [0], [0], [1], [0, 0, 1, 1], [], []>, transpose_lhs_hint = false} : vector<64x2048xf32>, vector<2048x3xf32>, vector<64x3xf32> -> vector<64x3xf32>
    %reduce_sum3A_55 = arith.constant dense<0.000000e+00> : vector<64xf32>
    %reduce_sum3A_56 = vector.multi_reduction <add>, %convert_element_type3A_52, %reduce_sum3A_55 [1] : vector<64x2048xf32> to vector<64xf32>
    %broadcast_in_dim3A_57 = vector.shape_cast %reduce_sum3A_56 : vector<64xf32> to vector<64x1xf32>
    %max3A = arith.constant 1.000000e+00 : f32
    %max3A_58 = vector.broadcast %max3A : f32 to vector<64x1xf32>
    %max3A_59 = arith.maximumf %broadcast_in_dim3A_57, %max3A_58 : vector<64x1xf32>
    %div3A_60 = vector.broadcast %max3A_59 : vector<64x1xf32> to vector<64x3xf32>
    %div3A_61 = arith.divf %dot_general3A_54, %div3A_60 : vector<64x3xf32>
    %dot_general3A_62 = arith.constant dense<0.000000e+00> : vector<2048x3xf32>
    %dot_general3A_63 = tpu.matmul %convert_element_type3A_52, %div3A_61, %dot_general3A_62 {dimension_numbers = #tpu.dot_dimension_numbers<[0], [0], [1], [1], [0, 1, 1, 1], [], []>, transpose_lhs_hint = false} : vector<64x2048xf32>, vector<64x3xf32>, vector<2048x3xf32> -> vector<2048x3xf32>
    %sub3A = arith.subf %add3A_47, %dot_general3A_63 : vector<2048x3xf32>
    %mul3A_64 = arith.mulf %sub3A, %sub3A : vector<2048x3xf32>
    %reduce_sum3A_65 = arith.constant dense<0.000000e+00> : vector<2048xf32>
    %reduce_sum3A_66 = vector.multi_reduction <add>, %mul3A_64, %reduce_sum3A_65 [1] : vector<2048x3xf32> to vector<2048xf32>
    %broadcast_in_dim3A_67 = vector.shape_cast %reduce_sum3A_66 : vector<2048xf32> to vector<2048x1xf32>
    %broadcast_in_dim3A_68 = arith.constant 0.000000e+00 : f32
    %broadcast_in_dim3A_69 = vector.broadcast %broadcast_in_dim3A_68 : f32 to vector<2048x12xf32>
    %concatenate3A_70 = tpu.concatenate %dot_general3A_21, %broadcast_in_dim3A_67, %sub3A, %broadcast_in_dim3A_69 in 1 : vector<2048x256xf32>, vector<2048x1xf32>, vector<2048x3xf32>, vector<2048x12xf32> -> vector<2048x272xf32>
    %swap3A = arith.constant 0 : index
    %swap3A_71 = arith.constant 0 : index
    %swap3A_72 = vector.load %arg13[%swap3A, %swap3A_71] : memref<2048x272xf32, #tpu.memory_space<vmem>>, vector<2048x272xf32>
    tpu.vector_store %arg13[%swap3A, %swap3A_71], %concatenate3A_70 {strides = array<i32>} : memref<2048x272xf32, #tpu.memory_space<vmem>>, vector<2048x272xf32>,
    %get3A_73 = arith.constant 0 : index
    %get3A_74 = arith.constant 0 : index
    %get3A_75 = vector.load %arg4[%get3A_73, %get3A_74] : memref<4096x16xi32, #tpu.memory_space<vmem>>, vector<4096x16xi32>
    %get3A_76 = arith.constant 0 : index
    %get3A_77 = arith.constant 0 : index
    %get3A_78 = vector.load %arg5[%get3A_76, %get3A_77] : memref<4096x16xi32, #tpu.memory_space<vmem>>, vector<4096x16xi32>
    %mul3A_79 = arith.constant 2048 : i32
    %mul3A_80 = vector.broadcast %mul3A_79 : i32 to vector<4096x16xi32>
    %mul3A_81 = arith.muli %get3A_75, %mul3A_80 : vector<4096x16xi32>
    %add3A_82 = arith.addi %mul3A_81, %get3A_78 : vector<4096x16xi32>
    %mul3A_83 = arith.constant 2048 : i32
    %mul3A_84 = vector.broadcast %mul3A_83 : i32 to vector<4096x16xi32>
    %mul3A_85 = arith.muli %get3A_78, %mul3A_84 : vector<4096x16xi32>
    %add3A_86 = arith.addi %mul3A_85, %get3A_75 : vector<4096x16xi32>
    %broadcast_in_dim3A_87 = arith.constant 0 : i32
    %broadcast_in_dim3A_88 = vector.broadcast %broadcast_in_dim3A_87 : i32 to vector<4096x16xi32>
    %slice3A_89 = vector.extract_strided_slice %add3A_82 {offsets = [0, 1], sizes = [4096, 15], strides = [1, 1]} : vector<4096x16xi32> to vector<4096x15xi32>
    %slice3A_90 = vector.extract_strided_slice %add3A_82 {offsets = [0, 0], sizes = [4096, 15], strides = [1, 1]} : vector<4096x16xi32> to vector<4096x15xi32>
    %eq3A_91 = arith.cmpi eq, %slice3A_89, %slice3A_90 : vector<4096x15xi32>
    %convert_element_type3A_92 = arith.extui %eq3A_91 : vector<4096x15xi1> to vector<4096x15xi32>
    %broadcast_in_dim3A_93 = arith.constant 0 : i32
    %broadcast_in_dim3A_94 = vector.broadcast %broadcast_in_dim3A_93 : i32 to vector<4096x1xi32>
    %concatenate3A_95 = tpu.concatenate %convert_element_type3A_92, %broadcast_in_dim3A_94 in 1 : vector<4096x15xi32>, vector<4096x1xi32> -> vector<4096x16xi32>
    %max3A_96 = arith.maxsi %broadcast_in_dim3A_88, %concatenate3A_95 : vector<4096x16xi32>
    %slice3A_97 = vector.extract_strided_slice %add3A_82 {offsets = [0, 2], sizes = [4096, 14], strides = [1, 1]} : vector<4096x16xi32> to vector<4096x14xi32>
    %slice3A_98 = vector.extract_strided_slice %add3A_82 {offsets = [0, 0], sizes = [4096, 14], strides = [1, 1]} : vector<4096x16xi32> to vector<4096x14xi32>
    %eq3A_99 = arith.cmpi eq, %slice3A_97, %slice3A_98 : vector<4096x14xi32>
    %convert_element_type3A_100 = arith.extui %eq3A_99 : vector<4096x14xi1> to vector<4096x14xi32>
    %broadcast_in_dim3A_101 = arith.constant 0 : i32
    %broadcast_in_dim3A_102 = vector.broadcast %broadcast_in_dim3A_101 : i32 to vector<4096x2xi32>
    %concatenate3A_103 = tpu.concatenate %convert_element_type3A_100, %broadcast_in_dim3A_102 in 1 : vector<4096x14xi32>, vector<4096x2xi32> -> vector<4096x16xi32>
    %max3A_104 = arith.maxsi %max3A_96, %concatenate3A_103 : vector<4096x16xi32>
    %slice3A_105 = vector.extract_strided_slice %add3A_82 {offsets = [0, 3], sizes = [4096, 13], strides = [1, 1]} : vector<4096x16xi32> to vector<4096x13xi32>
    %slice3A_106 = vector.extract_strided_slice %add3A_82 {offsets = [0, 0], sizes = [4096, 13], strides = [1, 1]} : vector<4096x16xi32> to vector<4096x13xi32>
    %eq3A_107 = arith.cmpi eq, %slice3A_105, %slice3A_106 : vector<4096x13xi32>
    %convert_element_type3A_108 = arith.extui %eq3A_107 : vector<4096x13xi1> to vector<4096x13xi32>
    %broadcast_in_dim3A_109 = arith.constant 0 : i32
    %broadcast_in_dim3A_110 = vector.broadcast %broadcast_in_dim3A_109 : i32 to vector<4096x3xi32>
    %concatenate3A_111 = tpu.concatenate %convert_element_type3A_108, %broadcast_in_dim3A_110 in 1 : vector<4096x13xi32>, vector<4096x3xi32> -> vector<4096x16xi32>
    %max3A_112 = arith.maxsi %max3A_104, %concatenate3A_111 : vector<4096x16xi32>
    %slice3A_113 = vector.extract_strided_slice %add3A_82 {offsets = [0, 4], sizes = [4096, 12], strides = [1, 1]} : vector<4096x16xi32> to vector<4096x12xi32>
    %slice3A_114 = vector.extract_strided_slice %add3A_82 {offsets = [0, 0], sizes = [4096, 12], strides = [1, 1]} : vector<4096x16xi32> to vector<4096x12xi32>
    %eq3A_115 = arith.cmpi eq, %slice3A_113, %slice3A_114 : vector<4096x12xi32>
    %convert_element_type3A_116 = arith.extui %eq3A_115 : vector<4096x12xi1> to vector<4096x12xi32>
    %broadcast_in_dim3A_117 = arith.constant 0 : i32
    %broadcast_in_dim3A_118 = vector.broadcast %broadcast_in_dim3A_117 : i32 to vector<4096x4xi32>
    %concatenate3A_119 = tpu.concatenate %convert_element_type3A_116, %broadcast_in_dim3A_118 in 1 : vector<4096x12xi32>, vector<4096x4xi32> -> vector<4096x16xi32>
    %max3A_120 = arith.maxsi %max3A_112, %concatenate3A_119 : vector<4096x16xi32>
    %slice3A_121 = vector.extract_strided_slice %add3A_82 {offsets = [0, 5], sizes = [4096, 11], strides = [1, 1]} : vector<4096x16xi32> to vector<4096x11xi32>
    %slice3A_122 = vector.extract_strided_slice %add3A_82 {offsets = [0, 0], sizes = [4096, 11], strides = [1, 1]} : vector<4096x16xi32> to vector<4096x11xi32>
    %eq3A_123 = arith.cmpi eq, %slice3A_121, %slice3A_122 : vector<4096x11xi32>
    %convert_element_type3A_124 = arith.extui %eq3A_123 : vector<4096x11xi1> to vector<4096x11xi32>
    %broadcast_in_dim3A_125 = arith.constant 0 : i32
    %broadcast_in_dim3A_126 = vector.broadcast %broadcast_in_dim3A_125 : i32 to vector<4096x5xi32>
    %concatenate3A_127 = tpu.concatenate %convert_element_type3A_124, %broadcast_in_dim3A_126 in 1 : vector<4096x11xi32>, vector<4096x5xi32> -> vector<4096x16xi32>
    %max3A_128 = arith.maxsi %max3A_120, %concatenate3A_127 : vector<4096x16xi32>
    %slice3A_129 = vector.extract_strided_slice %add3A_82 {offsets = [0, 6], sizes = [4096, 10], strides = [1, 1]} : vector<4096x16xi32> to vector<4096x10xi32>
    %slice3A_130 = vector.extract_strided_slice %add3A_82 {offsets = [0, 0], sizes = [4096, 10], strides = [1, 1]} : vector<4096x16xi32> to vector<4096x10xi32>
    %eq3A_131 = arith.cmpi eq, %slice3A_129, %slice3A_130 : vector<4096x10xi32>
    %convert_element_type3A_132 = arith.extui %eq3A_131 : vector<4096x10xi1> to vector<4096x10xi32>
    %broadcast_in_dim3A_133 = arith.constant 0 : i32
    %broadcast_in_dim3A_134 = vector.broadcast %broadcast_in_dim3A_133 : i32 to vector<4096x6xi32>
    %concatenate3A_135 = tpu.concatenate %convert_element_type3A_132, %broadcast_in_dim3A_134 in 1 : vector<4096x10xi32>, vector<4096x6xi32> -> vector<4096x16xi32>
    %max3A_136 = arith.maxsi %max3A_128, %concatenate3A_135 : vector<4096x16xi32>
    %slice3A_137 = vector.extract_strided_slice %add3A_82 {offsets = [0, 7], sizes = [4096, 9], strides = [1, 1]} : vector<4096x16xi32> to vector<4096x9xi32>
    %slice3A_138 = vector.extract_strided_slice %add3A_82 {offsets = [0, 0], sizes = [4096, 9], strides = [1, 1]} : vector<4096x16xi32> to vector<4096x9xi32>
    %eq3A_139 = arith.cmpi eq, %slice3A_137, %slice3A_138 : vector<4096x9xi32>
    %convert_element_type3A_140 = arith.extui %eq3A_139 : vector<4096x9xi1> to vector<4096x9xi32>
    %broadcast_in_dim3A_141 = arith.constant 0 : i32
    %broadcast_in_dim3A_142 = vector.broadcast %broadcast_in_dim3A_141 : i32 to vector<4096x7xi32>
    %concatenate3A_143 = tpu.concatenate %convert_element_type3A_140, %broadcast_in_dim3A_142 in 1 : vector<4096x9xi32>, vector<4096x7xi32> -> vector<4096x16xi32>
    %max3A_144 = arith.maxsi %max3A_136, %concatenate3A_143 : vector<4096x16xi32>
    %slice3A_145 = vector.extract_strided_slice %add3A_82 {offsets = [0, 8], sizes = [4096, 8], strides = [1, 1]} : vector<4096x16xi32> to vector<4096x8xi32>
    %slice3A_146 = vector.extract_strided_slice %add3A_82 {offsets = [0, 0], sizes = [4096, 8], strides = [1, 1]} : vector<4096x16xi32> to vector<4096x8xi32>
    %eq3A_147 = arith.cmpi eq, %slice3A_145, %slice3A_146 : vector<4096x8xi32>
    %convert_element_type3A_148 = arith.extui %eq3A_147 : vector<4096x8xi1> to vector<4096x8xi32>
    %broadcast_in_dim3A_149 = arith.constant 0 : i32
    %broadcast_in_dim3A_150 = vector.broadcast %broadcast_in_dim3A_149 : i32 to vector<4096x8xi32>
    %concatenate3A_151 = tpu.concatenate %convert_element_type3A_148, %broadcast_in_dim3A_150 in 1 : vector<4096x8xi32>, vector<4096x8xi32> -> vector<4096x16xi32>
    %max3A_152 = arith.maxsi %max3A_144, %concatenate3A_151 : vector<4096x16xi32>
    %slice3A_153 = vector.extract_strided_slice %add3A_82 {offsets = [0, 9], sizes = [4096, 7], strides = [1, 1]} : vector<4096x16xi32> to vector<4096x7xi32>
    %slice3A_154 = vector.extract_strided_slice %add3A_82 {offsets = [0, 0], sizes = [4096, 7], strides = [1, 1]} : vector<4096x16xi32> to vector<4096x7xi32>
    %eq3A_155 = arith.cmpi eq, %slice3A_153, %slice3A_154 : vector<4096x7xi32>
    %convert_element_type3A_156 = arith.extui %eq3A_155 : vector<4096x7xi1> to vector<4096x7xi32>
    %broadcast_in_dim3A_157 = arith.constant 0 : i32
    %broadcast_in_dim3A_158 = vector.broadcast %broadcast_in_dim3A_157 : i32 to vector<4096x9xi32>
    %concatenate3A_159 = tpu.concatenate %convert_element_type3A_156, %broadcast_in_dim3A_158 in 1 : vector<4096x7xi32>, vector<4096x9xi32> -> vector<4096x16xi32>
    %max3A_160 = arith.maxsi %max3A_152, %concatenate3A_159 : vector<4096x16xi32>
    %slice3A_161 = vector.extract_strided_slice %add3A_82 {offsets = [0, 10], sizes = [4096, 6], strides = [1, 1]} : vector<4096x16xi32> to vector<4096x6xi32>
    %slice3A_162 = vector.extract_strided_slice %add3A_82 {offsets = [0, 0], sizes = [4096, 6], strides = [1, 1]} : vector<4096x16xi32> to vector<4096x6xi32>
    %eq3A_163 = arith.cmpi eq, %slice3A_161, %slice3A_162 : vector<4096x6xi32>
    %convert_element_type3A_164 = arith.extui %eq3A_163 : vector<4096x6xi1> to vector<4096x6xi32>
    %broadcast_in_dim3A_165 = arith.constant 0 : i32
    %broadcast_in_dim3A_166 = vector.broadcast %broadcast_in_dim3A_165 : i32 to vector<4096x10xi32>
    %concatenate3A_167 = tpu.concatenate %convert_element_type3A_164, %broadcast_in_dim3A_166 in 1 : vector<4096x6xi32>, vector<4096x10xi32> -> vector<4096x16xi32>
    %max3A_168 = arith.maxsi %max3A_160, %concatenate3A_167 : vector<4096x16xi32>
    %slice3A_169 = vector.extract_strided_slice %add3A_82 {offsets = [0, 11], sizes = [4096, 5], strides = [1, 1]} : vector<4096x16xi32> to vector<4096x5xi32>
    %slice3A_170 = vector.extract_strided_slice %add3A_82 {offsets = [0, 0], sizes = [4096, 5], strides = [1, 1]} : vector<4096x16xi32> to vector<4096x5xi32>
    %eq3A_171 = arith.cmpi eq, %slice3A_169, %slice3A_170 : vector<4096x5xi32>
    %convert_element_type3A_172 = arith.extui %eq3A_171 : vector<4096x5xi1> to vector<4096x5xi32>
    %broadcast_in_dim3A_173 = arith.constant 0 : i32
    %broadcast_in_dim3A_174 = vector.broadcast %broadcast_in_dim3A_173 : i32 to vector<4096x11xi32>
    %concatenate3A_175 = tpu.concatenate %convert_element_type3A_172, %broadcast_in_dim3A_174 in 1 : vector<4096x5xi32>, vector<4096x11xi32> -> vector<4096x16xi32>
    %max3A_176 = arith.maxsi %max3A_168, %concatenate3A_175 : vector<4096x16xi32>
    %slice3A_177 = vector.extract_strided_slice %add3A_82 {offsets = [0, 12], sizes = [4096, 4], strides = [1, 1]} : vector<4096x16xi32> to vector<4096x4xi32>
    %slice3A_178 = vector.extract_strided_slice %add3A_82 {offsets = [0, 0], sizes = [4096, 4], strides = [1, 1]} : vector<4096x16xi32> to vector<4096x4xi32>
    %eq3A_179 = arith.cmpi eq, %slice3A_177, %slice3A_178 : vector<4096x4xi32>
    %convert_element_type3A_180 = arith.extui %eq3A_179 : vector<4096x4xi1> to vector<4096x4xi32>
    %broadcast_in_dim3A_181 = arith.constant 0 : i32
    %broadcast_in_dim3A_182 = vector.broadcast %broadcast_in_dim3A_181 : i32 to vector<4096x12xi32>
    %concatenate3A_183 = tpu.concatenate %convert_element_type3A_180, %broadcast_in_dim3A_182 in 1 : vector<4096x4xi32>, vector<4096x12xi32> -> vector<4096x16xi32>
    %max3A_184 = arith.maxsi %max3A_176, %concatenate3A_183 : vector<4096x16xi32>
    %slice3A_185 = vector.extract_strided_slice %add3A_82 {offsets = [0, 13], sizes = [4096, 3], strides = [1, 1]} : vector<4096x16xi32> to vector<4096x3xi32>
    %slice3A_186 = vector.extract_strided_slice %add3A_82 {offsets = [0, 0], sizes = [4096, 3], strides = [1, 1]} : vector<4096x16xi32> to vector<4096x3xi32>
    %eq3A_187 = arith.cmpi eq, %slice3A_185, %slice3A_186 : vector<4096x3xi32>
    %convert_element_type3A_188 = arith.extui %eq3A_187 : vector<4096x3xi1> to vector<4096x3xi32>
    %broadcast_in_dim3A_189 = arith.constant 0 : i32
    %broadcast_in_dim3A_190 = vector.broadcast %broadcast_in_dim3A_189 : i32 to vector<4096x13xi32>
    %concatenate3A_191 = tpu.concatenate %convert_element_type3A_188, %broadcast_in_dim3A_190 in 1 : vector<4096x3xi32>, vector<4096x13xi32> -> vector<4096x16xi32>
    %max3A_192 = arith.maxsi %max3A_184, %concatenate3A_191 : vector<4096x16xi32>
    %slice3A_193 = vector.extract_strided_slice %add3A_82 {offsets = [0, 14], sizes = [4096, 2], strides = [1, 1]} : vector<4096x16xi32> to vector<4096x2xi32>
    %slice3A_194 = vector.extract_strided_slice %add3A_82 {offsets = [0, 0], sizes = [4096, 2], strides = [1, 1]} : vector<4096x16xi32> to vector<4096x2xi32>
    %eq3A_195 = arith.cmpi eq, %slice3A_193, %slice3A_194 : vector<4096x2xi32>
    %convert_element_type3A_196 = arith.extui %eq3A_195 : vector<4096x2xi1> to vector<4096x2xi32>
    %broadcast_in_dim3A_197 = arith.constant 0 : i32
    %broadcast_in_dim3A_198 = vector.broadcast %broadcast_in_dim3A_197 : i32 to vector<4096x14xi32>
    %concatenate3A_199 = tpu.concatenate %convert_element_type3A_196, %broadcast_in_dim3A_198 in 1 : vector<4096x2xi32>, vector<4096x14xi32> -> vector<4096x16xi32>
    %max3A_200 = arith.maxsi %max3A_192, %concatenate3A_199 : vector<4096x16xi32>
    %slice3A_201 = vector.extract_strided_slice %add3A_82 {offsets = [0, 15], sizes = [4096, 1], strides = [1, 1]} : vector<4096x16xi32> to vector<4096x1xi32>
    %slice3A_202 = vector.extract_strided_slice %add3A_82 {offsets = [0, 0], sizes = [4096, 1], strides = [1, 1]} : vector<4096x16xi32> to vector<4096x1xi32>
    %eq3A_203 = arith.cmpi eq, %slice3A_201, %slice3A_202 : vector<4096x1xi32>
    %convert_element_type3A_204 = arith.extui %eq3A_203 : vector<4096x1xi1> to vector<4096x1xi32>
    %broadcast_in_dim3A_205 = arith.constant 0 : i32
    %broadcast_in_dim3A_206 = vector.broadcast %broadcast_in_dim3A_205 : i32 to vector<4096x15xi32>
    %concatenate3A_207 = tpu.concatenate %convert_element_type3A_204, %broadcast_in_dim3A_206 in 1 : vector<4096x1xi32>, vector<4096x15xi32> -> vector<4096x16xi32>
    %max3A_208 = arith.maxsi %max3A_200, %concatenate3A_207 : vector<4096x16xi32>
    %swap3A_209 = arith.constant 0 : index
    %swap3A_210 = arith.constant 0 : index
    %swap3A_211 = vector.load %arg14[%swap3A_209, %swap3A_210] : memref<4096x16xi32, #tpu.memory_space<vmem>>, vector<4096x16xi32>
    tpu.vector_store %arg14[%swap3A_209, %swap3A_210], %add3A_82 {strides = array<i32>} : memref<4096x16xi32, #tpu.memory_space<vmem>>, vector<4096x16xi32>,
    %swap3A_212 = arith.constant 0 : index
    %swap3A_213 = arith.constant 0 : index
    %swap3A_214 = vector.load %arg16[%swap3A_212, %swap3A_213] : memref<4096x16xi32, #tpu.memory_space<vmem>>, vector<4096x16xi32>
    tpu.vector_store %arg16[%swap3A_212, %swap3A_213], %add3A_86 {strides = array<i32>} : memref<4096x16xi32, #tpu.memory_space<vmem>>, vector<4096x16xi32>,
    %gt3A = arith.constant 0 : i32
    %gt3A_215 = vector.broadcast %gt3A : i32 to vector<4096x16xi32>
    %gt3A_216 = arith.cmpi sgt, %max3A_208, %gt3A_215 : vector<4096x16xi32>
    %jit3A = arith.constant 2147483647 : i32
    %broadcast_in_dim3A_217 = vector.broadcast %jit3A : i32 to vector<4096x16xi32>
    %select_n3A = arith.select %gt3A_216, %broadcast_in_dim3A_217, %add3A_82 : vector<4096x16xi1>, vector<4096x16xi32>
    %swap3A_218 = arith.constant 0 : index
    %swap3A_219 = arith.constant 0 : index
    %swap3A_220 = vector.load %arg15[%swap3A_218, %swap3A_219] : memref<4096x16xi32, #tpu.memory_space<vmem>>, vector<4096x16xi32>
    tpu.vector_store %arg15[%swap3A_218, %swap3A_219], %select_n3A {strides = array<i32>} : memref<4096x16xi32, #tpu.memory_space<vmem>>, vector<4096x16xi32>,
    %get3A_221 = arith.constant 0 : index
    %get3A_222 = arith.constant 0 : index
    %get3A_223 = vector.load %arg9[%get3A_221, %get3A_222] : memref<256x16xf32, #tpu.memory_space<vmem>>, vector<256x16xf32>
    %dot_general3A_224 = arith.constant dense<0.000000e+00> : vector<16x256xf32>
    %dot_general3A_225 = tpu.matmul %get3A_223, %slice3A, %dot_general3A_224 {dimension_numbers = #tpu.dot_dimension_numbers<[0], [1], [1], [0], [0, 1, 1, 0], [], []>, transpose_lhs_hint = false} : vector<256x16xf32>, vector<256x256xf32>, vector<16x256xf32> -> vector<16x256xf32>
    %swap3A_226 = arith.constant 0 : index
    %swap3A_227 = arith.constant 0 : index
    %swap3A_228 = vector.load %arg17[%swap3A_226, %swap3A_227] : memref<16x256xf32, #tpu.memory_space<vmem>>, vector<16x256xf32>
    tpu.vector_store %arg17[%swap3A_226, %swap3A_227], %dot_general3A_225 {strides = array<i32>} : memref<16x256xf32, #tpu.memory_space<vmem>>, vector<16x256xf32>,
    %get3A_229 = arith.constant 0 : index
    %get3A_230 = arith.constant 0 : index
    %get3A_231 = vector.load %arg12[%get3A_229, %get3A_230] : memref<1x256xf32, #tpu.memory_space<vmem>>, vector<1x256xf32>
    %get3A_232 = arith.constant 0 : index
    %get3A_233 = arith.constant 0 : index
    %get3A_234 = vector.load %arg10[%get3A_232, %get3A_233] : memref<1x256xf32, #tpu.memory_space<vmem>>, vector<1x256xf32>
    %dot_general3A_235 = arith.constant dense<0.000000e+00> : vector<1x256xf32>
    %dot_general3A_236 = tpu.matmul %get3A_234, %slice3A, %dot_general3A_235 {dimension_numbers = #tpu.dot_dimension_numbers<[1], [1], [0], [0], [0, 0, 1, 0], [], []>, transpose_lhs_hint = false} : vector<1x256xf32>, vector<256x256xf32>, vector<1x256xf32> -> vector<1x256xf32>
    %add3A_237 = arith.addf %get3A_231, %dot_general3A_236 : vector<1x256xf32>
    %swap3A_238 = arith.constant 0 : index
    %swap3A_239 = arith.constant 0 : index
    %swap3A_240 = vector.load %arg18[%swap3A_238, %swap3A_239] : memref<1x256xf32, #tpu.memory_space<vmem>>, vector<1x256xf32>
    tpu.vector_store %arg18[%swap3A_238, %swap3A_239], %add3A_237 {strides = array<i32>} : memref<1x256xf32, #tpu.memory_space<vmem>>, vector<1x256xf32>,
    %get3A_241 = arith.constant 0 : index
    %get3A_242 = arith.constant 0 : index
    %get3A_243 = vector.load %arg11[%get3A_241, %get3A_242] : memref<256x257xf32, #tpu.memory_space<vmem>>, vector<256x257xf32>
    %slice3A_244 = vector.extract_strided_slice %get3A_243 {offsets = [0, 256], sizes = [256, 1], strides = [1, 1]} : vector<256x257xf32> to vector<256x1xf32>
    %reshape3A = vector.shape_cast %slice3A_244 : vector<256x1xf32> to vector<1x256xf32>
    %swap3A_245 = arith.constant 0 : index
    %swap3A_246 = arith.constant 0 : index
    %swap3A_247 = vector.load %arg19[%swap3A_245, %swap3A_246] : memref<1x256xf32, #tpu.memory_space<vmem>>, vector<1x256xf32>
    tpu.vector_store %arg19[%swap3A_245, %swap3A_246], %reshape3A {strides = array<i32>} : memref<1x256xf32, #tpu.memory_space<vmem>>, vector<1x256xf32>,
    return
  }
}

module attributes {stable_mosaic.version = 14 : i64} {
  func.func @_edge_body(%arg0: i32, %arg1: memref<1024x272xf32, #tpu.memory_space<vmem>>, %arg2: memref<1024x16xf32, #tpu.memory_space<vmem>>, %arg3: memref<16x256xf32, #tpu.memory_space<vmem>>, %arg4: memref<1x256xf32, #tpu.memory_space<vmem>>, %arg5: memref<1x256xf32, #tpu.memory_space<vmem>>, %arg6: memref<5x256xf32, #tpu.memory_space<vmem>>, %arg7: memref<1x5xf32, #tpu.memory_space<vmem>>, %arg8: memref<1024x5xf32, #tpu.memory_space<vmem>>) attributes {dimension_semantics = [#tpu.dimension_semantics<arbitrary>], iteration_bounds = array<i64: 64>, scalar_prefetch = 0 : i64, scratch_operands = 0 : i64, tpu.core_type = #tpu.core_type<tc>, window_params = [{transform_indices = @transform_0, window_bounds = array<i64: 1024, 272>}, {transform_indices = @transform_1, window_bounds = array<i64: 1024, 16>}, {pipeline_mode = #tpu.pipeline_mode<synchronous>, transform_indices = @transform_2, window_bounds = array<i64: 16, 256>}, {pipeline_mode = #tpu.pipeline_mode<synchronous>, transform_indices = @transform_3, window_bounds = array<i64: 1, 256>}, {pipeline_mode = #tpu.pipeline_mode<synchronous>, transform_indices = @transform_4, window_bounds = array<i64: 1, 256>}, {pipeline_mode = #tpu.pipeline_mode<synchronous>, transform_indices = @transform_5, window_bounds = array<i64: 5, 256>}, {pipeline_mode = #tpu.pipeline_mode<synchronous>, transform_indices = @transform_6, window_bounds = array<i64: 1, 5>}, {transform_indices = @transform_7, window_bounds = array<i64: 1024, 5>}]} {
    %get3A = arith.constant 0 : index
    %get3A_0 = arith.constant 0 : index
    %get3A_1 = vector.load %arg1[%get3A, %get3A_0] : memref<1024x272xf32, #tpu.memory_space<vmem>>, vector<1024x272xf32>
    %slice3A = vector.extract_strided_slice %get3A_1 {offsets = [0, 0], sizes = [1024, 256], strides = [1, 1]} : vector<1024x272xf32> to vector<1024x256xf32>
    %slice3A_2 = vector.extract_strided_slice %get3A_1 {offsets = [0, 256], sizes = [1024, 1], strides = [1, 1]} : vector<1024x272xf32> to vector<1024x1xf32>
    %slice3A_3 = vector.extract_strided_slice %get3A_1 {offsets = [0, 257], sizes = [1024, 3], strides = [1, 1]} : vector<1024x272xf32> to vector<1024x3xf32>
    %mul3A = arith.constant 2.000000e+00 : f32
    %mul3A_4 = vector.broadcast %mul3A : f32 to vector<1024x1xf32>
    %mul3A_5 = arith.mulf %mul3A_4, %slice3A_2 : vector<1024x1xf32>
    %mul3A_6 = arith.mulf %slice3A_3, %slice3A_3 : vector<1024x3xf32>
    %reduce_sum3A = arith.constant dense<0.000000e+00> : vector<1024xf32>
    %reduce_sum3A_7 = vector.multi_reduction <add>, %mul3A_6, %reduce_sum3A [1] : vector<1024x3xf32> to vector<1024xf32>
    %broadcast_in_dim3A = vector.shape_cast %reduce_sum3A_7 : vector<1024xf32> to vector<1024x1xf32>
    %sub3A = arith.subf %mul3A_5, %broadcast_in_dim3A : vector<1024x1xf32>
    %get3A_8 = arith.constant 0 : index
    %get3A_9 = arith.constant 0 : index
    %get3A_10 = vector.load %arg2[%get3A_8, %get3A_9] : memref<1024x16xf32, #tpu.memory_space<vmem>>, vector<1024x16xf32>
    %get3A_11 = arith.constant 0 : index
    %get3A_12 = arith.constant 0 : index
    %get3A_13 = vector.load %arg3[%get3A_11, %get3A_12] : memref<16x256xf32, #tpu.memory_space<vmem>>, vector<16x256xf32>
    %dot_general3A = arith.constant dense<0.000000e+00> : vector<1024x256xf32>
    %dot_general3A_14 = tpu.matmul %get3A_10, %get3A_13, %dot_general3A {dimension_numbers = #tpu.dot_dimension_numbers<[1], [0], [0], [1], [0, 0, 1, 1], [], []>, transpose_lhs_hint = false} : vector<1024x16xf32>, vector<16x256xf32>, vector<1024x256xf32> -> vector<1024x256xf32>
    %add3A = arith.addf %slice3A, %dot_general3A_14 : vector<1024x256xf32>
    %get3A_15 = arith.constant 0 : index
    %get3A_16 = arith.constant 0 : index
    %get3A_17 = vector.load %arg5[%get3A_15, %get3A_16] : memref<1x256xf32, #tpu.memory_space<vmem>>, vector<1x256xf32>
    %mul3A_18 = vector.broadcast %sub3A : vector<1024x1xf32> to vector<1024x256xf32>
    %mul3A_19 = vector.broadcast %get3A_17 : vector<1x256xf32> to vector<1024x256xf32>
    %mul3A_20 = arith.mulf %mul3A_18, %mul3A_19 : vector<1024x256xf32>
    %add3A_21 = arith.addf %add3A, %mul3A_20 : vector<1024x256xf32>
    %get3A_22 = arith.constant 0 : index
    %get3A_23 = arith.constant 0 : index
    %get3A_24 = vector.load %arg4[%get3A_22, %get3A_23] : memref<1x256xf32, #tpu.memory_space<vmem>>, vector<1x256xf32>
    %add3A_25 = vector.broadcast %get3A_24 : vector<1x256xf32> to vector<1024x256xf32>
    %add3A_26 = arith.addf %add3A_21, %add3A_25 : vector<1024x256xf32>
    %neg3A = arith.constant 0.000000e+00 : f32
    %neg3A_27 = vector.broadcast %neg3A : f32 to vector<1024x256xf32>
    %neg3A_28 = arith.subf %neg3A_27, %add3A_26 : vector<1024x256xf32>
    %exp3A = math.exp %neg3A_28 : vector<1024x256xf32>
    %add3A_29 = arith.constant 1.000000e+00 : f32
    %add3A_30 = vector.broadcast %add3A_29 : f32 to vector<1024x256xf32>
    %add3A_31 = arith.addf %add3A_30, %exp3A : vector<1024x256xf32>
    %div3A = arith.constant 1.000000e+00 : f32
    %div3A_32 = vector.broadcast %div3A : f32 to vector<1024x256xf32>
    %div3A_33 = arith.divf %div3A_32, %add3A_31 : vector<1024x256xf32>
    %mul3A_34 = arith.mulf %add3A_26, %div3A_33 : vector<1024x256xf32>
    %get3A_35 = arith.constant 0 : index
    %get3A_36 = arith.constant 0 : index
    %get3A_37 = vector.load %arg6[%get3A_35, %get3A_36] : memref<5x256xf32, #tpu.memory_space<vmem>>, vector<5x256xf32>
    %dot_general3A_38 = arith.constant dense<0.000000e+00> : vector<1024x5xf32>
    %dot_general3A_39 = tpu.matmul %mul3A_34, %get3A_37, %dot_general3A_38 {dimension_numbers = #tpu.dot_dimension_numbers<[1], [1], [0], [0], [0, 0, 1, 0], [], []>, transpose_lhs_hint = false} : vector<1024x256xf32>, vector<5x256xf32>, vector<1024x5xf32> -> vector<1024x5xf32>
    %get3A_40 = arith.constant 0 : index
    %get3A_41 = arith.constant 0 : index
    %get3A_42 = vector.load %arg7[%get3A_40, %get3A_41] : memref<1x5xf32, #tpu.memory_space<vmem>>, vector<1x5xf32>
    %add3A_43 = vector.broadcast %get3A_42 : vector<1x5xf32> to vector<1024x5xf32>
    %add3A_44 = arith.addf %dot_general3A_39, %add3A_43 : vector<1024x5xf32>
    %swap3A = arith.constant 0 : index
    %swap3A_45 = arith.constant 0 : index
    %swap3A_46 = vector.load %arg8[%swap3A, %swap3A_45] : memref<1024x5xf32, #tpu.memory_space<vmem>>, vector<1024x5xf32>
    tpu.vector_store %arg8[%swap3A, %swap3A_45], %add3A_44 {strides = array<i32>} : memref<1024x5xf32, #tpu.memory_space<vmem>>, vector<1024x5xf32>,
    return
  }
  func.func @transform_0(%arg0: i32) -> (i32, i32) {
    %c0_i32 = arith.constant 0 : i32
    %c0_i32_0 = arith.constant 0 : i32
    return %arg0, %c0_i32 : i32, i32
  }
  func.func @transform_1(%arg0: i32) -> (i32, i32) {
    %c0_i32 = arith.constant 0 : i32
    %c0_i32_0 = arith.constant 0 : i32
    return %arg0, %c0_i32 : i32, i32
  }
  func.func @transform_2(%arg0: i32) -> (i32, i32) {
    %c0_i32 = arith.constant 0 : i32
    %c0_i32_0 = arith.constant 0 : i32
    %c0_i32_1 = arith.constant 0 : i32
    return %c0_i32, %c0_i32_0 : i32, i32
  }
  func.func @transform_3(%arg0: i32) -> (i32, i32) {
    %c0_i32 = arith.constant 0 : i32
    %c0_i32_0 = arith.constant 0 : i32
    %c0_i32_1 = arith.constant 0 : i32
    return %c0_i32, %c0_i32_0 : i32, i32
  }
  func.func @transform_4(%arg0: i32) -> (i32, i32) {
    %c0_i32 = arith.constant 0 : i32
    %c0_i32_0 = arith.constant 0 : i32
    %c0_i32_1 = arith.constant 0 : i32
    return %c0_i32, %c0_i32_0 : i32, i32
  }
  func.func @transform_5(%arg0: i32) -> (i32, i32) {
    %c0_i32 = arith.constant 0 : i32
    %c0_i32_0 = arith.constant 0 : i32
    %c0_i32_1 = arith.constant 0 : i32
    return %c0_i32, %c0_i32_0 : i32, i32
  }
  func.func @transform_6(%arg0: i32) -> (i32, i32) {
    %c0_i32 = arith.constant 0 : i32
    %c0_i32_0 = arith.constant 0 : i32
    %c0_i32_1 = arith.constant 0 : i32
    return %c0_i32, %c0_i32_0 : i32, i32
  }
  func.func @transform_7(%arg0: i32) -> (i32, i32) {
    %c0_i32 = arith.constant 0 : i32
    %c0_i32_0 = arith.constant 0 : i32
    return %arg0, %c0_i32 : i32, i32
  }
}

</mosaic_0001>

<sc_bundles>
// kernel: kernel.6.cloned.1.call-start
scs
__scs_entry_jumppad:
0x0: {  	(pc) =	sbr.rel $0x88, $3  }
0x1: {  	(tag) =	ssettag $0x0;
	lr =	simm.s32 $0x1  }
0x2: {  	[smem:$0x3F92] =	sst lr;
	_ =	strace $0xD0000000  }
0x3: {  	_ = 	snop  }
0x4: {  	_ = 	snop  }
0x5: {  	_ = 	snop  }
0x6: {  	_ = 	snop  }
0x7: {  	_ = 	snop  }
__scs_overlays_trampoline_lowered:
0x8: {  	[smem:$0x3FA1] =	sst s0  }
0x9: {  	[smem:$0x3FA2] =	sst s1  }
0xa: {  	[smem:$0x3FA3] =	sst s2  }
0xb: {  	[smem:$0x3FA4] =	sst s3  }
0xc: {  	[smem:$0x3FA5] =	sst s4  }
0xd: {  	[smem:$0x3FA6] =	sst s5  }
0xe: {  	[smem:$0x3FA7] =	sst s6  }
0xf: {  	[smem:$0x3FA8] =	sst s7  }
0x10: {  	[smem:$0x3FA9] =	sst s8  }
0x11: {  	[smem:$0x3FAA] =	sst s9;
	s0 =	simm.s32 @!p0 $0x0  }
0x12: {  	s1 =	sld [smem:$0x3F90];
	s0 =	simm.s32 @p0 $0x1  }
0x13: {  	[smem:$0x3FAB] =	sst s0;
	s0 =	simm.s32 @!p1 $0x0  }
0x14: {  	s2 =	sld [smem:$0x3F8F];
	s0 =	simm.s32 @p1 $0x1  }
0x15: {  	[smem:$0x3FAC] =	sst s0;
	s0 =	simm.s32 @!p2 $0x0  }
0x16: {  	s3 =	sld [smem:$0x3FDB];
	s0 =	simm.s32 @p2 $0x1  }
0x17: {  	s4 =	simm.s32 $0x1BF5;
	[smem:$0x3FAE] =	sst s0  }
0x18: {  	s0 =	sld [smem:$0x3F91];
	_ =	swait.ge [sflag:s4], $0x0  }
0x19: {  	s7 =	sld [smem:$0x3F92]  }
0x1a: {  	s8 =	sadd.s32 $0xFFFFE003, lr  }
0x1b: {  	s9 =	sadd.s32 $0xFFFFFEF7, lr;
	s5 =	simm.s32 $0xFFFFFFFF;
	p2 =	slt.u32 s8, $0xFFFFF086  }
0x1c: {  	p1 =	slt.u32 s9, $0xF7A;
	s5 =	simm.s32 @!p2 $0x0  }
0x1d: {  	s5 =	simm.s32 @p1 $0x1;
	p0 =	seq.s32 s7, s2  }
0x1e: {  	s7 =	smul.u32 @!p0 $0xF7A, s2;
	p2 =	seq.s32 @!p0 s5, $0x0  }
0x1f: {  	s9 =	smul.u32 $0xF7A, s1;
	s8 =	simm.s32 @!p0 $0x1BF5;
	p2 =	por !p2, p0  }
0x20: {  	[sflag:s8] =	ssyncset.s32 @!p0 $0xFFFFF086;
	s6 =	sadd.s32 @!p0 s3, s7;
	s7 =	simm.s32 @!p0 $0x108  }
0x21: {  	s3 =	sadd.s32 s3, s9;
	s6 =	sadd.s32 @!p0 $0x88, s6;
	s7 =	simm.s32 @p2 $0x1082  }
0x22: {  	[simem:s7], [sflag:s8] =	dma.local @!p0 [hbm:s6], $0xF7A  }
0x23: {  	s9 =	sor.u32 $0xD0000000, s2;
	s6 =	simm.s32 $0x108;
	_ =	swait.ge @!p0 [sflag:s8], $0x0  }
0x24: {  	s3 =	sadd.s32 $0x88, s3;
	s6 =	simm.s32 @!p1 $0x1082;
	[sflag:s4] =	ssyncset.s32 $0xFFFFF086  }
0x25: {  	[simem:s6], [sflag:s4] =	dma.local [hbm:s3], $0xF7A  }
0x26: {  	[smem:$0x3F92] =	sst s1;
	(tag) =	ssettag s2;
	_ =	strace s9  }
0x27: {  	s1 =	sld [smem:$0x3FA2]  }
0x28: {  	s2 =	sld [smem:$0x3FA3]  }
0x29: {  	s4 =	sld [smem:$0x3FA5]  }
0x2a: {  	p0 =	seq.s32 s5, $0x0;
	s5 =	sld [smem:$0x3FA6]  }
0x2b: {  	s6 =	sld [smem:$0x3FA7]  }
0x2c: {  	s7 =	sld [smem:$0x3FA8]  }
0x2d: {  	s3 =	simm.s32 $0x108;
	s8 =	sld [smem:$0x3FA9]  }
0x2e: {  	s3 =	simm.s32 @!p0 $0x1082;
	s9 =	sld [smem:$0x3FAA]  }
0x2f: {  	lr =	sadd.s32 s0, s3;
	s0 =	sld [smem:$0x3FA1]  }
0x30: {  	s3 =	sld [smem:$0x3FA4]  }
0x31: {  	[smem:$0x3FAD] =	sst s10  }
0x32: {  	s10 =	sld [smem:$0x3FAB];
	_ =	sdelay $0x3  }
0x33: {  	p0 =	seq.s32 s10, $0x1;
	s10 =	sld [smem:$0x3FAD];
	_ =	sdelay $0x3  }
0x34: {  	[smem:$0x3FAD] =	sst s10  }
0x35: {  	s10 =	sld [smem:$0x3FAC];
	_ =	sdelay $0x3  }
0x36: {  	p1 =	seq.s32 s10, $0x1;
	s10 =	sld [smem:$0x3FAD];
	_ =	sdelay $0x3  }
0x37: {  	[smem:$0x3FAD] =	sst s10  }
0x38: {  	s10 =	sld [smem:$0x3FAE]  }
0x39: {  	_ = 	snop;
	(pc) =	sbr.ind lr, $3  }
0x3a: {  	_ = 	snop  }
0x3b: {  	_ = 	snop  }
0x3c: {  	p2 =	seq.s32 s10, $0x1;
	s10 =	sld [smem:$0x3FAD]  }
0x3d: {  	_ =	shalt  }
0x3e: {  	_ =	shalt  }
0x3f: {  	_ =	shalt  }
0x40: {  	_ =	shalt  }
0x41: {  	_ =	shalt  }
0x42: {  	_ =	shalt  }
0x43: {  	_ =	shalt  }
0x44: {  	_ =	shalt  }
0x45: {  	_ =	shalt  }
0x46: {  	_ =	shalt  }
0x47: {  	_ =	shalt  }
0x48: {  	_ =	shalt  }
0x49: {  	_ =	shalt  }
0x4a: {  	_ =	shalt  }
0x4b: {  	_ =	shalt  }
0x4c: {  	_ =	shalt  }
0x4d: {  	_ =	shalt  }
0x4e: {  	_ =	shalt  }
0x4f: {  	_ =	shalt  }
0x50: {  	_ =	shalt  }
0x51: {  	_ =	shalt  }
0x52: {  	_ =	shalt  }
0x53: {  	_ =	shalt  }
0x54: {  	_ =	shalt  }
0x55: {  	_ =	shalt  }
0x56: {  	_ =	shalt  }
0x57: {  	_ =	shalt  }
0x58: {  	_ =	shalt  }
0x59: {  	_ =	shalt  }
0x5a: {  	_ =	shalt  }
0x5b: {  	_ =	shalt  }
0x5c: {  	_ =	shalt  }
0x5d: {  	_ =	shalt  }
0x5e: {  	_ =	shalt  }
0x5f: {  	_ =	shalt  }
0x60: {  	_ =	shalt  }
0x61: {  	_ =	shalt  }
0x62: {  	_ =	shalt  }
0x63: {  	_ =	shalt  }
0x64: {  	_ =	shalt  }
0x65: {  	_ =	shalt  }
0x66: {  	_ =	shalt  }
0x67: {  	_ =	shalt  }
0x68: {  	_ =	shalt  }
0x69: {  	_ =	shalt  }
0x6a: {  	_ =	shalt  }
0x6b: {  	_ =	shalt  }
0x6c: {  	_ =	shalt  }
0x6d: {  	_ =	shalt  }
0x6e: {  	_ =	shalt  }
0x6f: {  	_ =	shalt  }
0x70: {  	_ =	shalt  }
0x71: {  	_ =	shalt  }
0x72: {  	_ =	shalt  }
0x73: {  	_ =	shalt  }
0x74: {  	_ =	shalt  }
0x75: {  	_ =	shalt  }
0x76: {  	_ =	shalt  }
0x77: {  	_ =	shalt  }
0x78: {  	_ =	shalt  }
0x79: {  	_ =	shalt  }
0x7a: {  	_ =	shalt  }
0x7b: {  	_ =	shalt  }
0x7c: {  	_ =	shalt  }
0x7d: {  	_ =	shalt  }
0x7e: {  	_ =	shalt  }
0x7f: {  	_ =	shalt  }
0x80: {  	_ =	shalt  }
0x81: {  	_ =	shalt  }
0x82: {  	_ =	shalt  }
0x83: {  	_ =	shalt  }
0x84: {  	_ =	shalt  }
0x85: {  	_ =	shalt  }
0x86: {  	_ =	shalt  }
0x87: {  	_ =	shalt  }
.Lfunc_end0:
.L_simem_size_0:
called_computation_lowered:
.L_overlay_start_0:
0x88: {  	s2 =	sld [smem:$0x3FD9]  }
0x89: {  	s3 =	sld [smem:$0x3FFE];
	_ =	sdelay $0x1  }
0x8a: {  	s1 =	srdreg.scid  }
0x8b: {  	s0 =	sand.u32 $0x1, s1  }
0x8c: {  	s16 =	sshll.u32 s0, $0xA;
	s2 =	sadd.s32 s3, s2  }
0x8d: {  	s2 =	sadd.s32 s2, s16  }
0x8e: {  	[smem:$0x3FB9] =	sst s2  }
0x8f: {  	_ = 	snop  }
0x90: {  	(tm) =	ssettm $0x1  }
0x91: {  	s17 =	sld [smem:$0x3FFB];
	_ =	sdelay $0x3  }
0x92: {  	_ =	strace s17  }
0x93: {  	s2 =	sld [smem:$0x3FFC];
	_ =	sdelay $0x3  }
0x94: {  	_ =	strace s2  }
0x95: {  	s2 =	sld [smem:$0x3FFD];
	_ =	sdelay $0x3  }
0x96: {  	_ =	strace s2  }
0x97: {  	_ =	strace $0x8FFFFFFF  }
0x98: {  	s18 =	sld [smem:$0x3FDB];
	_ =	sdelay $0x1  }
0x99: {  	s19 =	simm.s32 $_scs_section_size  }
0x9a: {  	s4 =	simm.s32 $_size__tile_overlayer_lowered;
	s5 =	simm.s32 $_tile_overlayer_lowered  }
0x9b: {  	s22 =	simm.s32 $0x1BFF;
	s21 =	sshll.u32 s5, $0x1;
	s2 =	sadd.s32 s19, s18  }
0x9c: {  	s6 =	simm.s32 $0x0;
	s20 =	sshll.u32 s4, $0x1;
	s4 =	sadd.s32 s21, s2  }
0x9d: {  	[timem:s6], [sflag:s22] =	dma.local [hbm:s4], s20  }
0x9e: {  	_ =	swait.ge [sflag:s22], s20  }
0x9f: {  	s3 =	ssub.s32 $0x0, s20;
	[sflag:s22] =	ssyncset.done $0x0  }
0xa0: {  	[sflag:s22] =	ssyncadd.s32 s3;
	_ =	sdelay $0x1  }
0xa1: {  	s23 =	simm.s32 $0x1B8B  }
0xa2: {  	_ =	swait.ge [sflag:s23], $0x1  }
0xa3: {  	[sflag:s23] =	ssyncset.done $0x0  }
0xa4: {  	s25 =	simm.s32 $0x1B8E;
	s24 =	sld [smem:$0x3FFE];
	[sflag:s23] =	ssyncadd.s32 $0xFFFFFFFF  }
0xa5: {  	s26 =	simm.s32 $execute0_lowered;
	[smem:$0x3FD2] =	sst s25  }
0xa6: {  	s4 =	sshll.u32 s26, $0x1;
	_ =	strace $0x80000046;
	[dreg:$0x1] =	wrdreg $0xFFFFFFFF  }
0xa7: {  	s28 =	simm.s32 $_size_execute0_lowered;
	s2 =	sadd.s32 s2, s4;
	[dreg:$0x0] =	wrdreg $0x0  }
0xa8: {  	s4 =	sshll.u32 s28, $0x1;
	[dreg:$0x2] =	wrdreg s2  }
0xa9: {  	[dreg:$0x3] =	wrdreg s4  }
0xaa: {  	[dreg:$0x4] =	wrdreg $0xC0  }
0xab: {  	_ =	task [dreg:s6], $0x5FFFF  }
0xac: {  	[dreg:$0x1] =	wrdreg $0xFFFFFFFF  }
0xad: {  	[dreg:$0x0] =	wrdreg $0x60  }
0xae: {  	[dreg:$0x2] =	wrdreg s24  }
0xaf: {  	[dreg:$0x3] =	wrdreg $0x9  }
0xb0: {  	_ =	task.clear_ibuf [dreg:s6], $0x4FFFF;
	_ =	strace $0x90000046  }
0xb1: {  	s29 =	simm.s32 $0x9;
	_ =	strace $0x80000048  }
0xb2: {  	_ =	swait.ge [sflag:s29], $0x1  }
0xb3: {  	[sflag:s29] =	ssyncadd.s32 $0xFFFFFFFF  }
0xb4: {  	_ =	strace $0x90000048  }
0xb5: {  	_ =	sfence  }
0xb6: {  	s30 =	sld [smem:$0x0];
	_ =	sdelay $0x2  }
0xb7: {  	s31 =	sshll.u32 s1, $0xD;
	s1 =	sshrl.u32 s1, $0x2  }
0xb8: {  	s3 =	sand.u32 $0x4000, s31;
	s1 =	sadd.s32 s1, s30  }
0xb9: {  	s0 =	sor.u32 s3, s0;
	s1 =	sshll.u32 s1, $0x11  }
0xba: {  	s0 =	sor.u32 s1, s0  }
0xbb: {  	s0 =	sadd.s32 $0x8F2B, s0  }
0xbc: {  	[sflag:s0] =	ssyncadd.remote.s32 $0x1  }
0xbd: {  	_ =	sfence.sel $0xFFFF  }
0xbe: {  	[dreg:$0x0] =	wrdreg $0xFFFFFFFF;
	(pc) =	sbr.abs _section_cstart, $3  }
0xbf: {  	[dreg:$0x1] =	wrdreg $0xFFFFFFFF  }
0xc0: {  	_ =	task.clear_ibuf [dreg:s6], $0x2FFFF;
	_ =	strace $0x9FFFFFFF  }
0xc1: {  	(tm) =	ssettm $0x7FFFFFFF  }
tec
execute0_lowered:
.L_overlay_start_1:
0x0: {  	(tag) =	ssettag $0x1  }
0x1: {  	s4 =	rddreg [dreg:$0x0]  }
0x2: {  	s0 =	rddreg [dreg:$0x1];
	s2 =	simm.s32 $0x0;
	s3 =	srdreg.scid  }
0x3: {  	s1 =	stileid.u32;
	s10 =	simm.s32 $0x10800;
	s12 =	simm.s32 $0x3  }
0x4: {  	s13 =	simm.s32 $0x0;
	[smem:$0x7FF] =	sst s2;
	s5 =	sand.u32 $0x1, s3  }
0x5: {  	s7 =	sshll.u32 s1, $0x1;
	s3 =	sadd.s32 $0x4400, s4;
	s30 =	sadd.s32 $0x6400, s4  }
0x6: {  	s4 =	sadd.s32 $0x4600, s4;
	s6 =	ssub.s32 $0x2, s5;
	s9 =	sor.u32 s5, s7  }
0x7: {  	_ =	strace $0x80000047;
	s8 =	sshrl.u32 s6, $0x1;
	s11 =	sor.u32 $0x20, s9  }
0x8: {  	s5 =	sshll.u32 s9, $0xD;
	v0 =	vmov s9;
	s9 =	simm.s32 $0x1;
	s8 =	ssub.s32 s6, s8  }
0x9: {  	s31 =	sshll.u32 s11, $0xD;
	s5 =	sadd.s32 s30, s5;
	v1 =	vmov s11;
	s11 =	simm.s32 $0x2  }
0xa: {  	v2 =	vimm.s32 $0x0;
	v3 =	vlaneseq.u32;
	s6 =	sadd.s32 s30, s31;
	s7 =	smax.u32 s8, $0x1;
	s8 =	simm.s32 $0x10000  }
.LBB2_1:
0xb: {  	s15 =	simm.s32 $0x100;
	s14 =	simm.s32 $0x0  }
.LBB2_2:
0xc: {  	p0 =	sne.s32 s15, $0x3FF00;
	[tilespmem:s14+$0x30] =	vst v2;
	s16 =	smov.u32 s15;
	s15 =	sadd.s32 $0x100, s15  }
.Ltmp0:
0xd: {  	[tilespmem:s14+$0x20] =	vst v2;
	(pc) =	sbr.rel @p0 .LBB2_2-.Ltmp0, $3  }
0xe: {  	[tilespmem:s14+$0x0] =	vst v2  }
0xf: {  	[tilespmem:s14+$0x10] =	vst v2;
	_ =	sdelay $0x1  }
0x10: {  	s14 =	sshra.s32 s16, $0x2  }
0x11: {  	[tilespmem:s14+$0x30] =	vst v2  }
0x12: {  	[tilespmem:s14+$0x20] =	vst v2  }
0x13: {  	[tilespmem:s14+$0x0] =	vst v2  }
0x14: {  	[tilespmem:s14+$0x10] =	vst v2;
	s14 =	simm.s32 $0x0  }
0x15: {  	s15 =	simm.s32 $0x31;
	s16 =	simm.s32 $0x801;
	s17 =	simm.s32 $0x0  }
0x16: {  	[tilespmem:s8], [sflag:$0x1] =	stream.linear.gather [hbm4b:s3+s14], $0x800, $0x38;
	[tilespmem:$0x11000] =	vst v63  }
.LBB2_4:
0x17: {  	_ =	swait.ge [sflag:s9], $0x800;
	s18 =	sshll.u32 s17, $0x9  }
0x18: {  	[sflag:s9] =	ssyncset.done $0x0;
	s18 =	sadd.s32 s18, s3  }
0x19: {  	[sflag:s9] =	ssyncadd.s32 $0xFFFFF800;
	s18 =	sadd.s32 $0x100, s18  }
0x1a: {  	[tilespmem:s10], [sflag:$0x2] =	stream.linear.gather [hbm4b:s18+s14], $0x800, $0x38;
	[tilespmem:$0x11000] =	vst v63  }
0x1b: {  	s19 =	simm.s32 $0x0;
	s18 =	smov.u32 s15  }
.LBB2_5:
0x1c: {  	s20 =	sshra.s32 s19, $0x2  }
0x1d: {  	v4 =	vld [tilespmem:s20+$0x10000];
	_ =	sdelay $0x4  }
0x1e: {  	v5 =	vshrl.u32 v4, $0x10  }
0x1f: {  	vm0 =	veq.s32 v5, v0  }
0x20: {  	v4 =	vand.u32 $0xFFFF, v4;
	_ =	sdelay $0x2  }
0x21: {  	s21 =	sadd.s32 $0xFFFFFFD0, s18  }
0x22: {  	v5 =	vadd.s32 s21, v3  }
0x23: {  	[tilespmem:v4+s2+$0x0] =	vst.idx.msk vm0, v5  }
0x24: {  	v4 =	vld [tilespmem:s20+$0x10010];
	_ =	sdelay $0x4  }
0x25: {  	v5 =	vshrl.u32 v4, $0x10  }
0x26: {  	vm13 =	veq.s32 v5, v0  }
0x27: {  	v4 =	vand.u32 $0xFFFF, v4;
	_ =	sdelay $0x2  }
0x28: {  	s30 =	sadd.s32 $0xFFFFFFE0, s18  }
0x29: {  	v5 =	vadd.s32 s30, v3  }
0x2a: {  	[tilespmem:v4+s2+$0x0] =	vst.idx.msk vm13, v5  }
0x2b: {  	v4 =	vld [tilespmem:s20+$0x10020];
	_ =	sdelay $0x4  }
0x2c: {  	v5 =	vshrl.u32 v4, $0x10  }
0x2d: {  	vm14 =	veq.s32 v5, v0  }
0x2e: {  	v4 =	vand.u32 $0xFFFF, v4;
	_ =	sdelay $0x2  }
0x2f: {  	s31 =	sadd.s32 $0xFFFFFFF0, s18  }
0x30: {  	v5 =	vadd.s32 s31, v3  }
0x31: {  	[tilespmem:v4+s2+$0x0] =	vst.idx.msk vm14, v5  }
0x32: {  	v4 =	vld [tilespmem:s20+$0x10030];
	_ =	sdelay $0x4  }
0x33: {  	v5 =	vshrl.u32 v4, $0x10  }
0x34: {  	vm15 =	veq.s32 v5, v0  }
0x35: {  	p0 =	sne.s32 s19, $0x1F00;
	v4 =	vand.u32 $0xFFFF, v4  }
.Ltmp1:
0x36: {  	_ = 	snop;
	(pc) =	sbr.rel @p0 .LBB2_5-.Ltmp1, $3  }
0x37: {  	_ =	sdelay $0x1  }
0x38: {  	v5 =	vadd.s32 s18, v3  }
0x39: {  	s19 =	sadd.s32 $0x100, s19;
	s18 =	sadd.s32 $0x40, s18;
	[tilespmem:v4+s2+$0x0] =	vst.idx.msk vm15, v5  }
0x3a: {  	_ =	swait.ge [sflag:s11], $0x800;
	p0 =	seq.s32 s17, $0xF  }
0x3b: {  	[sflag:s11] =	ssyncset.done $0x0;
	s18 =	sshll.u32 @!p0 s17, $0x9;
	s19 =	simm.s32 @!p0 $0x0  }
0x3c: {  	s20 =	simm.s32 @!p0 $0x10000;
	[sflag:s11] =	ssyncadd.s32 $0xFFFFF800;
	s18 =	sadd.s32 @!p0 s18, s4  }
0x3d: {  	[tilespmem:s20], [sflag:$0x1] =	stream.linear.gather @!p0 [hbm4b:s18+s19], $0x800, $0x38;
	[tilespmem:$0x11000] =	vst v63  }
0x3e: {  	s18 =	simm.s32 $0x0;
	s19 =	smov.u32 s16  }
.LBB2_7:
0x3f: {  	s20 =	sshra.s32 s18, $0x2  }
0x40: {  	v4 =	vld [tilespmem:s20+$0x10800];
	_ =	sdelay $0x4  }
0x41: {  	v5 =	vshrl.u32 v4, $0x10  }
0x42: {  	vm0 =	veq.s32 v5, v0  }
0x43: {  	v4 =	vand.u32 $0xFFFF, v4;
	_ =	sdelay $0x3  }
0x44: {  	v5 =	vadd.s32 s19, v3  }
0x45: {  	[tilespmem:v4+s2+$0x0] =	vst.idx.msk vm0, v5  }
0x46: {  	v4 =	vld [tilespmem:s20+$0x10810];
	_ =	sdelay $0x4  }
0x47: {  	v5 =	vshrl.u32 v4, $0x10  }
0x48: {  	vm13 =	veq.s32 v5, v0  }
0x49: {  	v4 =	vand.u32 $0xFFFF, v4;
	_ =	sdelay $0x2  }
0x4a: {  	s21 =	sadd.s32 $0x10, s19  }
0x4b: {  	v5 =	vadd.s32 s21, v3  }
0x4c: {  	[tilespmem:v4+s2+$0x0] =	vst.idx.msk vm13, v5  }
0x4d: {  	v4 =	vld [tilespmem:s20+$0x10820];
	_ =	sdelay $0x4  }
0x4e: {  	v5 =	vshrl.u32 v4, $0x10  }
0x4f: {  	vm14 =	veq.s32 v5, v0  }
0x50: {  	v4 =	vand.u32 $0xFFFF, v4;
	_ =	sdelay $0x2  }
0x51: {  	s30 =	sadd.s32 $0x20, s19  }
0x52: {  	v5 =	vadd.s32 s30, v3  }
0x53: {  	[tilespmem:v4+s2+$0x0] =	vst.idx.msk vm14, v5  }
0x54: {  	v4 =	vld [tilespmem:s20+$0x10830];
	_ =	sdelay $0x4  }
0x55: {  	v5 =	vshrl.u32 v4, $0x10  }
0x56: {  	vm15 =	veq.s32 v5, v0  }
0x57: {  	p0 =	sne.s32 s18, $0x1F00;
	v4 =	vand.u32 $0xFFFF, v4  }
.Ltmp2:
0x58: {  	_ = 	snop;
	(pc) =	sbr.rel @p0 .LBB2_7-.Ltmp2, $4  }
0x59: {  	_ = 	snop  }
0x5a: {  	s31 =	sadd.s32 $0x30, s19  }
0x5b: {  	v5 =	vadd.s32 s31, v3  }
0x5c: {  	s18 =	sadd.s32 $0x100, s18;
	s19 =	sadd.s32 $0x40, s19;
	[tilespmem:v4+s2+$0x0] =	vst.idx.msk vm15, v5  }
0x5d: {  	s17 =	sadd.s32 $0x1, s17  }
0x5e: {  	p0 =	sne.s32 s17, $0x10  }
.Ltmp3:
0x5f: {  	_ = 	snop;
	(pc) =	sbr.rel @p0 .LBB2_4-.Ltmp3, $2  }
0x60: {  	_ =	sdelay $0x2  }
0x61: {  	s15 =	sadd.s32 $0x1000, s15;
	s16 =	sadd.s32 $0x1000, s16  }
0x62: {  	s14 =	simm.s32 $0x0  }
0x63: {  	[hbm4b:s5+s14] =	stream.linear.scatter [tilespmem:s14], [sflag:$0x3], $0x10000, $0x38;
	[tilespmem:$0x11000] =	vst v63  }
0x64: {  	_ =	swait.ge [sflag:s12], $0x10000  }
0x65: {  	[sflag:s12] =	ssyncset.done $0x0  }
0x66: {  	s15 =	simm.s32 $0x100;
	s14 =	simm.s32 $0x0;
	[sflag:s12] =	ssyncadd.s32 $0xFFFF0000  }
.LBB2_10:
0x67: {  	p0 =	sne.s32 s15, $0x3FF00;
	[tilespmem:s14+$0x30] =	vst v2;
	s16 =	smov.u32 s15;
	s15 =	sadd.s32 $0x100, s15  }
.Ltmp4:
0x68: {  	[tilespmem:s14+$0x20] =	vst v2;
	(pc) =	sbr.rel @p0 .LBB2_10-.Ltmp4, $3  }
0x69: {  	[tilespmem:s14+$0x0] =	vst v2  }
0x6a: {  	[tilespmem:s14+$0x10] =	vst v2;
	_ =	sdelay $0x1  }
0x6b: {  	s14 =	sshra.s32 s16, $0x2  }
0x6c: {  	[tilespmem:s14+$0x30] =	vst v2  }
0x6d: {  	[tilespmem:s14+$0x20] =	vst v2  }
0x6e: {  	[tilespmem:s14+$0x0] =	vst v2  }
0x6f: {  	[tilespmem:s14+$0x10] =	vst v2;
	s14 =	simm.s32 $0x0  }
0x70: {  	s15 =	simm.s32 $0x31;
	s16 =	simm.s32 $0x801;
	s17 =	simm.s32 $0x0  }
0x71: {  	[tilespmem:s8], [sflag:$0x1] =	stream.linear.gather [hbm4b:s3+s14], $0x800, $0x38;
	[tilespmem:$0x11000] =	vst v63  }
.LBB2_12:
0x72: {  	_ =	swait.ge [sflag:s9], $0x800;
	s18 =	sshll.u32 s17, $0x9  }
0x73: {  	[sflag:s9] =	ssyncset.done $0x0;
	s18 =	sadd.s32 s18, s3  }
0x74: {  	[sflag:s9] =	ssyncadd.s32 $0xFFFFF800;
	s18 =	sadd.s32 $0x100, s18  }
0x75: {  	[tilespmem:s10], [sflag:$0x2] =	stream.linear.gather [hbm4b:s18+s14], $0x800, $0x38;
	[tilespmem:$0x11000] =	vst v63  }
0x76: {  	s19 =	simm.s32 $0x0;
	s18 =	smov.u32 s15  }
.LBB2_13:
0x77: {  	s20 =	sshra.s32 s19, $0x2  }
0x78: {  	v4 =	vld [tilespmem:s20+$0x10000];
	_ =	sdelay $0x4  }
0x79: {  	v5 =	vshrl.u32 v4, $0x10  }
0x7a: {  	vm0 =	veq.s32 v5, v1  }
0x7b: {  	v4 =	vand.u32 $0xFFFF, v4;
	_ =	sdelay $0x2  }
0x7c: {  	s21 =	sadd.s32 $0xFFFFFFD0, s18  }
0x7d: {  	v5 =	vadd.s32 s21, v3  }
0x7e: {  	[tilespmem:v4+s2+$0x0] =	vst.idx.msk vm0, v5  }
0x7f: {  	v4 =	vld [tilespmem:s20+$0x10010];
	_ =	sdelay $0x4  }
0x80: {  	v5 =	vshrl.u32 v4, $0x10  }
0x81: {  	vm13 =	veq.s32 v5, v1  }
0x82: {  	v4 =	vand.u32 $0xFFFF, v4;
	_ =	sdelay $0x2  }
0x83: {  	s30 =	sadd.s32 $0xFFFFFFE0, s18  }
0x84: {  	v5 =	vadd.s32 s30, v3  }
0x85: {  	[tilespmem:v4+s2+$0x0] =	vst.idx.msk vm13, v5  }
0x86: {  	v4 =	vld [tilespmem:s20+$0x10020];
	_ =	sdelay $0x4  }
0x87: {  	v5 =	vshrl.u32 v4, $0x10  }
0x88: {  	vm14 =	veq.s32 v5, v1  }
0x89: {  	v4 =	vand.u32 $0xFFFF, v4;
	_ =	sdelay $0x2  }
0x8a: {  	s31 =	sadd.s32 $0xFFFFFFF0, s18  }
0x8b: {  	v5 =	vadd.s32 s31, v3  }
0x8c: {  	[tilespmem:v4+s2+$0x0] =	vst.idx.msk vm14, v5  }
0x8d: {  	v4 =	vld [tilespmem:s20+$0x10030];
	_ =	sdelay $0x4  }
0x8e: {  	v5 =	vshrl.u32 v4, $0x10  }
0x8f: {  	vm15 =	veq.s32 v5, v1  }
0x90: {  	p0 =	sne.s32 s19, $0x1F00;
	v4 =	vand.u32 $0xFFFF, v4  }
.Ltmp5:
0x91: {  	_ = 	snop;
	(pc) =	sbr.rel @p0 .LBB2_13-.Ltmp5, $3  }
0x92: {  	_ =	sdelay $0x1  }
0x93: {  	v5 =	vadd.s32 s18, v3  }
0x94: {  	s19 =	sadd.s32 $0x100, s19;
	s18 =	sadd.s32 $0x40, s18;
	[tilespmem:v4+s2+$0x0] =	vst.idx.msk vm15, v5  }
0x95: {  	_ =	swait.ge [sflag:s11], $0x800;
	p0 =	seq.s32 s17, $0xF  }
0x96: {  	[sflag:s11] =	ssyncset.done $0x0;
	s18 =	sshll.u32 @!p0 s17, $0x9;
	s19 =	simm.s32 @!p0 $0x0  }
0x97: {  	s20 =	simm.s32 @!p0 $0x10000;
	[sflag:s11] =	ssyncadd.s32 $0xFFFFF800;
	s18 =	sadd.s32 @!p0 s18, s4  }
0x98: {  	[tilespmem:s20], [sflag:$0x1] =	stream.linear.gather @!p0 [hbm4b:s18+s19], $0x800, $0x38;
	[tilespmem:$0x11000] =	vst v63  }
0x99: {  	s18 =	simm.s32 $0x0;
	s19 =	smov.u32 s16  }
.LBB2_15:
0x9a: {  	s20 =	sshra.s32 s18, $0x2  }
0x9b: {  	v4 =	vld [tilespmem:s20+$0x10800];
	_ =	sdelay $0x4  }
0x9c: {  	v5 =	vshrl.u32 v4, $0x10  }
0x9d: {  	vm0 =	veq.s32 v5, v1  }
0x9e: {  	v4 =	vand.u32 $0xFFFF, v4;
	_ =	sdelay $0x3  }
0x9f: {  	v5 =	vadd.s32 s19, v3  }
0xa0: {  	[tilespmem:v4+s2+$0x0] =	vst.idx.msk vm0, v5  }
0xa1: {  	v4 =	vld [tilespmem:s20+$0x10810];
	_ =	sdelay $0x4  }
0xa2: {  	v5 =	vshrl.u32 v4, $0x10  }
0xa3: {  	vm13 =	veq.s32 v5, v1  }
0xa4: {  	v4 =	vand.u32 $0xFFFF, v4;
	_ =	sdelay $0x2  }
0xa5: {  	s21 =	sadd.s32 $0x10, s19  }
0xa6: {  	v5 =	vadd.s32 s21, v3  }
0xa7: {  	[tilespmem:v4+s2+$0x0] =	vst.idx.msk vm13, v5  }
0xa8: {  	v4 =	vld [tilespmem:s20+$0x10820];
	_ =	sdelay $0x4  }
0xa9: {  	v5 =	vshrl.u32 v4, $0x10  }
0xaa: {  	vm14 =	veq.s32 v5, v1  }
0xab: {  	v4 =	vand.u32 $0xFFFF, v4;
	_ =	sdelay $0x2  }
0xac: {  	s30 =	sadd.s32 $0x20, s19  }
0xad: {  	v5 =	vadd.s32 s30, v3  }
0xae: {  	[tilespmem:v4+s2+$0x0] =	vst.idx.msk vm14, v5  }
0xaf: {  	v4 =	vld [tilespmem:s20+$0x10830];
	_ =	sdelay $0x4  }
0xb0: {  	v5 =	vshrl.u32 v4, $0x10  }
0xb1: {  	vm15 =	veq.s32 v5, v1  }
0xb2: {  	p0 =	sne.s32 s18, $0x1F00;
	v4 =	vand.u32 $0xFFFF, v4  }
.Ltmp6:
0xb3: {  	_ = 	snop;
	(pc) =	sbr.rel @p0 .LBB2_15-.Ltmp6, $4  }
0xb4: {  	_ = 	snop  }
0xb5: {  	s31 =	sadd.s32 $0x30, s19  }
0xb6: {  	v5 =	vadd.s32 s31, v3  }
0xb7: {  	s18 =	sadd.s32 $0x100, s18;
	s19 =	sadd.s32 $0x40, s19;
	[tilespmem:v4+s2+$0x0] =	vst.idx.msk vm15, v5  }
0xb8: {  	s17 =	sadd.s32 $0x1, s17  }
0xb9: {  	p0 =	sne.s32 s17, $0x10  }
.Ltmp7:
0xba: {  	_ = 	snop;
	(pc) =	sbr.rel @p0 .LBB2_12-.Ltmp7, $2  }
0xbb: {  	_ =	sdelay $0x2  }
0xbc: {  	s15 =	sadd.s32 $0x1000, s15;
	s16 =	sadd.s32 $0x1000, s16  }
0xbd: {  	s13 =	sadd.s32 $0x1, s13  }
0xbe: {  	p0 =	sne.s32 s13, s7  }
.Ltmp8:
0xbf: {  	_ = 	snop;
	(pc) =	sbr.rel @p0 .LBB2_1-.Ltmp8, $4  }
0xc0: {  	[hbm4b:s6+s2] =	stream.linear.scatter [tilespmem:s2], [sflag:$0x3], $0x10000, $0x38;
	[tilespmem:$0x11000] =	vst v63  }
0xc1: {  	_ =	swait.ge [sflag:s12], $0x10000  }
0xc2: {  	[sflag:s12] =	ssyncset.done $0x0  }
0xc3: {  	[sflag:s12] =	ssyncadd.s32 $0xFFFF0000  }
0xc4: {  	_ =	sfence.sel $0x180000  }
0xc5: {  	[bflag:$0x0] =	sbarrier.arrive $0xFFFF  }
0xc6: {  	p0 =	sne.s32 s1, $0x0;
	_ =	strace $0x90000047  }
0xc7: {  	s0 =	sadd.s32 @!p0 $0x100000, s0;
	[bflag:$0x2] =	sbarrier.arrive $0xFFFF  }
0xc8: {  	[sflag:s0] =	ssyncadd.tile.s32 @!p0 $0x1;
	_ =	shalt  }
.Lfunc_end2:
_tile_overlayer_lowered:
.L_overlay_start_2:
0xc9: {  	(tag) =	ssettag $0x2  }
0xca: {  	s0 =	rddreg [dreg:$0x0];
	s2 =	stileid.u32  }
0xcb: {  	s1 =	rddreg [dreg:$0x1];
	p0 =	sne.s32 s2, $0x0  }
0xcc: {  	s3 =	rddreg [dreg:$0x2];
	[bflag:$0x3] =	sbarrier.arrive $0xFFFF;
	s2 =	simm.s32 @!p0 $0x1C03  }
0xcd: {  	[timem:s3], [sflag:s2] =	dma.local @!p0 [hbm:s0], s1  }
0xce: {  	s0 =	simm.s32 @!p0 $0x3  }
0xcf: {  	_ =	swait.ge @!p0 [sflag:s0], s1  }
0xd0: {  	s1 =	ssub.s32 @!p0 $0x0, s1;
	[sflag:s0] =	ssyncset.done @!p0 $0x0  }
0xd1: {  	[sflag:s0] =	ssyncadd.s32 @!p0 s1  }
0xd2: {  	[bflag:$0x3] =	sbarrier.arrive $0xFFFF  }
0xd3: {  	_ =	shalt  }

// kernel: kernel.9.cloned.1.call-start
scs
__scs_entry_jumppad:
0x0: {  	(pc) =	sbr.rel $0x88, $3  }
0x1: {  	(tag) =	ssettag $0x0;
	lr =	simm.s32 $0x1  }
0x2: {  	[smem:$0x3F92] =	sst lr;
	_ =	strace $0xD0000000  }
0x3: {  	_ = 	snop  }
0x4: {  	_ = 	snop  }
0x5: {  	_ = 	snop  }
0x6: {  	_ = 	snop  }
0x7: {  	_ = 	snop  }
__scs_overlays_trampoline_lowered:
0x8: {  	[smem:$0x3FA1] =	sst s0  }
0x9: {  	[smem:$0x3FA2] =	sst s1  }
0xa: {  	[smem:$0x3FA3] =	sst s2  }
0xb: {  	[smem:$0x3FA4] =	sst s3  }
0xc: {  	[smem:$0x3FA5] =	sst s4  }
0xd: {  	[smem:$0x3FA6] =	sst s5  }
0xe: {  	[smem:$0x3FA7] =	sst s6  }
0xf: {  	[smem:$0x3FA8] =	sst s7  }
0x10: {  	[smem:$0x3FA9] =	sst s8  }
0x11: {  	[smem:$0x3FAA] =	sst s9;
	s0 =	simm.s32 @!p0 $0x0  }
0x12: {  	s1 =	sld [smem:$0x3F90];
	s0 =	simm.s32 @p0 $0x1  }
0x13: {  	[smem:$0x3FAB] =	sst s0;
	s0 =	simm.s32 @!p1 $0x0  }
0x14: {  	s2 =	sld [smem:$0x3F8F];
	s0 =	simm.s32 @p1 $0x1  }
0x15: {  	[smem:$0x3FAC] =	sst s0;
	s0 =	simm.s32 @!p2 $0x0  }
0x16: {  	s3 =	sld [smem:$0x3FDB];
	s0 =	simm.s32 @p2 $0x1  }
0x17: {  	s4 =	simm.s32 $0x1BF5;
	[smem:$0x3FAE] =	sst s0  }
0x18: {  	s0 =	sld [smem:$0x3F91];
	_ =	swait.ge [sflag:s4], $0x0  }
0x19: {  	s7 =	sld [smem:$0x3F92]  }
0x1a: {  	s8 =	sadd.s32 $0xFFFFE003, lr  }
0x1b: {  	s9 =	sadd.s32 $0xFFFFFEF7, lr;
	s5 =	simm.s32 $0xFFFFFFFF;
	p2 =	slt.u32 s8, $0xFFFFF086  }
0x1c: {  	p1 =	slt.u32 s9, $0xF7A;
	s5 =	simm.s32 @!p2 $0x0  }
0x1d: {  	s5 =	simm.s32 @p1 $0x1;
	p0 =	seq.s32 s7, s2  }
0x1e: {  	s7 =	smul.u32 @!p0 $0xF7A, s2;
	p2 =	seq.s32 @!p0 s5, $0x0  }
0x1f: {  	s9 =	smul.u32 $0xF7A, s1;
	s8 =	simm.s32 @!p0 $0x1BF5;
	p2 =	por !p2, p0  }
0x20: {  	[sflag:s8] =	ssyncset.s32 @!p0 $0xFFFFF086;
	s6 =	sadd.s32 @!p0 s3, s7;
	s7 =	simm.s32 @!p0 $0x108  }
0x21: {  	s3 =	sadd.s32 s3, s9;
	s6 =	sadd.s32 @!p0 $0x88, s6;
	s7 =	simm.s32 @p2 $0x1082  }
0x22: {  	[simem:s7], [sflag:s8] =	dma.local @!p0 [hbm:s6], $0xF7A  }
0x23: {  	s9 =	sor.u32 $0xD0000000, s2;
	s6 =	simm.s32 $0x108;
	_ =	swait.ge @!p0 [sflag:s8], $0x0  }
0x24: {  	s3 =	sadd.s32 $0x88, s3;
	s6 =	simm.s32 @!p1 $0x1082;
	[sflag:s4] =	ssyncset.s32 $0xFFFFF086  }
0x25: {  	[simem:s6], [sflag:s4] =	dma.local [hbm:s3], $0xF7A  }
0x26: {  	[smem:$0x3F92] =	sst s1;
	(tag) =	ssettag s2;
	_ =	strace s9  }
0x27: {  	s1 =	sld [smem:$0x3FA2]  }
0x28: {  	s2 =	sld [smem:$0x3FA3]  }
0x29: {  	s4 =	sld [smem:$0x3FA5]  }
0x2a: {  	p0 =	seq.s32 s5, $0x0;
	s5 =	sld [smem:$0x3FA6]  }
0x2b: {  	s6 =	sld [smem:$0x3FA7]  }
0x2c: {  	s7 =	sld [smem:$0x3FA8]  }
0x2d: {  	s3 =	simm.s32 $0x108;
	s8 =	sld [smem:$0x3FA9]  }
0x2e: {  	s3 =	simm.s32 @!p0 $0x1082;
	s9 =	sld [smem:$0x3FAA]  }
0x2f: {  	lr =	sadd.s32 s0, s3;
	s0 =	sld [smem:$0x3FA1]  }
0x30: {  	s3 =	sld [smem:$0x3FA4]  }
0x31: {  	[smem:$0x3FAD] =	sst s10  }
0x32: {  	s10 =	sld [smem:$0x3FAB];
	_ =	sdelay $0x3  }
0x33: {  	p0 =	seq.s32 s10, $0x1;
	s10 =	sld [smem:$0x3FAD];
	_ =	sdelay $0x3  }
0x34: {  	[smem:$0x3FAD] =	sst s10  }
0x35: {  	s10 =	sld [smem:$0x3FAC];
	_ =	sdelay $0x3  }
0x36: {  	p1 =	seq.s32 s10, $0x1;
	s10 =	sld [smem:$0x3FAD];
	_ =	sdelay $0x3  }
0x37: {  	[smem:$0x3FAD] =	sst s10  }
0x38: {  	s10 =	sld [smem:$0x3FAE]  }
0x39: {  	_ = 	snop;
	(pc) =	sbr.ind lr, $3  }
0x3a: {  	_ = 	snop  }
0x3b: {  	_ = 	snop  }
0x3c: {  	p2 =	seq.s32 s10, $0x1;
	s10 =	sld [smem:$0x3FAD]  }
0x3d: {  	_ =	shalt  }
0x3e: {  	_ =	shalt  }
0x3f: {  	_ =	shalt  }
0x40: {  	_ =	shalt  }
0x41: {  	_ =	shalt  }
0x42: {  	_ =	shalt  }
0x43: {  	_ =	shalt  }
0x44: {  	_ =	shalt  }
0x45: {  	_ =	shalt  }
0x46: {  	_ =	shalt  }
0x47: {  	_ =	shalt  }
0x48: {  	_ =	shalt  }
0x49: {  	_ =	shalt  }
0x4a: {  	_ =	shalt  }
0x4b: {  	_ =	shalt  }
0x4c: {  	_ =	shalt  }
0x4d: {  	_ =	shalt  }
0x4e: {  	_ =	shalt  }
0x4f: {  	_ =	shalt  }
0x50: {  	_ =	shalt  }
0x51: {  	_ =	shalt  }
0x52: {  	_ =	shalt  }
0x53: {  	_ =	shalt  }
0x54: {  	_ =	shalt  }
0x55: {  	_ =	shalt  }
0x56: {  	_ =	shalt  }
0x57: {  	_ =	shalt  }
0x58: {  	_ =	shalt  }
0x59: {  	_ =	shalt  }
0x5a: {  	_ =	shalt  }
0x5b: {  	_ =	shalt  }
0x5c: {  	_ =	shalt  }
0x5d: {  	_ =	shalt  }
0x5e: {  	_ =	shalt  }
0x5f: {  	_ =	shalt  }
0x60: {  	_ =	shalt  }
0x61: {  	_ =	shalt  }
0x62: {  	_ =	shalt  }
0x63: {  	_ =	shalt  }
0x64: {  	_ =	shalt  }
0x65: {  	_ =	shalt  }
0x66: {  	_ =	shalt  }
0x67: {  	_ =	shalt  }
0x68: {  	_ =	shalt  }
0x69: {  	_ =	shalt  }
0x6a: {  	_ =	shalt  }
0x6b: {  	_ =	shalt  }
0x6c: {  	_ =	shalt  }
0x6d: {  	_ =	shalt  }
0x6e: {  	_ =	shalt  }
0x6f: {  	_ =	shalt  }
0x70: {  	_ =	shalt  }
0x71: {  	_ =	shalt  }
0x72: {  	_ =	shalt  }
0x73: {  	_ =	shalt  }
0x74: {  	_ =	shalt  }
0x75: {  	_ =	shalt  }
0x76: {  	_ =	shalt  }
0x77: {  	_ =	shalt  }
0x78: {  	_ =	shalt  }
0x79: {  	_ =	shalt  }
0x7a: {  	_ =	shalt  }
0x7b: {  	_ =	shalt  }
0x7c: {  	_ =	shalt  }
0x7d: {  	_ =	shalt  }
0x7e: {  	_ =	shalt  }
0x7f: {  	_ =	shalt  }
0x80: {  	_ =	shalt  }
0x81: {  	_ =	shalt  }
0x82: {  	_ =	shalt  }
0x83: {  	_ =	shalt  }
0x84: {  	_ =	shalt  }
0x85: {  	_ =	shalt  }
0x86: {  	_ =	shalt  }
0x87: {  	_ =	shalt  }
.Lfunc_end0:
.L_simem_size_0:
called_computation.1_lowered:
.L_overlay_start_0:
0x88: {  	s2 =	sld [smem:$0x3FD9]  }
0x89: {  	s3 =	sld [smem:$0x3FFE];
	_ =	sdelay $0x1  }
0x8a: {  	s1 =	srdreg.scid  }
0x8b: {  	s0 =	sand.u32 $0x1, s1  }
0x8c: {  	s17 =	sshll.u32 s0, $0xA;
	s2 =	sadd.s32 s3, s2  }
0x8d: {  	s2 =	sadd.s32 s2, s17  }
0x8e: {  	[smem:$0x3FB9] =	sst s2  }
0x8f: {  	_ = 	snop  }
0x90: {  	s2 =	sld [smem:$0x3FD0];
	(tm) =	ssettm $0x1  }
0x91: {  	s18 =	sld [smem:$0x3FFB];
	_ =	sdelay $0x3  }
0x92: {  	_ =	strace s18  }
0x93: {  	s3 =	sld [smem:$0x3FFC];
	_ =	sdelay $0x3  }
0x94: {  	_ =	strace s3  }
0x95: {  	s3 =	sld [smem:$0x3FFD];
	_ =	sdelay $0x3  }
0x96: {  	_ =	strace s3  }
0x97: {  	_ =	strace $0x8FFFFFFF  }
0x98: {  	s19 =	sld [smem:$0x3FDB];
	_ =	sdelay $0x1  }
0x99: {  	s4 =	simm.s32 $_scs_section_size  }
0x9a: {  	s5 =	simm.s32 $_size__tile_overlayer_lowered;
	s6 =	simm.s32 $_tile_overlayer_lowered  }
0x9b: {  	s22 =	simm.s32 $0x1BFF;
	s21 =	sshll.u32 s6, $0x1;
	s3 =	sadd.s32 s4, s19  }
0x9c: {  	s7 =	simm.s32 $0x0;
	s20 =	sshll.u32 s5, $0x1;
	s5 =	sadd.s32 s21, s3  }
0x9d: {  	[timem:s7], [sflag:s22] =	dma.local [hbm:s5], s20  }
0x9e: {  	_ =	swait.ge [sflag:s22], s20  }
0x9f: {  	s4 =	ssub.s32 $0x0, s20;
	[sflag:s22] =	ssyncset.done $0x0  }
0xa0: {  	[sflag:s22] =	ssyncadd.s32 s4;
	_ =	sdelay $0x1  }
0xa1: {  	s23 =	simm.s32 $0x1B8B  }
0xa2: {  	_ =	swait.ge [sflag:s23], $0x1  }
0xa3: {  	[sflag:s23] =	ssyncset.done $0x0  }
0xa4: {  	s25 =	simm.s32 $0x1B8E;
	s24 =	sld [smem:$0x3FFE];
	[sflag:s23] =	ssyncadd.s32 $0xFFFFFFFF  }
0xa5: {  	s26 =	simm.s32 $execute0_lowered;
	[smem:$0x3FD2] =	sst s25  }
0xa6: {  	s5 =	sshll.u32 s26, $0x1;
	_ =	strace $0x80000049;
	[dreg:$0x1] =	wrdreg $0xFFFFFFFF  }
0xa7: {  	s28 =	simm.s32 $_size_execute0_lowered;
	s3 =	sadd.s32 s3, s5;
	[dreg:$0x0] =	wrdreg $0x0  }
0xa8: {  	s5 =	sshll.u32 s28, $0x1;
	[dreg:$0x2] =	wrdreg s3  }
0xa9: {  	[dreg:$0x3] =	wrdreg s5  }
0xaa: {  	[dreg:$0x4] =	wrdreg $0xC0  }
0xab: {  	_ =	task [dreg:s7], $0x5FFFF  }
0xac: {  	[dreg:$0x1] =	wrdreg $0xFFFFFFFF  }
0xad: {  	[dreg:$0x0] =	wrdreg $0x60  }
0xae: {  	[dreg:$0x2] =	wrdreg s24  }
0xaf: {  	[dreg:$0x3] =	wrdreg s2  }
0xb0: {  	[dreg:$0x4] =	wrdreg $0x9  }
0xb1: {  	_ =	task.clear_ibuf [dreg:s7], $0x5FFFF;
	_ =	strace $0x90000049  }
0xb2: {  	s29 =	simm.s32 $0x9;
	_ =	strace $0x8000004B  }
0xb3: {  	_ =	swait.ge [sflag:s29], $0x1  }
0xb4: {  	[sflag:s29] =	ssyncadd.s32 $0xFFFFFFFF  }
0xb5: {  	_ =	strace $0x9000004B  }
0xb6: {  	_ =	sfence  }
0xb7: {  	s30 =	sld [smem:$0x0];
	_ =	sdelay $0x2  }
0xb8: {  	s31 =	sshll.u32 s1, $0xD;
	s1 =	sshrl.u32 s1, $0x2  }
0xb9: {  	s3 =	sand.u32 $0x4000, s31;
	s1 =	sadd.s32 s1, s30  }
0xba: {  	s0 =	sor.u32 s3, s0;
	s1 =	sshll.u32 s1, $0x11  }
0xbb: {  	s0 =	sor.u32 s1, s0  }
0xbc: {  	s0 =	sadd.s32 $0x8F2B, s0  }
0xbd: {  	[sflag:s0] =	ssyncadd.remote.s32 $0x1  }
0xbe: {  	_ =	sfence.sel $0xFFFF  }
0xbf: {  	[dreg:$0x0] =	wrdreg $0xFFFFFFFF;
	(pc) =	sbr.abs _section_cstart, $3  }
0xc0: {  	[dreg:$0x1] =	wrdreg $0xFFFFFFFF  }
0xc1: {  	_ =	task.clear_ibuf [dreg:s7], $0x2FFFF;
	_ =	strace $0x9FFFFFFF  }
0xc2: {  	(tm) =	ssettm $0x7FFFFFFF  }
0xc3: {  	_ =	shalt  }
tec
execute0_lowered:
.L_overlay_start_1:
0x0: {  	(tag) =	ssettag $0x1  }
0x1: {  	s0 =	rddreg [dreg:$0x0]  }
0x2: {  	s22 =	rddreg [dreg:$0x1]  }
0x3: {  	s2 =	simm.s32 $0x0;
	s1 =	srdreg.scid;
	s4 =	stileid.u32  }
0x4: {  	s20 =	simm.s32 $0x40;
	s14 =	simm.s32 $0x7;
	s30 =	simm.s32 $0x11  }
0x5: {  	s17 =	simm.s32 $0x13;
	s18 =	simm.s32 $0x14;
	s16 =	simm.s32 $0x0  }
0x6: {  	[smem:$0x7FF] =	sst s2;
	s3 =	sadd.s32 $0x6400, s0;
	s5 =	sadd.s32 $0x99400, s0  }
0x7: {  	s6 =	sadd.s32 $0x97400, s0;
	s7 =	sadd.s32 $0x2400, s0;
	s1 =	sand.u32 $0x1, s1  }
0x8: {  	s8 =	sadd.s32 $0x9B400, s0;
	s4 =	sshll.u32 s4, $0xC;
	s10 =	sshll.u32 s1, $0xB  }
0x9: {  	s9 =	sadd.s32 $0x86400, s0;
	s11 =	sadd.s32 $0x2DB600, s0;
	s13 =	sor.u32 s10, s4  }
0xa: {  	_ =	strace $0x8000004A;
	s29 =	sor.u32 $0x40, s13;
	[dreg:$0x3] =	wrdreg s13  }
0xb: {  	s10 =	sshrl.u32 s13, $0x3;
	s31 =	sor.u32 $0x80, s13;
	[dreg:$0x8] =	wrdreg s29  }
0xc: {  	s12 =	sadd.s32 $0xBB600, s0;
	s24 =	sadd.s32 s5, s10;
	[dreg:$0x9] =	wrdreg s31  }
0xd: {  	s1 =	ssub.s32 $0x2, s1;
	s25 =	sadd.s32 s6, s10;
	[dreg:$0x4] =	wrdreg s24  }
0xe: {  	s21 =	sshrl.u32 s1, $0x1;
	s26 =	sadd.s32 s7, s10;
	[dreg:$0x5] =	wrdreg s25  }
0xf: {  	s23 =	ssub.s32 s1, s21;
	s28 =	sadd.s32 s22, s10;
	[dreg:$0x6] =	wrdreg s26  }
0x10: {  	s4 =	simm.s32 $0x18;
	s0 =	smax.u32 s23, $0x1;
	[dreg:$0x7] =	wrdreg s28  }
0x11: {  	v0 =	vlaneseq.u32;
	s13 =	simm.s32 $0xC;
	s1 =	simm.s32 $0x12;
	[dreg:$0xa] =	wrdreg s0  }
0x12: {  	v1 =	vor.u32 $0x10000, v0;
	s25 =	simm.s32 $0x8;
	s26 =	simm.s32 $0xB;
	s0 =	simm.s32 $0x17  }
.LBB2_1:
0x13: {  	[dreg:$0xb] =	wrdreg s16  }
0x14: {  	s10 =	rddreg [dreg:$0x4]  }
0x15: {  	[tilespmem:s2], [sflag:$0x1] =	stream.linear.gather [hbm4b:s10+s2], $0x40, $0x38;
	[tilespmem:$0x12400] =	vst v63  }
0x16: {  	s21 =	rddreg [dreg:$0x5]  }
0x17: {  	[tilespmem:s20], [sflag:$0x2] =	stream.linear.gather [hbm4b:s21+s2], $0x40, $0x38;
	[tilespmem:$0x12400] =	vst v63  }
0x18: {  	s23 =	rddreg [dreg:$0x6];
	s15 =	simm.s32 $0x80  }
0x19: {  	[tilespmem:s15], [sflag:$0x3] =	stream.linear.gather [hbm4b:s23+s2], $0x40, $0x38;
	[tilespmem:$0x12400] =	vst v63  }
0x1a: {  	s24 =	rddreg [dreg:$0x7];
	s16 =	simm.s32 $0xC0;
	s29 =	simm.s32 $0x1  }
0x1b: {  	[tilespmem:s16], [sflag:$0x4] =	stream.linear.gather [hbm4b:s24+s2], $0x40, $0x38;
	[tilespmem:$0x12400] =	vst v63  }
0x1c: {  	_ =	swait.ge [sflag:s29], $0x40  }
0x1d: {  	[sflag:s29] =	ssyncset.done $0x0  }
0x1e: {  	s31 =	simm.s32 $0x2;
	[sflag:s29] =	ssyncadd.s32 $0xFFFFFFC0  }
0x1f: {  	_ =	swait.ge [sflag:s31], $0x40  }
0x20: {  	[sflag:s31] =	ssyncset.done $0x0  }
0x21: {  	s19 =	simm.s32 $0x3;
	[sflag:s31] =	ssyncadd.s32 $0xFFFFFFC0  }
0x22: {  	_ =	swait.ge [sflag:s19], $0x40  }
0x23: {  	[sflag:s19] =	ssyncset.done $0x0  }
0x24: {  	s21 =	simm.s32 $0x4;
	[sflag:s19] =	ssyncadd.s32 $0xFFFFFFC0  }
0x25: {  	_ =	swait.ge [sflag:s21], $0x40  }
0x26: {  	[sflag:s21] =	ssyncset.done $0x0  }
0x27: {  	s23 =	simm.s32 $0x100;
	[sflag:s21] =	ssyncadd.s32 $0xFFFFFFC0  }
0x28: {  	[tilespmem:s23], [sflag:$0x5] =	stream.indirect.gather [hbm4b:s3+s20], $0x1, s2, s20, $0xb8;
	[tilespmem:$0x12400] =	vst v63  }
0x29: {  	s24 =	simm.s32 $0x140  }
0x2a: {  	[tilespmem:s24], [sflag:$0x6] =	stream.indirect.gather [hbm4b:s3+s20], $0x1, s20, s20, $0xb8;
	[tilespmem:$0x12400] =	vst v63  }
0x2b: {  	s29 =	simm.s32 $0xA00  }
0x2c: {  	[tilespmem:s29], [sflag:$0xB] =	stream.indirect.gather [hbm4b:s9+s20], $0x110, s15, s20, $0xb8;
	[tilespmem:$0x12400] =	vst v63  }
0x2d: {  	s28 =	simm.s32 $0x0;
	s31 =	simm.s32 $0x4E00  }
0x2e: {  	[tilespmem:s31], [sflag:$0xC] =	stream.indirect.gather [hbm4b:s9+s20], $0x110, s16, s20, $0xb8;
	[tilespmem:$0x12400] =	vst v63  }
.LBB2_2:
0x2f: {  	s15 =	sshll.u32 s28, $0x7;
	s10 =	rddreg [dreg:$0x8]  }
0x30: {  	s29 =	sadd.s32 s10, s15  }
0x31: {  	s10 =	sshrl.u32 s29, $0x3  }
0x32: {  	s19 =	simm.s32 $0x9200;
	s16 =	sadd.s32 s5, s10  }
0x33: {  	[tilespmem:s19], [sflag:$0xD] =	stream.linear.gather [hbm4b:s16+s2], $0x40, $0x38;
	[tilespmem:$0x12400] =	vst v63  }
0x34: {  	s21 =	simm.s32 $0x9240;
	s23 =	sadd.s32 s6, s10  }
0x35: {  	[tilespmem:s21], [sflag:$0xE] =	stream.linear.gather [hbm4b:s23+s2], $0x40, $0x38;
	[tilespmem:$0x12400] =	vst v63  }
0x36: {  	s31 =	simm.s32 $0x9280;
	s24 =	sadd.s32 s7, s10;
	s10 =	sadd.s32 s22, s10  }
0x37: {  	[tilespmem:s31], [sflag:$0xF] =	stream.linear.gather [hbm4b:s24+s2], $0x40, $0x38;
	[tilespmem:$0x12400] =	vst v63  }
0x38: {  	s16 =	simm.s32 $0x92C0;
	s23 =	smov.u32 s22;
	s22 =	simm.s32 $0x5  }
0x39: {  	[tilespmem:s16], [sflag:$0x10] =	stream.linear.gather [hbm4b:s10+s2], $0x40, $0x38;
	[tilespmem:$0x12400] =	vst v63  }
0x3a: {  	_ =	swait.ge [sflag:s22], $0x40  }
0x3b: {  	[sflag:s22] =	ssyncset.done $0x0  }
0x3c: {  	s24 =	simm.s32 $0x6;
	[sflag:s22] =	ssyncadd.s32 $0xFFFFFFC0  }
0x3d: {  	_ =	swait.ge [sflag:s24], $0x40  }
0x3e: {  	[sflag:s24] =	ssyncset.done $0x0  }
0x3f: {  	[sflag:s24] =	ssyncadd.s32 $0xFFFFFFC0  }
0x40: {  	v2 =	vld [tilespmem:$0x140]  }
0x41: {  	v3 =	vld [tilespmem:$0x100]  }
0x42: {  	s22 =	rddreg [dreg:$0x3];
	v5 =	vld [tilespmem:$0x150]  }
0x43: {  	s22 =	sor.u32 s22, s15;
	v8 =	vld [tilespmem:$0x160]  }
0x44: {  	v4 =	vld [tilespmem:$0x110];
	s10 =	sor.u32 $0x10, s22  }
0x45: {  	v6 =	vld [tilespmem:$0x120];
	s24 =	sor.u32 $0x20, s22;
	v7 =	vor.u32 s10, v0  }
0x46: {  	v63 =	vor.u32 s24, v0;
	v7 =	vand.u32 $0x7F, v7  }
0x47: {  	v10 =	vld [tilespmem:$0x170];
	vm0 =	vgt.s32 v2, $0x0;
	v2 =	vadd.s32 $0xFFFFFFFF, v2;
	v3 =	vadd.s32 $0xFFFFFFFF, v3  }
0x48: {  	v9 =	vld [tilespmem:$0x130];
	vm13 =	vgt.s32 v5, $0x0;
	vm14 =	vgt.s32 v8, $0x0;
	v2 =	vsel vm0, v2, v1;
	[tilespmem:$0x180] =	vst v3  }
0x49: {  	v3 =	vadd.s32 $0xFFFFFFFF, v4;
	v4 =	vor.u32 $0x10000, v7;
	[tilespmem:$0x1C0] =	vst v2;
	v2 =	vadd.s32 $0xFFFFFFFF, v5  }
0x4a: {  	s24 =	sor.u32 $0x30, s22;
	v5 =	vand.u32 $0x7F, v63;
	[tilespmem:$0x190] =	vst v3;
	v3 =	vadd.s32 $0xFFFFFFFF, v6;
	v2 =	vsel vm13, v2, v4  }
0x4b: {  	v4 =	vor.u32 $0x10000, v5;
	v5 =	vor.u32 s24, v0;
	[tilespmem:$0x1D0] =	vst v2;
	v2 =	vadd.s32 $0xFFFFFFFF, v8  }
0x4c: {  	vm15 =	vgt.s32 v10, $0x0;
	[tilespmem:$0x1A0] =	vst v3;
	v2 =	vsel vm14, v2, v4;
	v4 =	vand.u32 $0x7F, v5  }
0x4d: {  	v3 =	vadd.s32 $0xFFFFFFFF, v9;
	[tilespmem:$0x1E0] =	vst v2;
	v2 =	vor.u32 $0x10000, v4;
	v4 =	vadd.s32 $0xFFFFFFFF, v10  }
0x4e: {  	[tilespmem:$0x1B0] =	vst v3;
	v2 =	vsel vm15, v4, v2  }
0x4f: {  	s10 =	simm.s32 $0x180;
	s24 =	simm.s32 $0x200;
	[tilespmem:$0x1F0] =	vst v2  }
0x50: {  	[tilespmem:s24], [sflag:$0x7] =	stream.indirect.gather [hbm4b:s8+s20], $0x10, s10, s20, $0xb8;
	[tilespmem:$0x12400] =	vst v63  }
0x51: {  	p0 =	seq.s32 s28, $0x0;
	s10 =	simm.s32 $0x1C0;
	s24 =	simm.s32 $0x600  }
0x52: {  	[tilespmem:s24], [sflag:$0x8] =	stream.indirect.gather [hbm4b:s8+s20], $0x10, s10, s20, $0xb8;
	[tilespmem:$0x12400] =	vst v63  }
0x53: {  	s10 =	simm.s32 @!p0 $0x15  }
0x54: {  	_ =	swait.ge @!p0 [sflag:s10], $0x400  }
0x55: {  	[sflag:s10] =	ssyncset.done @!p0 $0x0  }
0x56: {  	[sflag:s10] =	ssyncadd.s32 @!p0 $0xFFFFFC00;
	s10 =	simm.s32 @!p0 $0x16  }
0x57: {  	_ =	swait.ge @!p0 [sflag:s10], $0x4400  }
0x58: {  	[sflag:s10] =	ssyncset.done @!p0 $0x0  }
0x59: {  	[sflag:s10] =	ssyncadd.s32 @!p0 $0xFFFFBC00;
	s10 =	simm.s32 $0xD  }
0x5a: {  	_ =	swait.ge [sflag:s10], $0x40  }
0x5b: {  	[sflag:s10] =	ssyncset.done $0x0  }
0x5c: {  	[sflag:s10] =	ssyncadd.s32 $0xFFFFFFC0;
	s10 =	simm.s32 $0xE  }
0x5d: {  	_ =	swait.ge [sflag:s10], $0x40  }
0x5e: {  	[sflag:s10] =	ssyncset.done $0x0  }
0x5f: {  	[sflag:s10] =	ssyncadd.s32 $0xFFFFFFC0;
	s10 =	simm.s32 $0xF  }
0x60: {  	_ =	swait.ge [sflag:s10], $0x40  }
0x61: {  	[sflag:s10] =	ssyncset.done $0x0  }
0x62: {  	[sflag:s10] =	ssyncadd.s32 $0xFFFFFFC0;
	s10 =	simm.s32 $0x10  }
0x63: {  	_ =	swait.ge [sflag:s10], $0x40  }
0x64: {  	[sflag:s10] =	ssyncset.done $0x0  }
0x65: {  	[sflag:s10] =	ssyncadd.s32 $0xFFFFFFC0;
	s10 =	simm.s32 $0x9300  }
0x66: {  	[tilespmem:s10], [sflag:$0x11] =	stream.indirect.gather [hbm4b:s3+s20], $0x1, s19, s20, $0xb8;
	[tilespmem:$0x12400] =	vst v63  }
0x67: {  	s19 =	simm.s32 $0x9340  }
0x68: {  	[tilespmem:s19], [sflag:$0x12] =	stream.indirect.gather [hbm4b:s3+s20], $0x1, s21, s20, $0xb8;
	[tilespmem:$0x12400] =	vst v63  }
0x69: {  	s24 =	simm.s32 $0x9C00  }
0x6a: {  	[tilespmem:s24], [sflag:$0x17] =	stream.indirect.gather [hbm4b:s9+s20], $0x110, s31, s20, $0xb8;
	[tilespmem:$0x12400] =	vst v63  }
0x6b: {  	s19 =	simm.s32 $0xE000  }
0x6c: {  	[tilespmem:s19], [sflag:$0x18] =	stream.indirect.gather [hbm4b:s9+s20], $0x110, s16, s20, $0xb8;
	[tilespmem:$0x12400] =	vst v63  }
0x6d: {  	_ =	swait.ge [sflag:s14], $0x400  }
0x6e: {  	[sflag:s14] =	ssyncset.done $0x0  }
0x6f: {  	[sflag:s14] =	ssyncadd.s32 $0xFFFFFC00  }
0x70: {  	_ =	swait.ge [sflag:s25], $0x400  }
0x71: {  	[sflag:s25] =	ssyncset.done $0x0  }
0x72: {  	[sflag:s25] =	ssyncadd.s32 $0xFFFFFC00  }
0x73: {  	_ =	swait.ge [sflag:s26], $0x4400  }
0x74: {  	[sflag:s26] =	ssyncset.done $0x0  }
0x75: {  	[sflag:s26] =	ssyncadd.s32 $0xFFFFBC00  }
0x76: {  	_ =	swait.ge [sflag:s13], $0x4400  }
0x77: {  	[sflag:s13] =	ssyncset.done $0x0  }
0x78: {  	s21 =	simm.s32 $0x0;
	[sflag:s13] =	ssyncadd.s32 $0xFFFFBC00  }
0x79: {  	v2 =	vld [tilespmem:s21+$0x200]  }
0x7a: {  	v3 =	vld [tilespmem:s21+$0x600];
	_ =	sdelay $0x4  }
0x7b: {  	v2 =	vadd.f32 v3, v2;
	_ =	sdelay $0x1  }
0x7c: {  	v2 =	vmul.f32 $5.000000000e-01, v2;
	_ =	sdelay $0x1  }
0x7d: {  	s10 =	simm.s32 $0xA80;
	[tilespmem:s21+$0x600] =	vst v2  }
0x7e: {  	s31 =	simm.s32 $0x4E80;
	v2 =	vld [tilespmem:s10+$0xFFFFFF80]  }
0x7f: {  	v3 =	vld [tilespmem:s31+$0xFFFFFF80];
	_ =	sdelay $0x4  }
0x80: {  	v2 =	vadd.f32 v3, v2;
	_ =	sdelay $0x1  }
0x81: {  	v3 =	vld [tilespmem:s10+$0xFFFFFF90];
	[tilespmem:s10+$0xFFFFFF80] =	vst v2  }
0x82: {  	v2 =	vld [tilespmem:s31+$0xFFFFFF90];
	_ =	sdelay $0x4  }
0x83: {  	v2 =	vadd.f32 v2, v3;
	_ =	sdelay $0x1  }
0x84: {  	v3 =	vld [tilespmem:s10+$0xFFFFFFA0];
	[tilespmem:s10+$0xFFFFFF90] =	vst v2  }
0x85: {  	v2 =	vld [tilespmem:s31+$0xFFFFFFA0];
	_ =	sdelay $0x4  }
0x86: {  	v2 =	vadd.f32 v2, v3;
	_ =	sdelay $0x1  }
0x87: {  	v3 =	vld [tilespmem:s10+$0xFFFFFFB0];
	[tilespmem:s10+$0xFFFFFFA0] =	vst v2  }
0x88: {  	v2 =	vld [tilespmem:s31+$0xFFFFFFB0];
	_ =	sdelay $0x4  }
0x89: {  	v2 =	vadd.f32 v2, v3;
	_ =	sdelay $0x1  }
0x8a: {  	v3 =	vld [tilespmem:s10+$0xFFFFFFC0];
	[tilespmem:s10+$0xFFFFFFB0] =	vst v2  }
0x8b: {  	v2 =	vld [tilespmem:s31+$0xFFFFFFC0];
	_ =	sdelay $0x4  }
0x8c: {  	v2 =	vadd.f32 v2, v3;
	_ =	sdelay $0x1  }
0x8d: {  	v3 =	vld [tilespmem:s10+$0xFFFFFFD0];
	[tilespmem:s10+$0xFFFFFFC0] =	vst v2  }
0x8e: {  	v2 =	vld [tilespmem:s31+$0xFFFFFFD0];
	_ =	sdelay $0x4  }
0x8f: {  	v2 =	vadd.f32 v2, v3;
	_ =	sdelay $0x1  }
0x90: {  	v3 =	vld [tilespmem:s10+$0xFFFFFFE0];
	[tilespmem:s10+$0xFFFFFFD0] =	vst v2  }
0x91: {  	v2 =	vld [tilespmem:s31+$0xFFFFFFE0];
	_ =	sdelay $0x4  }
0x92: {  	v2 =	vadd.f32 v2, v3;
	_ =	sdelay $0x1  }
0x93: {  	v3 =	vld [tilespmem:s10+$0xFFFFFFF0];
	[tilespmem:s10+$0xFFFFFFE0] =	vst v2  }
0x94: {  	v2 =	vld [tilespmem:s31+$0xFFFFFFF0];
	_ =	sdelay $0x4  }
0x95: {  	v2 =	vadd.f32 v2, v3;
	_ =	sdelay $0x1  }
0x96: {  	v3 =	vld [tilespmem:s10+$0x0];
	[tilespmem:s10+$0xFFFFFFF0] =	vst v2  }
0x97: {  	v2 =	vld [tilespmem:s31+$0x0];
	_ =	sdelay $0x4  }
0x98: {  	v2 =	vadd.f32 v2, v3;
	_ =	sdelay $0x1  }
0x99: {  	v3 =	vld [tilespmem:s10+$0x10];
	[tilespmem:s10+$0x0] =	vst v2  }
0x9a: {  	v2 =	vld [tilespmem:s31+$0x10];
	_ =	sdelay $0x4  }
0x9b: {  	v2 =	vadd.f32 v2, v3;
	_ =	sdelay $0x1  }
0x9c: {  	v3 =	vld [tilespmem:s10+$0x20];
	[tilespmem:s10+$0x10] =	vst v2  }
0x9d: {  	v2 =	vld [tilespmem:s31+$0x20];
	_ =	sdelay $0x4  }
0x9e: {  	v2 =	vadd.f32 v2, v3;
	_ =	sdelay $0x1  }
0x9f: {  	v3 =	vld [tilespmem:s10+$0x30];
	[tilespmem:s10+$0x20] =	vst v2  }
0xa0: {  	v2 =	vld [tilespmem:s31+$0x30];
	_ =	sdelay $0x4  }
0xa1: {  	v2 =	vadd.f32 v2, v3;
	_ =	sdelay $0x1  }
0xa2: {  	v3 =	vld [tilespmem:s10+$0x40];
	[tilespmem:s10+$0x30] =	vst v2  }
0xa3: {  	v2 =	vld [tilespmem:s31+$0x40];
	_ =	sdelay $0x4  }
0xa4: {  	v2 =	vadd.f32 v2, v3;
	_ =	sdelay $0x1  }
0xa5: {  	v3 =	vld [tilespmem:s10+$0x50];
	[tilespmem:s10+$0x40] =	vst v2  }
0xa6: {  	v2 =	vld [tilespmem:s31+$0x50];
	_ =	sdelay $0x4  }
0xa7: {  	v2 =	vadd.f32 v2, v3;
	_ =	sdelay $0x1  }
0xa8: {  	v3 =	vld [tilespmem:s10+$0x60];
	[tilespmem:s10+$0x50] =	vst v2  }
0xa9: {  	v2 =	vld [tilespmem:s31+$0x60];
	_ =	sdelay $0x4  }
0xaa: {  	v2 =	vadd.f32 v2, v3;
	_ =	sdelay $0x1  }
0xab: {  	v3 =	vld [tilespmem:s10+$0x70];
	[tilespmem:s10+$0x60] =	vst v2  }
0xac: {  	v2 =	vld [tilespmem:s31+$0x70];
	_ =	sdelay $0x4  }
0xad: {  	v3 =	vadd.f32 v2, v3;
	_ =	sdelay $0x1  }
0xae: {  	v2 =	vld [tilespmem:s10+$0x80];
	[tilespmem:s10+$0x70] =	vst v3  }
0xaf: {  	s16 =	simm.s32 $0x40;
	s21 =	simm.s32 $0xA80;
	v3 =	vld [tilespmem:s31+$0x80]  }
.LBB2_3:
0xb0: {  	_ =	sdelay $0x3  }
0xb1: {  	p0 =	sne.s32 s16, $0xFC0;
	s10 =	sadd.s32 $0x110, s10;
	s31 =	sadd.s32 $0x110, s31;
	v2 =	vadd.f32 v3, v2  }
0xb2: {  	s19 =	smov.u32 s16;
	s16 =	sadd.s32 $0x40, s16  }
0xb3: {  	s19 =	sshra.s32 s19, $0x2;
	[tilespmem:s21+$0x80] =	vst v2;
	s21 =	smov.u32 s10  }
0xb4: {  	v2 =	vld [tilespmem:s19+$0x200]  }
0xb5: {  	v3 =	vld [tilespmem:s19+$0x600];
	_ =	sdelay $0x4  }
0xb6: {  	v2 =	vadd.f32 v3, v2;
	_ =	sdelay $0x1  }
0xb7: {  	v2 =	vmul.f32 $5.000000000e-01, v2;
	_ =	sdelay $0x1  }
0xb8: {  	[tilespmem:s19+$0x600] =	vst v2  }
0xb9: {  	v2 =	vld [tilespmem:s10+$0xFFFFFF80]  }
0xba: {  	v3 =	vld [tilespmem:s31+$0xFFFFFF80];
	_ =	sdelay $0x4  }
0xbb: {  	v2 =	vadd.f32 v3, v2  }
0xbc: {  	v3 =	vld [tilespmem:s10+$0xFFFFFF90]  }
0xbd: {  	[tilespmem:s10+$0xFFFFFF80] =	vst v2  }
0xbe: {  	v2 =	vld [tilespmem:s31+$0xFFFFFF90];
	_ =	sdelay $0x4  }
0xbf: {  	v2 =	vadd.f32 v2, v3  }
0xc0: {  	v3 =	vld [tilespmem:s10+$0xFFFFFFA0]  }
0xc1: {  	[tilespmem:s10+$0xFFFFFF90] =	vst v2  }
0xc2: {  	v2 =	vld [tilespmem:s31+$0xFFFFFFA0];
	_ =	sdelay $0x4  }
0xc3: {  	v2 =	vadd.f32 v2, v3  }
0xc4: {  	v3 =	vld [tilespmem:s10+$0xFFFFFFB0]  }
0xc5: {  	[tilespmem:s10+$0xFFFFFFA0] =	vst v2  }
0xc6: {  	v2 =	vld [tilespmem:s31+$0xFFFFFFB0];
	_ =	sdelay $0x4  }
0xc7: {  	v2 =	vadd.f32 v2, v3  }
0xc8: {  	v3 =	vld [tilespmem:s10+$0xFFFFFFC0]  }
0xc9: {  	[tilespmem:s10+$0xFFFFFFB0] =	vst v2  }
0xca: {  	v2 =	vld [tilespmem:s31+$0xFFFFFFC0];
	_ =	sdelay $0x4  }
0xcb: {  	v2 =	vadd.f32 v2, v3  }
0xcc: {  	v3 =	vld [tilespmem:s10+$0xFFFFFFD0]  }
0xcd: {  	[tilespmem:s10+$0xFFFFFFC0] =	vst v2  }
0xce: {  	v2 =	vld [tilespmem:s31+$0xFFFFFFD0];
	_ =	sdelay $0x4  }
0xcf: {  	v2 =	vadd.f32 v2, v3  }
0xd0: {  	v3 =	vld [tilespmem:s10+$0xFFFFFFE0]  }
0xd1: {  	[tilespmem:s10+$0xFFFFFFD0] =	vst v2  }
0xd2: {  	v2 =	vld [tilespmem:s31+$0xFFFFFFE0];
	_ =	sdelay $0x4  }
0xd3: {  	v2 =	vadd.f32 v2, v3  }
0xd4: {  	v3 =	vld [tilespmem:s10+$0xFFFFFFF0]  }
0xd5: {  	[tilespmem:s10+$0xFFFFFFE0] =	vst v2  }
0xd6: {  	v2 =	vld [tilespmem:s31+$0xFFFFFFF0];
	_ =	sdelay $0x4  }
0xd7: {  	v2 =	vadd.f32 v2, v3  }
0xd8: {  	v3 =	vld [tilespmem:s10+$0x0]  }
0xd9: {  	[tilespmem:s10+$0xFFFFFFF0] =	vst v2  }
0xda: {  	v2 =	vld [tilespmem:s31+$0x0];
	_ =	sdelay $0x4  }
0xdb: {  	v2 =	vadd.f32 v2, v3  }
0xdc: {  	v3 =	vld [tilespmem:s10+$0x10]  }
0xdd: {  	[tilespmem:s10+$0x0] =	vst v2  }
0xde: {  	v2 =	vld [tilespmem:s31+$0x10];
	_ =	sdelay $0x4  }
0xdf: {  	v2 =	vadd.f32 v2, v3  }
0xe0: {  	v3 =	vld [tilespmem:s10+$0x20]  }
0xe1: {  	[tilespmem:s10+$0x10] =	vst v2  }
0xe2: {  	v2 =	vld [tilespmem:s31+$0x20];
	_ =	sdelay $0x4  }
0xe3: {  	v2 =	vadd.f32 v2, v3  }
0xe4: {  	v3 =	vld [tilespmem:s10+$0x30]  }
0xe5: {  	[tilespmem:s10+$0x20] =	vst v2  }
0xe6: {  	v2 =	vld [tilespmem:s31+$0x30];
	_ =	sdelay $0x4  }
0xe7: {  	v2 =	vadd.f32 v2, v3  }
0xe8: {  	v3 =	vld [tilespmem:s10+$0x40]  }
0xe9: {  	[tilespmem:s10+$0x30] =	vst v2  }
0xea: {  	v2 =	vld [tilespmem:s31+$0x40];
	_ =	sdelay $0x4  }
0xeb: {  	v2 =	vadd.f32 v2, v3  }
0xec: {  	v3 =	vld [tilespmem:s10+$0x50]  }
0xed: {  	[tilespmem:s10+$0x40] =	vst v2  }
0xee: {  	v2 =	vld [tilespmem:s31+$0x50];
	_ =	sdelay $0x4  }
0xef: {  	v2 =	vadd.f32 v2, v3  }
0xf0: {  	v3 =	vld [tilespmem:s10+$0x60]  }
0xf1: {  	[tilespmem:s10+$0x50] =	vst v2  }
0xf2: {  	v2 =	vld [tilespmem:s31+$0x60];
	_ =	sdelay $0x4  }
0xf3: {  	v2 =	vadd.f32 v2, v3  }
0xf4: {  	v3 =	vld [tilespmem:s10+$0x70]  }
0xf5: {  	[tilespmem:s10+$0x60] =	vst v2  }
0xf6: {  	v2 =	vld [tilespmem:s31+$0x70];
	_ =	sdelay $0x3  }
.Ltmp0:
0xf7: {  	(pc) =	sbr.rel @p0 .LBB2_3-.Ltmp0, $4  }
0xf8: {  	v3 =	vadd.f32 v2, v3  }
0xf9: {  	v2 =	vld [tilespmem:s10+$0x80]  }
0xfa: {  	[tilespmem:s10+$0x70] =	vst v3  }
0xfb: {  	v3 =	vld [tilespmem:s31+$0x80]  }
0xfc: {  	_ =	sdelay $0x3  }
0xfd: {  	v2 =	vadd.f32 v3, v2  }
0xfe: {  	s10 =	sshll.u32 s22, $0x1  }
0xff: {  	s16 =	smul.u32 $0x22, s22;
	s19 =	simm.s32 $0x600;
	s10 =	sadd.s32 s11, s10;
	[tilespmem:s21+$0x80] =	vst v2  }
0x100: {  	[hbm4b:s10+s2] =	stream.linear.scatter [tilespmem:s19], [sflag:$0x9], $0x400, $0x38;
	[tilespmem:$0x12400] =	vst v63  }
0x101: {  	p0 =	seq.s32 s28, $0xF;
	s10 =	rddreg [dreg:$0x9]  }
0x102: {  	s22 =	simm.s32 $0xA00;
	s21 =	sadd.s32 s12, s16;
	s10 =	sadd.s32 @!p0 s15, s10  }
0x103: {  	[hbm4b:s21+s2] =	stream.linear.scatter [tilespmem:s22], [sflag:$0xA], $0x4400, $0x38;
	[tilespmem:$0x12400] =	vst v63  }
0x104: {  	s19 =	sshrl.u32 @!p0 s10, $0x3  }
0x105: {  	s15 =	simm.s32 @!p0 $0x0;
	s10 =	sadd.s32 @!p0 s5, s19  }
0x106: {  	[tilespmem:s15], [sflag:$0x1] =	stream.linear.gather @!p0 [hbm4b:s10+s15], $0x40, $0x38;
	[tilespmem:$0x12400] =	vst v63  }
0x107: {  	s16 =	sadd.s32 @!p0 s6, s19;
	s10 =	simm.s32 @!p0 $0x40  }
0x108: {  	[tilespmem:s10], [sflag:$0x2] =	stream.linear.gather @!p0 [hbm4b:s16+s15], $0x40, $0x38;
	[tilespmem:$0x12400] =	vst v63  }
0x109: {  	s21 =	sadd.s32 @!p0 s7, s19;
	s16 =	simm.s32 @!p0 $0x80  }
0x10a: {  	[tilespmem:s16], [sflag:$0x3] =	stream.linear.gather @!p0 [hbm4b:s21+s15], $0x40, $0x38;
	[tilespmem:$0x12400] =	vst v63  }
0x10b: {  	s19 =	sadd.s32 @!p0 s23, s19;
	s21 =	simm.s32 @!p0 $0xC0  }
0x10c: {  	[tilespmem:s21], [sflag:$0x4] =	stream.linear.gather @!p0 [hbm4b:s19+s15], $0x40, $0x38;
	[tilespmem:$0x12400] =	vst v63  }
0x10d: {  	_ =	swait.ge [sflag:s30], $0x40  }
0x10e: {  	[sflag:s30] =	ssyncset.done $0x0  }
0x10f: {  	[sflag:s30] =	ssyncadd.s32 $0xFFFFFFC0  }
0x110: {  	_ =	swait.ge [sflag:s1], $0x40  }
0x111: {  	[sflag:s1] =	ssyncset.done $0x0  }
0x112: {  	[sflag:s1] =	ssyncadd.s32 $0xFFFFFFC0  }
0x113: {  	v2 =	vld [tilespmem:$0x9340]  }
0x114: {  	v3 =	vld [tilespmem:$0x9300]  }
0x115: {  	v6 =	vld [tilespmem:$0x9350]  }
0x116: {  	v9 =	vld [tilespmem:$0x9360]  }
0x117: {  	v5 =	vld [tilespmem:$0x9310]  }
0x118: {  	v4 =	vor.u32 s29, v0;
	s31 =	sor.u32 $0x10, s29  }
0x119: {  	v4 =	vand.u32 $0x7F, v4;
	v8 =	vor.u32 s31, v0;
	v7 =	vld [tilespmem:$0x9320]  }
0x11a: {  	v4 =	vor.u32 $0x10000, v4;
	vm0 =	vgt.s32 v2, $0x0;
	v2 =	vadd.s32 $0xFFFFFFFF, v2  }
0x11b: {  	v10 =	vld [tilespmem:$0x9370];
	v3 =	vadd.s32 $0xFFFFFFFF, v3;
	vm13 =	vgt.s32 v6, $0x0;
	vm14 =	vgt.s32 v9, $0x0  }
0x11c: {  	s22 =	smov.u32 s23;
	s23 =	sor.u32 $0x20, s29;
	v63 =	vld [tilespmem:$0x9330];
	v2 =	vsel vm0, v2, v4;
	v4 =	vand.u32 $0x7F, v8;
	[tilespmem:$0x9380] =	vst v3;
	v3 =	vadd.s32 $0xFFFFFFFF, v5  }
0x11d: {  	v5 =	vor.u32 s23, v0;
	v4 =	vor.u32 $0x10000, v4;
	[tilespmem:$0x93C0] =	vst v2;
	v2 =	vadd.s32 $0xFFFFFFFF, v6  }
0x11e: {  	s31 =	sor.u32 $0x30, s29;
	v5 =	vand.u32 $0x7F, v5;
	[tilespmem:$0x9390] =	vst v3;
	v3 =	vadd.s32 $0xFFFFFFFF, v7;
	v2 =	vsel vm13, v2, v4  }
0x11f: {  	v4 =	vor.u32 $0x10000, v5;
	v5 =	vor.u32 s31, v0;
	[tilespmem:$0x93D0] =	vst v2;
	v2 =	vadd.s32 $0xFFFFFFFF, v9  }
0x120: {  	vm15 =	vgt.s32 v10, $0x0;
	[tilespmem:$0x93A0] =	vst v3;
	v2 =	vsel vm14, v2, v4;
	v4 =	vand.u32 $0x7F, v5  }
0x121: {  	v3 =	vadd.s32 $0xFFFFFFFF, v63;
	[tilespmem:$0x93E0] =	vst v2;
	v2 =	vor.u32 $0x10000, v4;
	v4 =	vadd.s32 $0xFFFFFFFF, v10  }
0x122: {  	[tilespmem:$0x93B0] =	vst v3;
	v2 =	vsel vm15, v4, v2  }
0x123: {  	s23 =	simm.s32 $0x9380;
	s31 =	simm.s32 $0x9400;
	[tilespmem:$0x93F0] =	vst v2  }
0x124: {  	[tilespmem:s31], [sflag:$0x13] =	stream.indirect.gather [hbm4b:s8+s20], $0x10, s23, s20, $0xb8;
	[tilespmem:$0x12400] =	vst v63  }
0x125: {  	s19 =	simm.s32 @!p0 $0x9;
	s31 =	simm.s32 $0x93C0;
	s23 =	simm.s32 $0x9800  }
0x126: {  	[tilespmem:s23], [sflag:$0x14] =	stream.indirect.gather [hbm4b:s8+s20], $0x10, s31, s20, $0xb8;
	[tilespmem:$0x12400] =	vst v63  }
0x127: {  	_ =	swait.ge @!p0 [sflag:s19], $0x400  }
0x128: {  	[sflag:s19] =	ssyncset.done @!p0 $0x0  }
0x129: {  	[sflag:s19] =	ssyncadd.s32 @!p0 $0xFFFFFC00;
	s19 =	simm.s32 @!p0 $0xA  }
0x12a: {  	_ =	swait.ge @!p0 [sflag:s19], $0x4400  }
0x12b: {  	[sflag:s19] =	ssyncset.done @!p0 $0x0  }
0x12c: {  	[sflag:s19] =	ssyncadd.s32 @!p0 $0xFFFFBC00;
	s19 =	simm.s32 @!p0 $0x1  }
0x12d: {  	_ =	swait.ge @!p0 [sflag:s19], $0x40  }
0x12e: {  	[sflag:s19] =	ssyncset.done @!p0 $0x0  }
0x12f: {  	[sflag:s19] =	ssyncadd.s32 @!p0 $0xFFFFFFC0;
	s19 =	simm.s32 @!p0 $0x2  }
0x130: {  	_ =	swait.ge @!p0 [sflag:s19], $0x40  }
0x131: {  	[sflag:s19] =	ssyncset.done @!p0 $0x0  }
0x132: {  	[sflag:s19] =	ssyncadd.s32 @!p0 $0xFFFFFFC0;
	s19 =	simm.s32 @!p0 $0x3  }
0x133: {  	_ =	swait.ge @!p0 [sflag:s19], $0x40  }
0x134: {  	[sflag:s19] =	ssyncset.done @!p0 $0x0  }
0x135: {  	[sflag:s19] =	ssyncadd.s32 @!p0 $0xFFFFFFC0;
	s19 =	simm.s32 @!p0 $0x4  }
0x136: {  	_ =	swait.ge @!p0 [sflag:s19], $0x40  }
0x137: {  	[sflag:s19] =	ssyncset.done @!p0 $0x0  }
0x138: {  	[sflag:s19] =	ssyncadd.s32 @!p0 $0xFFFFFFC0;
	s19 =	simm.s32 @!p0 $0x100  }
0x139: {  	[tilespmem:s19], [sflag:$0x5] =	stream.indirect.gather @!p0 [hbm4b:s3+s10], $0x1, s15, s10, $0xb8;
	[tilespmem:$0x12400] =	vst v63  }
0x13a: {  	s15 =	simm.s32 @!p0 $0x140  }
0x13b: {  	[tilespmem:s15], [sflag:$0x6] =	stream.indirect.gather @!p0 [hbm4b:s3+s10], $0x1, s10, s10, $0xb8;
	[tilespmem:$0x12400] =	vst v63  }
0x13c: {  	s15 =	simm.s32 @!p0 $0xA00  }
0x13d: {  	[tilespmem:s15], [sflag:$0xB] =	stream.indirect.gather @!p0 [hbm4b:s9+s10], $0x110, s16, s10, $0xb8;
	[tilespmem:$0x12400] =	vst v63  }
0x13e: {  	s15 =	simm.s32 @!p0 $0x4E00  }
0x13f: {  	[tilespmem:s15], [sflag:$0xC] =	stream.indirect.gather @!p0 [hbm4b:s9+s10], $0x110, s21, s10, $0xb8;
	[tilespmem:$0x12400] =	vst v63  }
0x140: {  	_ =	swait.ge [sflag:s17], $0x400  }
0x141: {  	[sflag:s17] =	ssyncset.done $0x0  }
0x142: {  	[sflag:s17] =	ssyncadd.s32 $0xFFFFFC00  }
0x143: {  	_ =	swait.ge [sflag:s18], $0x400  }
0x144: {  	[sflag:s18] =	ssyncset.done $0x0  }
0x145: {  	[sflag:s18] =	ssyncadd.s32 $0xFFFFFC00  }
0x146: {  	_ =	swait.ge [sflag:s0], $0x4400  }
0x147: {  	[sflag:s0] =	ssyncset.done $0x0  }
0x148: {  	[sflag:s0] =	ssyncadd.s32 $0xFFFFBC00  }
0x149: {  	_ =	swait.ge [sflag:s4], $0x4400  }
0x14a: {  	[sflag:s4] =	ssyncset.done $0x0  }
0x14b: {  	s31 =	simm.s32 $0x0;
	[sflag:s4] =	ssyncadd.s32 $0xFFFFBC00  }
0x14c: {  	v2 =	vld [tilespmem:s31+$0x9400]  }
0x14d: {  	v3 =	vld [tilespmem:s31+$0x9800];
	_ =	sdelay $0x4  }
0x14e: {  	v2 =	vadd.f32 v3, v2;
	_ =	sdelay $0x1  }
0x14f: {  	v2 =	vmul.f32 $5.000000000e-01, v2;
	_ =	sdelay $0x1  }
0x150: {  	s10 =	simm.s32 $0x9C80;
	[tilespmem:s31+$0x9800] =	vst v2  }
0x151: {  	s15 =	simm.s32 $0xE080;
	v2 =	vld [tilespmem:s10+$0xFFFFFF80]  }
0x152: {  	v3 =	vld [tilespmem:s15+$0xFFFFFF80];
	_ =	sdelay $0x4  }
0x153: {  	v2 =	vadd.f32 v3, v2;
	_ =	sdelay $0x1  }
0x154: {  	v3 =	vld [tilespmem:s10+$0xFFFFFF90];
	[tilespmem:s10+$0xFFFFFF80] =	vst v2  }
0x155: {  	v2 =	vld [tilespmem:s15+$0xFFFFFF90];
	_ =	sdelay $0x4  }
0x156: {  	v2 =	vadd.f32 v2, v3;
	_ =	sdelay $0x1  }
0x157: {  	v3 =	vld [tilespmem:s10+$0xFFFFFFA0];
	[tilespmem:s10+$0xFFFFFF90] =	vst v2  }
0x158: {  	v2 =	vld [tilespmem:s15+$0xFFFFFFA0];
	_ =	sdelay $0x4  }
0x159: {  	v2 =	vadd.f32 v2, v3;
	_ =	sdelay $0x1  }
0x15a: {  	v3 =	vld [tilespmem:s10+$0xFFFFFFB0];
	[tilespmem:s10+$0xFFFFFFA0] =	vst v2  }
0x15b: {  	v2 =	vld [tilespmem:s15+$0xFFFFFFB0];
	_ =	sdelay $0x4  }
0x15c: {  	v2 =	vadd.f32 v2, v3;
	_ =	sdelay $0x1  }
0x15d: {  	v3 =	vld [tilespmem:s10+$0xFFFFFFC0];
	[tilespmem:s10+$0xFFFFFFB0] =	vst v2  }
0x15e: {  	v2 =	vld [tilespmem:s15+$0xFFFFFFC0];
	_ =	sdelay $0x4  }
0x15f: {  	v2 =	vadd.f32 v2, v3;
	_ =	sdelay $0x1  }
0x160: {  	v3 =	vld [tilespmem:s10+$0xFFFFFFD0];
	[tilespmem:s10+$0xFFFFFFC0] =	vst v2  }
0x161: {  	v2 =	vld [tilespmem:s15+$0xFFFFFFD0];
	_ =	sdelay $0x4  }
0x162: {  	v2 =	vadd.f32 v2, v3;
	_ =	sdelay $0x1  }
0x163: {  	v3 =	vld [tilespmem:s10+$0xFFFFFFE0];
	[tilespmem:s10+$0xFFFFFFD0] =	vst v2  }
0x164: {  	v2 =	vld [tilespmem:s15+$0xFFFFFFE0];
	_ =	sdelay $0x4  }
0x165: {  	v2 =	vadd.f32 v2, v3;
	_ =	sdelay $0x1  }
0x166: {  	v3 =	vld [tilespmem:s10+$0xFFFFFFF0];
	[tilespmem:s10+$0xFFFFFFE0] =	vst v2  }
0x167: {  	v2 =	vld [tilespmem:s15+$0xFFFFFFF0];
	_ =	sdelay $0x4  }
0x168: {  	v2 =	vadd.f32 v2, v3;
	_ =	sdelay $0x1  }
0x169: {  	v3 =	vld [tilespmem:s10+$0x0];
	[tilespmem:s10+$0xFFFFFFF0] =	vst v2  }
0x16a: {  	v2 =	vld [tilespmem:s15+$0x0];
	_ =	sdelay $0x4  }
0x16b: {  	v2 =	vadd.f32 v2, v3;
	_ =	sdelay $0x1  }
0x16c: {  	v3 =	vld [tilespmem:s10+$0x10];
	[tilespmem:s10+$0x0] =	vst v2  }
0x16d: {  	v2 =	vld [tilespmem:s15+$0x10];
	_ =	sdelay $0x4  }
0x16e: {  	v2 =	vadd.f32 v2, v3;
	_ =	sdelay $0x1  }
0x16f: {  	v3 =	vld [tilespmem:s10+$0x20];
	[tilespmem:s10+$0x10] =	vst v2  }
0x170: {  	v2 =	vld [tilespmem:s15+$0x20];
	_ =	sdelay $0x4  }
0x171: {  	v2 =	vadd.f32 v2, v3;
	_ =	sdelay $0x1  }
0x172: {  	v3 =	vld [tilespmem:s10+$0x30];
	[tilespmem:s10+$0x20] =	vst v2  }
0x173: {  	v2 =	vld [tilespmem:s15+$0x30];
	_ =	sdelay $0x4  }
0x174: {  	v2 =	vadd.f32 v2, v3;
	_ =	sdelay $0x1  }
0x175: {  	v3 =	vld [tilespmem:s10+$0x40];
	[tilespmem:s10+$0x30] =	vst v2  }
0x176: {  	v2 =	vld [tilespmem:s15+$0x40];
	_ =	sdelay $0x4  }
0x177: {  	v2 =	vadd.f32 v2, v3;
	_ =	sdelay $0x1  }
0x178: {  	v3 =	vld [tilespmem:s10+$0x50];
	[tilespmem:s10+$0x40] =	vst v2  }
0x179: {  	v2 =	vld [tilespmem:s15+$0x50];
	_ =	sdelay $0x4  }
0x17a: {  	v2 =	vadd.f32 v2, v3;
	_ =	sdelay $0x1  }
0x17b: {  	v3 =	vld [tilespmem:s10+$0x60];
	[tilespmem:s10+$0x50] =	vst v2  }
0x17c: {  	v2 =	vld [tilespmem:s15+$0x60];
	_ =	sdelay $0x4  }
0x17d: {  	v2 =	vadd.f32 v2, v3;
	_ =	sdelay $0x1  }
0x17e: {  	v3 =	vld [tilespmem:s10+$0x70];
	[tilespmem:s10+$0x60] =	vst v2  }
0x17f: {  	v2 =	vld [tilespmem:s15+$0x70];
	_ =	sdelay $0x4  }
0x180: {  	v3 =	vadd.f32 v2, v3;
	_ =	sdelay $0x1  }
0x181: {  	v2 =	vld [tilespmem:s10+$0x80];
	[tilespmem:s10+$0x70] =	vst v3  }
0x182: {  	s16 =	simm.s32 $0x40;
	s21 =	simm.s32 $0x9C80;
	v3 =	vld [tilespmem:s15+$0x80]  }
.LBB2_5:
0x183: {  	_ =	sdelay $0x3  }
0x184: {  	p0 =	sne.s32 s16, $0xFC0;
	s10 =	sadd.s32 $0x110, s10;
	s15 =	sadd.s32 $0x110, s15;
	v2 =	vadd.f32 v3, v2  }
0x185: {  	s19 =	smov.u32 s16;
	s16 =	sadd.s32 $0x40, s16  }
0x186: {  	s19 =	sshra.s32 s19, $0x2;
	[tilespmem:s21+$0x80] =	vst v2;
	s21 =	smov.u32 s10  }
0x187: {  	v2 =	vld [tilespmem:s19+$0x9400]  }
0x188: {  	v3 =	vld [tilespmem:s19+$0x9800];
	_ =	sdelay $0x4  }
0x189: {  	v2 =	vadd.f32 v3, v2;
	_ =	sdelay $0x1  }
0x18a: {  	v2 =	vmul.f32 $5.000000000e-01, v2;
	_ =	sdelay $0x1  }
0x18b: {  	[tilespmem:s19+$0x9800] =	vst v2  }
0x18c: {  	v2 =	vld [tilespmem:s10+$0xFFFFFF80]  }
0x18d: {  	v3 =	vld [tilespmem:s15+$0xFFFFFF80];
	_ =	sdelay $0x4  }
0x18e: {  	v2 =	vadd.f32 v3, v2  }
0x18f: {  	v3 =	vld [tilespmem:s10+$0xFFFFFF90]  }
0x190: {  	[tilespmem:s10+$0xFFFFFF80] =	vst v2  }
0x191: {  	v2 =	vld [tilespmem:s15+$0xFFFFFF90];
	_ =	sdelay $0x4  }
0x192: {  	v2 =	vadd.f32 v2, v3  }
0x193: {  	v3 =	vld [tilespmem:s10+$0xFFFFFFA0]  }
0x194: {  	[tilespmem:s10+$0xFFFFFF90] =	vst v2  }
0x195: {  	v2 =	vld [tilespmem:s15+$0xFFFFFFA0];
	_ =	sdelay $0x4  }
0x196: {  	v2 =	vadd.f32 v2, v3  }
0x197: {  	v3 =	vld [tilespmem:s10+$0xFFFFFFB0]  }
0x198: {  	[tilespmem:s10+$0xFFFFFFA0] =	vst v2  }
0x199: {  	v2 =	vld [tilespmem:s15+$0xFFFFFFB0];
	_ =	sdelay $0x4  }
0x19a: {  	v2 =	vadd.f32 v2, v3  }
0x19b: {  	v3 =	vld [tilespmem:s10+$0xFFFFFFC0]  }
0x19c: {  	[tilespmem:s10+$0xFFFFFFB0] =	vst v2  }
0x19d: {  	v2 =	vld [tilespmem:s15+$0xFFFFFFC0];
	_ =	sdelay $0x4  }
0x19e: {  	v2 =	vadd.f32 v2, v3  }
0x19f: {  	v3 =	vld [tilespmem:s10+$0xFFFFFFD0]  }
0x1a0: {  	[tilespmem:s10+$0xFFFFFFC0] =	vst v2  }
0x1a1: {  	v2 =	vld [tilespmem:s15+$0xFFFFFFD0];
	_ =	sdelay $0x4  }
0x1a2: {  	v2 =	vadd.f32 v2, v3  }
0x1a3: {  	v3 =	vld [tilespmem:s10+$0xFFFFFFE0]  }
0x1a4: {  	[tilespmem:s10+$0xFFFFFFD0] =	vst v2  }
0x1a5: {  	v2 =	vld [tilespmem:s15+$0xFFFFFFE0];
	_ =	sdelay $0x4  }
0x1a6: {  	v2 =	vadd.f32 v2, v3  }
0x1a7: {  	v3 =	vld [tilespmem:s10+$0xFFFFFFF0]  }
0x1a8: {  	[tilespmem:s10+$0xFFFFFFE0] =	vst v2  }
0x1a9: {  	v2 =	vld [tilespmem:s15+$0xFFFFFFF0];
	_ =	sdelay $0x4  }
0x1aa: {  	v2 =	vadd.f32 v2, v3  }
0x1ab: {  	v3 =	vld [tilespmem:s10+$0x0]  }
0x1ac: {  	[tilespmem:s10+$0xFFFFFFF0] =	vst v2  }
0x1ad: {  	v2 =	vld [tilespmem:s15+$0x0];
	_ =	sdelay $0x4  }
0x1ae: {  	v2 =	vadd.f32 v2, v3  }
0x1af: {  	v3 =	vld [tilespmem:s10+$0x10]  }
0x1b0: {  	[tilespmem:s10+$0x0] =	vst v2  }
0x1b1: {  	v2 =	vld [tilespmem:s15+$0x10];
	_ =	sdelay $0x4  }
0x1b2: {  	v2 =	vadd.f32 v2, v3  }
0x1b3: {  	v3 =	vld [tilespmem:s10+$0x20]  }
0x1b4: {  	[tilespmem:s10+$0x10] =	vst v2  }
0x1b5: {  	v2 =	vld [tilespmem:s15+$0x20];
	_ =	sdelay $0x4  }
0x1b6: {  	v2 =	vadd.f32 v2, v3  }
0x1b7: {  	v3 =	vld [tilespmem:s10+$0x30]  }
0x1b8: {  	[tilespmem:s10+$0x20] =	vst v2  }
0x1b9: {  	v2 =	vld [tilespmem:s15+$0x30];
	_ =	sdelay $0x4  }
0x1ba: {  	v2 =	vadd.f32 v2, v3  }
0x1bb: {  	v3 =	vld [tilespmem:s10+$0x40]  }
0x1bc: {  	[tilespmem:s10+$0x30] =	vst v2  }
0x1bd: {  	v2 =	vld [tilespmem:s15+$0x40];
	_ =	sdelay $0x4  }
0x1be: {  	v2 =	vadd.f32 v2, v3  }
0x1bf: {  	v3 =	vld [tilespmem:s10+$0x50]  }
0x1c0: {  	[tilespmem:s10+$0x40] =	vst v2  }
0x1c1: {  	v2 =	vld [tilespmem:s15+$0x50];
	_ =	sdelay $0x4  }
0x1c2: {  	v2 =	vadd.f32 v2, v3  }
0x1c3: {  	v3 =	vld [tilespmem:s10+$0x60]  }
0x1c4: {  	[tilespmem:s10+$0x50] =	vst v2  }
0x1c5: {  	v2 =	vld [tilespmem:s15+$0x60];
	_ =	sdelay $0x4  }
0x1c6: {  	v2 =	vadd.f32 v2, v3  }
0x1c7: {  	v3 =	vld [tilespmem:s10+$0x70]  }
0x1c8: {  	[tilespmem:s10+$0x60] =	vst v2  }
0x1c9: {  	v2 =	vld [tilespmem:s15+$0x70];
	_ =	sdelay $0x3  }
.Ltmp1:
0x1ca: {  	(pc) =	sbr.rel @p0 .LBB2_5-.Ltmp1, $4  }
0x1cb: {  	v3 =	vadd.f32 v2, v3  }
0x1cc: {  	v2 =	vld [tilespmem:s10+$0x80]  }
0x1cd: {  	[tilespmem:s10+$0x70] =	vst v3  }
0x1ce: {  	v3 =	vld [tilespmem:s15+$0x80]  }
0x1cf: {  	_ =	sdelay $0x2  }
0x1d0: {  	s28 =	sadd.s32 $0x1, s28  }
0x1d1: {  	p0 =	sne.s32 s28, $0x10;
	v2 =	vadd.f32 v3, v2  }
.Ltmp2:
0x1d2: {  	s10 =	sshll.u32 s29, $0x1;
	(pc) =	sbr.rel @p0 .LBB2_2-.Ltmp2, $4  }
0x1d3: {  	s15 =	smul.u32 $0x22, s29;
	s10 =	sadd.s32 s11, s10;
	[tilespmem:s21+$0x80] =	vst v2  }
0x1d4: {  	[hbm4b:s10+s2] =	stream.linear.scatter [tilespmem:s23], [sflag:$0x15], $0x400, $0x38;
	[tilespmem:$0x12400] =	vst v63  }
0x1d5: {  	s31 =	sadd.s32 s12, s15  }
0x1d6: {  	[hbm4b:s31+s2] =	stream.linear.scatter [tilespmem:s24], [sflag:$0x16], $0x4400, $0x38;
	[tilespmem:$0x12400] =	vst v63  }
0x1d7: {  	s10 =	simm.s32 $0x9  }
0x1d8: {  	_ =	swait.ge [sflag:s10], $0x400  }
0x1d9: {  	[sflag:s10] =	ssyncset.done $0x0  }
0x1da: {  	s28 =	simm.s32 $0xA;
	[sflag:s10] =	ssyncadd.s32 $0xFFFFFC00  }
0x1db: {  	_ =	swait.ge [sflag:s28], $0x4400  }
0x1dc: {  	[sflag:s28] =	ssyncset.done $0x0  }
0x1dd: {  	s29 =	simm.s32 $0x15;
	[sflag:s28] =	ssyncadd.s32 $0xFFFFBC00  }
0x1de: {  	_ =	swait.ge [sflag:s29], $0x400  }
0x1df: {  	[sflag:s29] =	ssyncset.done $0x0  }
0x1e0: {  	s15 =	simm.s32 $0x16;
	[sflag:s29] =	ssyncadd.s32 $0xFFFFFC00  }
0x1e1: {  	_ =	swait.ge [sflag:s15], $0x4400  }
0x1e2: {  	s16 =	rddreg [dreg:$0xb]  }
0x1e3: {  	s31 =	rddreg [dreg:$0xa];
	s16 =	sadd.s32 $0x1, s16  }
0x1e4: {  	p0 =	sne.s32 s16, s31  }
.Ltmp3:
0x1e5: {  	_ = 	snop;
	(pc) =	sbr.rel @p0 .LBB2_1-.Ltmp3, $3  }
0x1e6: {  	_ =	sdelay $0x1  }
0x1e7: {  	[sflag:s15] =	ssyncset.done $0x0  }
0x1e8: {  	[sflag:s15] =	ssyncadd.s32 $0xFFFFBC00  }
0x1e9: {  	_ =	sfence.sel $0x180000  }
0x1ea: {  	[bflag:$0x0] =	sbarrier.arrive $0xFFFF  }
0x1eb: {  	_ =	strace $0x9000004A  }
0x1ec: {  	s0 =	stileid.u32;
	[bflag:$0x2] =	sbarrier.arrive $0xFFFF  }
0x1ed: {  	p0 =	sne.s32 s0, $0x0;
	s0 =	rddreg [dreg:$0x2]  }
0x1ee: {  	s0 =	sadd.s32 @!p0 $0x100000, s0  }
0x1ef: {  	[sflag:s0] =	ssyncadd.tile.s32 @!p0 $0x1;
	_ =	shalt  }
.Lfunc_end2:
_tile_overlayer_lowered:
.L_overlay_start_2:
0x1f0: {  	(tag) =	ssettag $0x2  }
0x1f1: {  	s0 =	rddreg [dreg:$0x0];
	s2 =	stileid.u32  }
0x1f2: {  	s1 =	rddreg [dreg:$0x1];
	p0 =	sne.s32 s2, $0x0  }
0x1f3: {  	s3 =	rddreg [dreg:$0x2];
	[bflag:$0x3] =	sbarrier.arrive $0xFFFF;
	s2 =	simm.s32 @!p0 $0x1C19  }
0x1f4: {  	[timem:s3], [sflag:s2] =	dma.local @!p0 [hbm:s0], s1  }
0x1f5: {  	s0 =	simm.s32 @!p0 $0x19  }
0x1f6: {  	_ =	swait.ge @!p0 [sflag:s0], s1  }
0x1f7: {  	s1 =	ssub.s32 @!p0 $0x0, s1;
	[sflag:s0] =	ssyncset.done @!p0 $0x0  }
0x1f8: {  	[sflag:s0] =	ssyncadd.s32 @!p0 s1  }
0x1f9: {  	[bflag:$0x3] =	sbarrier.arrive $0xFFFF  }
0x1fa: {  	_ =	shalt  }

</sc_bundles>
